<compile_context>
chip_gen: v7x
topology: tpu7x:2x2x1
jax: 0.10.2.dev20260603
libtpu: 0.0.44.dev20260713+nightly
codegen_flags: <defaults>
</compile_context>

<pallas_src>
import dataclasses
import functools

import jax
import jax.numpy as jnp
from jax import lax
from jax.experimental import pallas as pl
from jax.experimental.pallas import tpu as pltpu
from jax.experimental.pallas import tpu_sc as plsc

N = 10000
E = 320000
D = 128
H = 128

NC = 2
NS = 16
NW = NC * NS

CH = 64
NCHUNK = 156
CHT = 16
EPT = E // NW

N_PAD = 10240
RPT = N_PAD // NS

_mesh = plsc.VectorSubcoreMesh(core_axis_name="c", subcore_axis_name="s")


def _sc_aggregate(with_counts):
    out_type = [jax.ShapeDtypeStruct((NC * N_PAD, D), jnp.float32)]
    if with_counts:
        out_type.append(jax.ShapeDtypeStruct((NW, N_PAD), jnp.float32))
    scratch = (
        [pltpu.VMEM((1, CH), jnp.int32)] * 4 +
        [pltpu.VMEM((1, CH), jnp.int32)] * 4 +
        [pltpu.VMEM((CH, D), jnp.float32)] * 4 +
        [pltpu.VMEM((1, CHT), jnp.int32)] * 2 +
        [pltpu.VMEM((CHT, D), jnp.float32)] +
        [pltpu.VMEM_SHARED((N_PAD, D), jnp.float32)] +
        [pltpu.SemaphoreType.DMA] * 12
    )
    if with_counts:
        scratch.append(pltpu.VMEM((N_PAD,), jnp.float32))
        cp = pltpu.CompilerParams()
        if "needs_layout_passes" in pltpu.CompilerParams.__dataclass_fields__:
            cp = dataclasses.replace(cp, needs_layout_passes=False)
    else:
        cp = None

    @functools.partial(pl.kernel, out_type=out_type, mesh=_mesh,
                       scratch_types=scratch, compiler_params=cp)
    def body(x_hbm, src_hbm, dst_hbm, srct_hbm, dstt_hbm, zf_hbm, zc_hbm,
             *rest):
        if with_counts:
            sum_out, cnt_out = rest[:2]
            rr = rest[2:]
            hist = rr[28]
        else:
            sum_out = rest[0]
            rr = rest[1:]
        srcs = list(rr[0:4])
        dsts = list(rr[4:8])
        rows = list(rr[8:12])
        src_t, dst_t, rows_t = rr[12:15]
        accf = rr[15]
        gsem = list(rr[16:20])
        ssem = list(rr[20:24])
        isem = list(rr[24:28])
        rows0 = rows[0]
        c = lax.axis_index("c")
        s = lax.axis_index("s")
        wid = s * NC + c
        r0 = s * RPT

        if with_counts:
            pltpu.sync_copy(zc_hbm, hist)

        pltpu.sync_copy(zf_hbm, rows0)

        @pl.loop(0, RPT // CH)
        def _(j):
            pltpu.async_copy(rows0, accf.at[pl.ds(r0 + j * CH, CH)],
                             gsem[0])

        @pl.loop(0, RPT // CH)
        def _(j):
            pltpu.make_async_copy(
                rows0, accf.at[pl.ds(r0, CH)], gsem[0]).wait()

        plsc.subcore_barrier()

        def _hist_update(dst_b):
            if with_counts:
                for j in range(CH // 16):
                    idx16 = dst_b[0, pl.ds(j * 16, 16)]
                    plsc.addupdate_scatter(
                        hist, [idx16], jnp.full((16,), 1.0, jnp.float32))

        base = wid * NCHUNK

        def _wait_scatter(b):
            pltpu.make_async_copy(
                rows[b], accf.at[dsts[b].at[0]], ssem[b]).wait()

        def _half(k, P):
            Q = (P + 1) % 4
            Rb = (P + 2) % 4

            @pl.when(k + 1 < NCHUNK)
            def _():
                pltpu.make_async_copy(
                    src_hbm.at[base + k + 1], srcs[Q], isem[Q]).wait()
                pltpu.make_async_copy(
                    dst_hbm.at[base + k + 1], dsts[Q], isem[Q]).wait()
                pltpu.async_copy(x_hbm.at[srcs[Q].at[0]], rows[Q], gsem[Q])

            pltpu.make_async_copy(
                x_hbm.at[srcs[P].at[0]], rows[P], gsem[P]).wait()
            pltpu.async_copy(rows[P], accf.at[dsts[P].at[0]], ssem[P],
                             add=True)
            _hist_update(dsts[P])

            @pl.when(k + 2 < NCHUNK)
            def _():
                @pl.when(k >= 2)
                def _():
                    _wait_scatter(Rb)
                pltpu.async_copy(src_hbm.at[base + k + 2], srcs[Rb],
                                 isem[Rb])
                pltpu.async_copy(dst_hbm.at[base + k + 2], dsts[Rb],
                                 isem[Rb])

        pltpu.sync_copy(src_hbm.at[base], srcs[0])
        pltpu.sync_copy(dst_hbm.at[base], dsts[0])
        pltpu.async_copy(x_hbm.at[srcs[0].at[0]], rows[0], gsem[0])
        pltpu.async_copy(src_hbm.at[base + 1], srcs[1], isem[1])
        pltpu.async_copy(dst_hbm.at[base + 1], dsts[1], isem[1])

        @pl.loop(0, NCHUNK, step=4)
        def _(k):
            _half(k, 0)
            _half(k + 1, 1)
            _half(k + 2, 2)
            _half(k + 3, 3)

        pltpu.sync_copy(srct_hbm.at[wid], src_t)
        pltpu.sync_copy(dstt_hbm.at[wid], dst_t)
        pltpu.sync_copy(x_hbm.at[src_t.at[0]], rows_t)
        pltpu.sync_copy(rows_t, accf.at[dst_t.at[0]], add=True)
        if with_counts:
            plsc.addupdate_scatter(hist, [dst_t[0, pl.ds(0, CHT)]],
                                   jnp.full((CHT,), 1.0, jnp.float32))

        _wait_scatter((NCHUNK - 4) % 4)
        _wait_scatter((NCHUNK - 3) % 4)
        _wait_scatter((NCHUNK - 2) % 4)
        _wait_scatter((NCHUNK - 1) % 4)

        plsc.subcore_barrier()

        o0 = c * N_PAD + r0

        rows1 = rows[1]

        @pl.loop(0, RPT // CH, step=2)
        def _(j):
            @pl.when(j >= 2)
            def _():
                pltpu.make_async_copy(
                    rows0, sum_out.at[pl.ds(o0, CH)], gsem[0]).wait()
                pltpu.make_async_copy(
                    rows1, sum_out.at[pl.ds(o0, CH)], gsem[1]).wait()
            pltpu.sync_copy(accf.at[pl.ds(r0 + j * CH, CH)], rows0)
            pltpu.async_copy(rows0, sum_out.at[pl.ds(o0 + j * CH, CH)],
                             gsem[0])
            pltpu.sync_copy(accf.at[pl.ds(r0 + (j + 1) * CH, CH)], rows1)
            pltpu.async_copy(rows1, sum_out.at[pl.ds(o0 + (j + 1) * CH, CH)],
                             gsem[1])

        pltpu.make_async_copy(
            rows0, sum_out.at[pl.ds(o0, CH)], gsem[0]).wait()
        pltpu.make_async_copy(
            rows1, sum_out.at[pl.ds(o0, CH)], gsem[1]).wait()

        if with_counts:
            pltpu.sync_copy(hist, cnt_out.at[wid])

    return body


_sc_agg_counts = _sc_aggregate(True)
_sc_agg = _sc_aggregate(False)


R = 1000
NBLK = N // R


def _dot_t(a, w):
    return lax.dot_general(a, w, (((1,), (1,)), ((), ())),
                           preferred_element_type=jnp.float32,
                           precision=lax.Precision.DEFAULT)


def _mean(sumr, cntblk):
    summed = sumr[0] + sumr[1]
    ones = jnp.ones((NW, 1), jnp.float32)
    cnt = lax.dot_general(cntblk, ones, (((1,), (0,)), ((), ())),
                          preferred_element_type=jnp.float32,
                          precision=lax.Precision.DEFAULT)
    return summed * (1.0 / jnp.maximum(cnt, 1.0))


def _tc1_body(sumr, cntr, x, wl, wr, b, h1_out):
    mean = _mean(sumr[...], cntr[...])
    h1_out[...] = jnp.maximum(
        _dot_t(mean, wl[...]) + _dot_t(x[...], wr[...]) + b[...], 0.0)


def _tc2_body(sumr, cntr, h1, wl, wr, b, wi, bi_bh, wo, bo, sig_out, hid_out):
    mean = _mean(sumr[...], cntr[...])
    h2 = _dot_t(mean, wl[...]) + _dot_t(h1[...], wr[...]) + b[...]
    hidden = jnp.tanh(_dot_t(h2, wi[...]) + bi_bh[...])
    hid_out[...] = hidden
    sig_out[...] = jax.nn.sigmoid(_dot_t(hidden, wo[...]) + bo[...])


_row_spec = pl.BlockSpec((R, D), lambda i: (i, 0))
_sum_spec = pl.BlockSpec((2, R, D), lambda i: (0, i, 0))
_cnt_spec = pl.BlockSpec((R, NW), lambda i: (i, 0))
_w_spec = pl.BlockSpec((H, D), lambda i: (0, 0))
_b_spec = pl.BlockSpec((1, H), lambda i: (0, 0))


def kernel(x, edge_index, W_l1, W_r1, b1, W_l2, W_r2, b2, Wi, bi, Wh, bh, Wo, bo):
    src2 = edge_index[0].reshape(NW, EPT)
    dst2 = edge_index[1].reshape(NW, EPT)
    src = src2[:, :NCHUNK * CH].reshape(NW * NCHUNK, 1, CH)
    dst = dst2[:, :NCHUNK * CH].reshape(NW * NCHUNK, 1, CH)
    src_t = src2[:, NCHUNK * CH:].reshape(NW, 1, CHT)
    dst_t = dst2[:, NCHUNK * CH:].reshape(NW, 1, CHT)
    zf = jnp.zeros((CH, D), jnp.float32)
    zc = jnp.zeros((N_PAD,), jnp.float32)

    sum1, cnt = _sc_agg_counts(x, src, dst, src_t, dst_t, zf, zc)
    sum1 = sum1.reshape(NC, N_PAD, D)
    cnt = cnt.T

    b1r = b1.reshape(1, H)
    h1 = pl.pallas_call(
        _tc1_body,
        grid=(NBLK,),
        in_specs=[_sum_spec, _cnt_spec, _row_spec, _w_spec, _w_spec, _b_spec],
        out_specs=_row_spec,
        out_shape=jax.ShapeDtypeStruct((N, H), jnp.float32),
    )(sum1, cnt, x, W_l1, W_r1, b1r)

    (sum2,) = _sc_agg(h1, src, dst, src_t, dst_t, zf, zc)
    sum2 = sum2.reshape(NC, N_PAD, D)

    sig, hidden = pl.pallas_call(
        _tc2_body,
        grid=(NBLK,),
        in_specs=[_sum_spec, _cnt_spec, _row_spec, _w_spec, _w_spec, _b_spec,
                  _w_spec, _b_spec, _w_spec, _b_spec],
        out_specs=[_row_spec, _row_spec],
        out_shape=[jax.ShapeDtypeStruct((N, H), jnp.float32),
                   jax.ShapeDtypeStruct((N, H), jnp.float32)],
    )(sum2, cnt, h1, W_l2, W_r2, b2.reshape(1, H), Wi,
      (bi + bh).reshape(1, H), Wo, bo.reshape(1, H))

    return (sig, hidden)

# --- scband reference (transcript-rebuilt; emitter-appended) ---
"""Pipeline reference for scband-edge-sagernn-14302241096332 (READ-ONLY COPY).

The authoritative reference and input builder live on the scoring server;
editing this copy changes nothing except your own understanding.
"""

import jax, jax.numpy as jnp
import numpy as np

N = 10000
E = 320000
D = 128
H = 128


def setup_inputs(seed: int = 0) -> dict:
    key = jax.random.key(seed)
    ks = jax.random.split(key, 16)
    x = jax.random.normal(ks[0], (N, D), dtype=jnp.float32)
    edge_index = jax.random.randint(ks[1], (2, E), 0, N, dtype=jnp.int32)
    s = 1.0 / np.sqrt(D)
    sh = 1.0 / np.sqrt(H)
    return {
        "x": x,
        "edge_index": edge_index,
        "W_l1": jax.random.normal(ks[2], (H, D), dtype=jnp.float32) * s,
        "W_r1": jax.random.normal(ks[3], (H, D), dtype=jnp.float32) * s,
        "b1": jnp.zeros((H,), dtype=jnp.float32),
        "W_l2": jax.random.normal(ks[4], (H, H), dtype=jnp.float32) * sh,
        "W_r2": jax.random.normal(ks[5], (H, H), dtype=jnp.float32) * sh,
        "b2": jnp.zeros((H,), dtype=jnp.float32),
        "Wi": jax.random.normal(ks[6], (H, H), dtype=jnp.float32) * sh,
        "bi": jnp.zeros((H,), dtype=jnp.float32),
        "Wh": jax.random.normal(ks[7], (H, H), dtype=jnp.float32) * sh,
        "bh": jnp.zeros((H,), dtype=jnp.float32),
        "Wo": jax.random.normal(ks[8], (H, H), dtype=jnp.float32) * sh,
        "bo": jnp.zeros((H,), dtype=jnp.float32),
    }


def _sage_conv(x, src, dst, W_l, W_r, b):
    # PyG SAGEConv (mean aggregation): out = lin_l(mean_{j in N(i)} x_j) + lin_r(x_i)
    msgs = x[src]  # gather source node features per edge
    summed = jax.ops.segment_sum(msgs, dst, num_segments=N)
    counts = jax.ops.segment_sum(jnp.ones((src.shape[0], 1), dtype=x.dtype), dst, num_segments=N)
    mean = summed / jnp.maximum(counts, 1.0)
    return mean @ W_l.T + b + x @ W_r.T


def reference(x, edge_index, W_l1, W_r1, b1, W_l2, W_r2, b2, Wi, bi, Wh, bh, Wo, bo):
    src = edge_index[0]
    dst = edge_index[1]
    h = _sage_conv(x, src, dst, W_l1, W_r1, b1)
    h = jax.nn.relu(h)
    # dropout omitted (eval mode / deterministic reference)
    h = _sage_conv(h, src, dst, W_l2, W_r2, b2)
    # RNN: note original forward resets hidden to zeros internally, so
    # h2h contributes only its bias bh.
    hidden = jnp.tanh(h @ Wi.T + bi + bh)
    out = hidden @ Wo.T + bo
    return (jax.nn.sigmoid(out), hidden)

if __name__ == "__main__":
    import jax
    _d = setup_inputs()
    print(jax.jit(kernel)(*tuple(_d.values())))

</pallas_src>

<mosaic_0001>
#map = affine_map<(d0, d1) -> (0, 0)>
#map1 = affine_map<(d0, d1) -> (0, 0, 0)>
#map2 = affine_map<(d0, d1) -> (0)>
module attributes {stable_mosaic.version = 14 : i64} {
  func.func @body(%arg0: i32, %arg1: i32, %arg2: memref<10000x128xf32, #tpu.memory_space<hbm>>, %arg3: memref<4992x1x64xi32, #tpu.memory_space<hbm>>, %arg4: memref<4992x1x64xi32, #tpu.memory_space<hbm>>, %arg5: memref<32x1x16xi32, #tpu.memory_space<hbm>>, %arg6: memref<32x1x16xi32, #tpu.memory_space<hbm>>, %arg7: memref<64x128xf32, #tpu.memory_space<hbm>>, %arg8: memref<10240xf32, #tpu.memory_space<hbm>>, %arg9: memref<20480x128xf32, #tpu.memory_space<hbm>>, %arg10: memref<1x64xi32, #tpu.memory_space<vmem>>, %arg11: memref<1x64xi32, #tpu.memory_space<vmem>>, %arg12: memref<1x64xi32, #tpu.memory_space<vmem>>, %arg13: memref<1x64xi32, #tpu.memory_space<vmem>>, %arg14: memref<1x64xi32, #tpu.memory_space<vmem>>, %arg15: memref<1x64xi32, #tpu.memory_space<vmem>>, %arg16: memref<1x64xi32, #tpu.memory_space<vmem>>, %arg17: memref<1x64xi32, #tpu.memory_space<vmem>>, %arg18: memref<64x128xf32, #tpu.memory_space<vmem>>, %arg19: memref<64x128xf32, #tpu.memory_space<vmem>>, %arg20: memref<64x128xf32, #tpu.memory_space<vmem>>, %arg21: memref<64x128xf32, #tpu.memory_space<vmem>>, %arg22: memref<1x16xi32, #tpu.memory_space<vmem>>, %arg23: memref<1x16xi32, #tpu.memory_space<vmem>>, %arg24: memref<16x128xf32, #tpu.memory_space<vmem>>, %arg25: memref<10240x128xf32, #tpu.memory_space<vmem_shared>>, %arg26: memref<!tpu.dma_semaphore, #tpu.memory_space<semaphore_mem>>, %arg27: memref<!tpu.dma_semaphore, #tpu.memory_space<semaphore_mem>>, %arg28: memref<!tpu.dma_semaphore, #tpu.memory_space<semaphore_mem>>, %arg29: memref<!tpu.dma_semaphore, #tpu.memory_space<semaphore_mem>>, %arg30: memref<!tpu.dma_semaphore, #tpu.memory_space<semaphore_mem>>, %arg31: memref<!tpu.dma_semaphore, #tpu.memory_space<semaphore_mem>>, %arg32: memref<!tpu.dma_semaphore, #tpu.memory_space<semaphore_mem>>, %arg33: memref<!tpu.dma_semaphore, #tpu.memory_space<semaphore_mem>>, %arg34: memref<!tpu.dma_semaphore, #tpu.memory_space<semaphore_mem>>, %arg35: memref<!tpu.dma_semaphore, #tpu.memory_space<semaphore_mem>>, %arg36: memref<!tpu.dma_semaphore, #tpu.memory_space<semaphore_mem>>, %arg37: memref<!tpu.dma_semaphore, #tpu.memory_space<semaphore_mem>>) attributes {dimension_semantics = [#tpu.dimension_semantics<core_parallel>, #tpu.dimension_semantics<subcore_parallel>], iteration_bounds = array<i64: 2, 16>, scalar_prefetch = 0 : i64, scratch_operands = 28 : i64, tpu.core_type = #tpu.core_type<sc_vector_subcore>, window_params = [{transform_indices = #map}, {transform_indices = #map1}, {transform_indices = #map1}, {transform_indices = #map1}, {transform_indices = #map1}, {transform_indices = #map}, {transform_indices = #map2}, {transform_indices = #map}]} {
    %mul3A = arith.constant 2 : i32
    %mul3A_0 = arith.muli %arg1, %mul3A : i32
    %add3A = arith.addi %mul3A_0, %arg0 : i32
    %mul3A_1 = arith.constant 640 : i32
    %mul3A_2 = arith.muli %arg1, %mul3A_1 : i32
    "tpu.region"() ({
      %run_scoped3A_90 = tpu.sem_alloc : memref<!tpu.dma_semaphore, #tpu.memory_space<semaphore_mem>>
      tpu.enqueue_dma source(%arg7 : memref<64x128xf32, #tpu.memory_space<hbm>>) target(%arg18 : memref<64x128xf32, #tpu.memory_space<vmem>>) target_semaphore(%run_scoped3A_90 : memref<!tpu.dma_semaphore, #tpu.memory_space<semaphore_mem>>)
      tpu.wait_dma2 semaphore(%run_scoped3A_90 : memref<!tpu.dma_semaphore, #tpu.memory_space<semaphore_mem>>) src(%arg7 : memref<64x128xf32, #tpu.memory_space<hbm>>) dst(%arg18 : memref<64x128xf32, #tpu.memory_space<vmem>>)
      tpu.yield
    }) : () -> ()
    %scan3A = arith.constant 0 : i32
    %scan3A_3 = arith.constant 10 : i32
    %scan3A_4 = arith.addi %scan3A, %scan3A_3 : i32
    %scan3A_5 = arith.constant 1 : i32
    scf.for %scan3A_90 = %scan3A to %scan3A_4 step %scan3A_5  : i32 {
      %mul3A_91 = arith.constant 1 : i32
      %mul3A_92 = arith.muli %scan3A_90, %mul3A_91 : i32
      %add3A_93 = arith.constant 0 : i32
      %add3A_94 = arith.addi %add3A_93, %mul3A_92 : i32
      %mul3A_95 = arith.constant 64 : i32
      %mul3A_96 = arith.muli %add3A_94, %mul3A_95 : i32
      %add3A_97 = arith.addi %mul3A_2, %mul3A_96 : i32
      %dma_start3A_98 = arith.constant 0 : i32
      %dma_start3A_99 = tpu.memref_slice %arg25[%add3A_97, %dma_start3A_98] : memref<10240x128xf32, #tpu.memory_space<vmem_shared>> -> memref<64x128xf32, #tpu.memory_space<vmem_shared>>
      %dma_start3A_100 = arith.constant 0 : i32
      %dma_start3A_101 = tpu.memref_slice %arg25[%add3A_97, %dma_start3A_100] : memref<10240x128xf32, #tpu.memory_space<vmem_shared>> -> memref<64x128xf32, #tpu.memory_space<vmem_shared>>
      tpu.enqueue_dma source(%arg18 : memref<64x128xf32, #tpu.memory_space<vmem>>) target(%dma_start3A_101 : memref<64x128xf32, #tpu.memory_space<vmem_shared>>) target_semaphore(%arg26 : memref<!tpu.dma_semaphore, #tpu.memory_space<semaphore_mem>>)
    }
    %scan3A_6 = arith.constant 10 : i32
    %scan3A_7 = arith.constant 0 : i32
    %scan3A_8 = arith.constant 10 : i32
    %scan3A_9 = arith.addi %scan3A_7, %scan3A_8 : i32
    %scan3A_10 = arith.constant 1 : i32
    scf.for %scan3A_90 = %scan3A_7 to %scan3A_9 step %scan3A_10  : i32 {
      %mul3A_91 = arith.constant 1 : i32
      %mul3A_92 = arith.muli %scan3A_90, %mul3A_91 : i32
      %add3A_93 = arith.constant 0 : i32
      %add3A_94 = arith.addi %add3A_93, %mul3A_92 : i32
      %dma_wait3A_95 = arith.constant 0 : i32
      %dma_wait3A_96 = tpu.memref_slice %arg25[%mul3A_2, %dma_wait3A_95] : memref<10240x128xf32, #tpu.memory_space<vmem_shared>> -> memref<64x128xf32, #tpu.memory_space<vmem_shared>>
      %dma_wait3A_97 = arith.constant 0 : i32
      %dma_wait3A_98 = tpu.memref_slice %arg25[%mul3A_2, %dma_wait3A_97] : memref<10240x128xf32, #tpu.memory_space<vmem_shared>> -> memref<64x128xf32, #tpu.memory_space<vmem_shared>>
      tpu.wait_dma2 semaphore(%arg26 : memref<!tpu.dma_semaphore, #tpu.memory_space<semaphore_mem>>) src(%arg18 : memref<64x128xf32, #tpu.memory_space<vmem>>) dst(%dma_wait3A_98 : memref<64x128xf32, #tpu.memory_space<vmem_shared>>)
    }
    %scan3A_11 = arith.constant 10 : i32
    %barrier3A = arith.constant 0 : index
    tpu.barrier barrier_id(%barrier3A)
    %mul3A_12 = arith.constant 156 : i32
    %mul3A_13 = arith.muli %add3A, %mul3A_12 : i32
    "tpu.region"() ({
      %run_scoped3A_90 = tpu.sem_alloc : memref<!tpu.dma_semaphore, #tpu.memory_space<semaphore_mem>>
      %dma_start3A_91 = arith.constant 0 : i32
      %dma_start3A_92 = arith.constant 0 : i32
      %dma_start3A_93 = tpu.memref_slice %arg3[%mul3A_13, %dma_start3A_91, %dma_start3A_92] : memref<4992x1x64xi32, #tpu.memory_space<hbm>> -> memref<1x1x64xi32, #tpu.memory_space<hbm>>
      %dma_start3A_94 = tpu.memref_squeeze %dma_start3A_93 : memref<1x1x64xi32, #tpu.memory_space<hbm>> -> memref<1x64xi32, #tpu.memory_space<hbm>>
      %dma_start3A_95 = arith.constant 0 : i32
      %dma_start3A_96 = arith.constant 0 : i32
      %dma_start3A_97 = tpu.memref_slice %arg3[%mul3A_13, %dma_start3A_95, %dma_start3A_96] : memref<4992x1x64xi32, #tpu.memory_space<hbm>> -> memref<1x1x64xi32, #tpu.memory_space<hbm>>
      %dma_start3A_98 = tpu.memref_squeeze %dma_start3A_97 : memref<1x1x64xi32, #tpu.memory_space<hbm>> -> memref<1x64xi32, #tpu.memory_space<hbm>>
      tpu.enqueue_dma source(%dma_start3A_98 : memref<1x64xi32, #tpu.memory_space<hbm>>) target(%arg10 : memref<1x64xi32, #tpu.memory_space<vmem>>) target_semaphore(%run_scoped3A_90 : memref<!tpu.dma_semaphore, #tpu.memory_space<semaphore_mem>>)
      %dma_wait3A_99 = arith.constant 0 : i32
      %dma_wait3A_100 = arith.constant 0 : i32
      %dma_wait3A_101 = tpu.memref_slice %arg3[%mul3A_13, %dma_wait3A_99, %dma_wait3A_100] : memref<4992x1x64xi32, #tpu.memory_space<hbm>> -> memref<1x1x64xi32, #tpu.memory_space<hbm>>
      %dma_wait3A_102 = tpu.memref_squeeze %dma_wait3A_101 : memref<1x1x64xi32, #tpu.memory_space<hbm>> -> memref<1x64xi32, #tpu.memory_space<hbm>>
      %dma_wait3A_103 = arith.constant 0 : i32
      %dma_wait3A_104 = arith.constant 0 : i32
      %dma_wait3A_105 = tpu.memref_slice %arg3[%mul3A_13, %dma_wait3A_103, %dma_wait3A_104] : memref<4992x1x64xi32, #tpu.memory_space<hbm>> -> memref<1x1x64xi32, #tpu.memory_space<hbm>>
      %dma_wait3A_106 = tpu.memref_squeeze %dma_wait3A_105 : memref<1x1x64xi32, #tpu.memory_space<hbm>> -> memref<1x64xi32, #tpu.memory_space<hbm>>
      tpu.wait_dma2 semaphore(%run_scoped3A_90 : memref<!tpu.dma_semaphore, #tpu.memory_space<semaphore_mem>>) src(%dma_wait3A_106 : memref<1x64xi32, #tpu.memory_space<hbm>>) dst(%arg10 : memref<1x64xi32, #tpu.memory_space<vmem>>)
      tpu.yield
    }) : () -> ()
    "tpu.region"() ({
      %run_scoped3A_90 = tpu.sem_alloc : memref<!tpu.dma_semaphore, #tpu.memory_space<semaphore_mem>>
      %dma_start3A_91 = arith.constant 0 : i32
      %dma_start3A_92 = arith.constant 0 : i32
      %dma_start3A_93 = tpu.memref_slice %arg4[%mul3A_13, %dma_start3A_91, %dma_start3A_92] : memref<4992x1x64xi32, #tpu.memory_space<hbm>> -> memref<1x1x64xi32, #tpu.memory_space<hbm>>
      %dma_start3A_94 = tpu.memref_squeeze %dma_start3A_93 : memref<1x1x64xi32, #tpu.memory_space<hbm>> -> memref<1x64xi32, #tpu.memory_space<hbm>>
      %dma_start3A_95 = arith.constant 0 : i32
      %dma_start3A_96 = arith.constant 0 : i32
      %dma_start3A_97 = tpu.memref_slice %arg4[%mul3A_13, %dma_start3A_95, %dma_start3A_96] : memref<4992x1x64xi32, #tpu.memory_space<hbm>> -> memref<1x1x64xi32, #tpu.memory_space<hbm>>
      %dma_start3A_98 = tpu.memref_squeeze %dma_start3A_97 : memref<1x1x64xi32, #tpu.memory_space<hbm>> -> memref<1x64xi32, #tpu.memory_space<hbm>>
      tpu.enqueue_dma source(%dma_start3A_98 : memref<1x64xi32, #tpu.memory_space<hbm>>) target(%arg14 : memref<1x64xi32, #tpu.memory_space<vmem>>) target_semaphore(%run_scoped3A_90 : memref<!tpu.dma_semaphore, #tpu.memory_space<semaphore_mem>>)
      %dma_wait3A_99 = arith.constant 0 : i32
      %dma_wait3A_100 = arith.constant 0 : i32
      %dma_wait3A_101 = tpu.memref_slice %arg4[%mul3A_13, %dma_wait3A_99, %dma_wait3A_100] : memref<4992x1x64xi32, #tpu.memory_space<hbm>> -> memref<1x1x64xi32, #tpu.memory_space<hbm>>
      %dma_wait3A_102 = tpu.memref_squeeze %dma_wait3A_101 : memref<1x1x64xi32, #tpu.memory_space<hbm>> -> memref<1x64xi32, #tpu.memory_space<hbm>>
      %dma_wait3A_103 = arith.constant 0 : i32
      %dma_wait3A_104 = arith.constant 0 : i32
      %dma_wait3A_105 = tpu.memref_slice %arg4[%mul3A_13, %dma_wait3A_103, %dma_wait3A_104] : memref<4992x1x64xi32, #tpu.memory_space<hbm>> -> memref<1x1x64xi32, #tpu.memory_space<hbm>>
      %dma_wait3A_106 = tpu.memref_squeeze %dma_wait3A_105 : memref<1x1x64xi32, #tpu.memory_space<hbm>> -> memref<1x64xi32, #tpu.memory_space<hbm>>
      tpu.wait_dma2 semaphore(%run_scoped3A_90 : memref<!tpu.dma_semaphore, #tpu.memory_space<semaphore_mem>>) src(%dma_wait3A_106 : memref<1x64xi32, #tpu.memory_space<hbm>>) dst(%arg14 : memref<1x64xi32, #tpu.memory_space<vmem>>)
      tpu.yield
    }) : () -> ()
    %dma_start3A = arith.constant 0 : i32
    %dma_start3A_14 = arith.constant 0 : i32
    %dma_start3A_15 = tpu.memref_slice %arg10[%dma_start3A, %dma_start3A_14] : memref<1x64xi32, #tpu.memory_space<vmem>> -> memref<1x64xi32, #tpu.memory_space<vmem>>
    %dma_start3A_16 = tpu.memref_squeeze %dma_start3A_15 : memref<1x64xi32, #tpu.memory_space<vmem>> -> memref<64xi32, #tpu.memory_space<vmem>>
    %dma_start3A_17 = arith.constant 0 : i32
    %dma_start3A_18 = arith.constant 0 : i32
    %dma_start3A_19 = tpu.memref_slice %arg2[%dma_start3A_17, %dma_start3A_18] : memref<10000x128xf32, #tpu.memory_space<hbm>> -> memref<10000x128xf32, #tpu.memory_space<hbm>>
    tpu.enqueue_indirect_dma source(%dma_start3A_19 : memref<10000x128xf32, #tpu.memory_space<hbm>>) target(%arg18 : memref<64x128xf32, #tpu.memory_space<vmem>>) offsets(%dma_start3A_16 : memref<64xi32, #tpu.memory_space<vmem>>) semaphore(%arg26 : memref<!tpu.dma_semaphore, #tpu.memory_space<semaphore_mem>>)
    %add3A_20 = arith.constant 1 : i32
    %add3A_21 = arith.addi %mul3A_13, %add3A_20 : i32
    %dma_start3A_22 = arith.constant 0 : i32
    %dma_start3A_23 = arith.constant 0 : i32
    %dma_start3A_24 = tpu.memref_slice %arg3[%add3A_21, %dma_start3A_22, %dma_start3A_23] : memref<4992x1x64xi32, #tpu.memory_space<hbm>> -> memref<1x1x64xi32, #tpu.memory_space<hbm>>
    %dma_start3A_25 = tpu.memref_squeeze %dma_start3A_24 : memref<1x1x64xi32, #tpu.memory_space<hbm>> -> memref<1x64xi32, #tpu.memory_space<hbm>>
    %dma_start3A_26 = arith.constant 0 : i32
    %dma_start3A_27 = arith.constant 0 : i32
    %dma_start3A_28 = tpu.memref_slice %arg3[%add3A_21, %dma_start3A_26, %dma_start3A_27] : memref<4992x1x64xi32, #tpu.memory_space<hbm>> -> memref<1x1x64xi32, #tpu.memory_space<hbm>>
    %dma_start3A_29 = tpu.memref_squeeze %dma_start3A_28 : memref<1x1x64xi32, #tpu.memory_space<hbm>> -> memref<1x64xi32, #tpu.memory_space<hbm>>
    tpu.enqueue_dma source(%dma_start3A_29 : memref<1x64xi32, #tpu.memory_space<hbm>>) target(%arg11 : memref<1x64xi32, #tpu.memory_space<vmem>>) target_semaphore(%arg35 : memref<!tpu.dma_semaphore, #tpu.memory_space<semaphore_mem>>)
    %add3A_30 = arith.constant 1 : i32
    %add3A_31 = arith.addi %mul3A_13, %add3A_30 : i32
    %dma_start3A_32 = arith.constant 0 : i32
    %dma_start3A_33 = arith.constant 0 : i32
    %dma_start3A_34 = tpu.memref_slice %arg4[%add3A_31, %dma_start3A_32, %dma_start3A_33] : memref<4992x1x64xi32, #tpu.memory_space<hbm>> -> memref<1x1x64xi32, #tpu.memory_space<hbm>>
    %dma_start3A_35 = tpu.memref_squeeze %dma_start3A_34 : memref<1x1x64xi32, #tpu.memory_space<hbm>> -> memref<1x64xi32, #tpu.memory_space<hbm>>
    %dma_start3A_36 = arith.constant 0 : i32
    %dma_start3A_37 = arith.constant 0 : i32
    %dma_start3A_38 = tpu.memref_slice %arg4[%add3A_31, %dma_start3A_36, %dma_start3A_37] : memref<4992x1x64xi32, #tpu.memory_space<hbm>> -> memref<1x1x64xi32, #tpu.memory_space<hbm>>
    %dma_start3A_39 = tpu.memref_squeeze %dma_start3A_38 : memref<1x1x64xi32, #tpu.memory_space<hbm>> -> memref<1x64xi32, #tpu.memory_space<hbm>>
    tpu.enqueue_dma source(%dma_start3A_39 : memref<1x64xi32, #tpu.memory_space<hbm>>) target(%arg15 : memref<1x64xi32, #tpu.memory_space<vmem>>) target_semaphore(%arg35 : memref<!tpu.dma_semaphore, #tpu.memory_space<semaphore_mem>>)
    %scan3A_40 = arith.constant 0 : i32
    %scan3A_41 = arith.constant 39 : i32
    %scan3A_42 = arith.addi %scan3A_40, %scan3A_41 : i32
    %scan3A_43 = arith.constant 1 : i32
    scf.for %scan3A_90 = %scan3A_40 to %scan3A_42 step %scan3A_43  : i32 {
      %mul3A_91 = arith.constant 4 : i32
      %mul3A_92 = arith.muli %scan3A_90, %mul3A_91 : i32
      %add3A_93 = arith.constant 0 : i32
      %add3A_94 = arith.addi %add3A_93, %mul3A_92 : i32
      %add3A_95 = arith.constant 1 : i32
      %add3A_96 = arith.addi %add3A_94, %add3A_95 : i32
      %lt3A = arith.constant 156 : i32
      %lt3A_97 = arith.cmpi slt, %add3A_96, %lt3A : i32
      %convert_element_type3A = arith.extui %lt3A_97 : i1 to i32
      %cond3A = arith.constant 0 : i32
      %cond3A_98 = arith.cmpi ne, %convert_element_type3A, %cond3A : i32
      scf.if %cond3A_98 {
        %add3A_210 = arith.addi %mul3A_13, %add3A_94 : i32
        %add3A_211 = arith.constant 1 : i32
        %add3A_212 = arith.addi %add3A_210, %add3A_211 : i32
        %dma_wait3A_213 = arith.constant 0 : i32
        %dma_wait3A_214 = arith.constant 0 : i32
        %dma_wait3A_215 = tpu.memref_slice %arg3[%add3A_212, %dma_wait3A_213, %dma_wait3A_214] : memref<4992x1x64xi32, #tpu.memory_space<hbm>> -> memref<1x1x64xi32, #tpu.memory_space<hbm>>
        %dma_wait3A_216 = tpu.memref_squeeze %dma_wait3A_215 : memref<1x1x64xi32, #tpu.memory_space<hbm>> -> memref<1x64xi32, #tpu.memory_space<hbm>>
        %dma_wait3A_217 = arith.constant 0 : i32
        %dma_wait3A_218 = arith.constant 0 : i32
        %dma_wait3A_219 = tpu.memref_slice %arg3[%add3A_212, %dma_wait3A_217, %dma_wait3A_218] : memref<4992x1x64xi32, #tpu.memory_space<hbm>> -> memref<1x1x64xi32, #tpu.memory_space<hbm>>
        %dma_wait3A_220 = tpu.memref_squeeze %dma_wait3A_219 : memref<1x1x64xi32, #tpu.memory_space<hbm>> -> memref<1x64xi32, #tpu.memory_space<hbm>>
        tpu.wait_dma2 semaphore(%arg35 : memref<!tpu.dma_semaphore, #tpu.memory_space<semaphore_mem>>) src(%dma_wait3A_220 : memref<1x64xi32, #tpu.memory_space<hbm>>) dst(%arg11 : memref<1x64xi32, #tpu.memory_space<vmem>>)
        %add3A_221 = arith.addi %mul3A_13, %add3A_94 : i32
        %add3A_222 = arith.constant 1 : i32
        %add3A_223 = arith.addi %add3A_221, %add3A_222 : i32
        %dma_wait3A_224 = arith.constant 0 : i32
        %dma_wait3A_225 = arith.constant 0 : i32
        %dma_wait3A_226 = tpu.memref_slice %arg4[%add3A_223, %dma_wait3A_224, %dma_wait3A_225] : memref<4992x1x64xi32, #tpu.memory_space<hbm>> -> memref<1x1x64xi32, #tpu.memory_space<hbm>>
        %dma_wait3A_227 = tpu.memref_squeeze %dma_wait3A_226 : memref<1x1x64xi32, #tpu.memory_space<hbm>> -> memref<1x64xi32, #tpu.memory_space<hbm>>
        %dma_wait3A_228 = arith.constant 0 : i32
        %dma_wait3A_229 = arith.constant 0 : i32
        %dma_wait3A_230 = tpu.memref_slice %arg4[%add3A_223, %dma_wait3A_228, %dma_wait3A_229] : memref<4992x1x64xi32, #tpu.memory_space<hbm>> -> memref<1x1x64xi32, #tpu.memory_space<hbm>>
        %dma_wait3A_231 = tpu.memref_squeeze %dma_wait3A_230 : memref<1x1x64xi32, #tpu.memory_space<hbm>> -> memref<1x64xi32, #tpu.memory_space<hbm>>
        tpu.wait_dma2 semaphore(%arg35 : memref<!tpu.dma_semaphore, #tpu.memory_space<semaphore_mem>>) src(%dma_wait3A_231 : memref<1x64xi32, #tpu.memory_space<hbm>>) dst(%arg15 : memref<1x64xi32, #tpu.memory_space<vmem>>)
        %dma_start3A_232 = arith.constant 0 : i32
        %dma_start3A_233 = arith.constant 0 : i32
        %dma_start3A_234 = tpu.memref_slice %arg11[%dma_start3A_232, %dma_start3A_233] : memref<1x64xi32, #tpu.memory_space<vmem>> -> memref<1x64xi32, #tpu.memory_space<vmem>>
        %dma_start3A_235 = tpu.memref_squeeze %dma_start3A_234 : memref<1x64xi32, #tpu.memory_space<vmem>> -> memref<64xi32, #tpu.memory_space<vmem>>
        %dma_start3A_236 = arith.constant 0 : i32
        %dma_start3A_237 = arith.constant 0 : i32
        %dma_start3A_238 = tpu.memref_slice %arg2[%dma_start3A_236, %dma_start3A_237] : memref<10000x128xf32, #tpu.memory_space<hbm>> -> memref<10000x128xf32, #tpu.memory_space<hbm>>
        tpu.enqueue_indirect_dma source(%dma_start3A_238 : memref<10000x128xf32, #tpu.memory_space<hbm>>) target(%arg19 : memref<64x128xf32, #tpu.memory_space<vmem>>) offsets(%dma_start3A_235 : memref<64xi32, #tpu.memory_space<vmem>>) semaphore(%arg27 : memref<!tpu.dma_semaphore, #tpu.memory_space<semaphore_mem>>)
      } else {
      }
      %dma_wait3A_99 = arith.constant 0 : i32
      %dma_wait3A_100 = arith.constant 0 : i32
      %dma_wait3A_101 = tpu.memref_slice %arg10[%dma_wait3A_99, %dma_wait3A_100] : memref<1x64xi32, #tpu.memory_space<vmem>> -> memref<1x64xi32, #tpu.memory_space<vmem>>
      %dma_wait3A_102 = tpu.memref_squeeze %dma_wait3A_101 : memref<1x64xi32, #tpu.memory_space<vmem>> -> memref<64xi32, #tpu.memory_space<vmem>>
      %dma_wait3A_103 = arith.constant 0 : i32
      %dma_wait3A_104 = arith.constant 0 : i32
      %dma_wait3A_105 = tpu.memref_slice %arg2[%dma_wait3A_103, %dma_wait3A_104] : memref<10000x128xf32, #tpu.memory_space<hbm>> -> memref<10000x128xf32, #tpu.memory_space<hbm>>
      tpu.wait_indirect_dma semaphore(%arg26 : memref<!tpu.dma_semaphore, #tpu.memory_space<semaphore_mem>>) src(%dma_wait3A_105 : memref<10000x128xf32, #tpu.memory_space<hbm>>) dst(%arg18 : memref<64x128xf32, #tpu.memory_space<vmem>>)
      %dma_start3A_106 = arith.constant 0 : i32
      %dma_start3A_107 = arith.constant 0 : i32
      %dma_start3A_108 = tpu.memref_slice %arg14[%dma_start3A_106, %dma_start3A_107] : memref<1x64xi32, #tpu.memory_space<vmem>> -> memref<1x64xi32, #tpu.memory_space<vmem>>
      %dma_start3A_109 = tpu.memref_squeeze %dma_start3A_108 : memref<1x64xi32, #tpu.memory_space<vmem>> -> memref<64xi32, #tpu.memory_space<vmem>>
      %dma_start3A_110 = arith.constant 0 : i32
      %dma_start3A_111 = arith.constant 0 : i32
      %dma_start3A_112 = tpu.memref_slice %arg25[%dma_start3A_110, %dma_start3A_111] : memref<10240x128xf32, #tpu.memory_space<vmem_shared>> -> memref<10240x128xf32, #tpu.memory_space<vmem_shared>>
      tpu.enqueue_indirect_dma source(%arg18 : memref<64x128xf32, #tpu.memory_space<vmem>>) target(%dma_start3A_112 : memref<10240x128xf32, #tpu.memory_space<vmem_shared>>) offsets(%dma_start3A_109 : memref<64xi32, #tpu.memory_space<vmem>>) semaphore(%arg30 : memref<!tpu.dma_semaphore, #tpu.memory_space<semaphore_mem>>) {add = true}
      %add3A_113 = arith.constant 2 : i32
      %add3A_114 = arith.addi %add3A_94, %add3A_113 : i32
      %lt3A_115 = arith.constant 156 : i32
      %lt3A_116 = arith.cmpi slt, %add3A_114, %lt3A_115 : i32
      %convert_element_type3A_117 = arith.extui %lt3A_116 : i1 to i32
      %cond3A_118 = arith.constant 0 : i32
      %cond3A_119 = arith.cmpi ne, %convert_element_type3A_117, %cond3A_118 : i32
      scf.if %cond3A_119 {
        %ge3A = arith.constant 2 : i32
        %ge3A_210 = arith.cmpi sge, %add3A_94, %ge3A : i32
        %convert_element_type3A_211 = arith.extui %ge3A_210 : i1 to i32
        %cond3A_212 = arith.constant 0 : i32
        %cond3A_213 = arith.cmpi ne, %convert_element_type3A_211, %cond3A_212 : i32
        scf.if %cond3A_213 {
          %dma_wait3A_236 = arith.constant 0 : i32
          %dma_wait3A_237 = arith.constant 0 : i32
          %dma_wait3A_238 = tpu.memref_slice %arg16[%dma_wait3A_236, %dma_wait3A_237] : memref<1x64xi32, #tpu.memory_space<vmem>> -> memref<1x64xi32, #tpu.memory_space<vmem>>
          %dma_wait3A_239 = tpu.memref_squeeze %dma_wait3A_238 : memref<1x64xi32, #tpu.memory_space<vmem>> -> memref<64xi32, #tpu.memory_space<vmem>>
          %dma_wait3A_240 = arith.constant 0 : i32
          %dma_wait3A_241 = arith.constant 0 : i32
          %dma_wait3A_242 = tpu.memref_slice %arg25[%dma_wait3A_240, %dma_wait3A_241] : memref<10240x128xf32, #tpu.memory_space<vmem_shared>> -> memref<10240x128xf32, #tpu.memory_space<vmem_shared>>
          tpu.wait_indirect_dma semaphore(%arg32 : memref<!tpu.dma_semaphore, #tpu.memory_space<semaphore_mem>>) src(%arg20 : memref<64x128xf32, #tpu.memory_space<vmem>>) dst(%dma_wait3A_242 : memref<10240x128xf32, #tpu.memory_space<vmem_shared>>)
        } else {
        }
        %add3A_214 = arith.addi %mul3A_13, %add3A_94 : i32
        %add3A_215 = arith.constant 2 : i32
        %add3A_216 = arith.addi %add3A_214, %add3A_215 : i32
        %dma_start3A_217 = arith.constant 0 : i32
        %dma_start3A_218 = arith.constant 0 : i32
        %dma_start3A_219 = tpu.memref_slice %arg3[%add3A_216, %dma_start3A_217, %dma_start3A_218] : memref<4992x1x64xi32, #tpu.memory_space<hbm>> -> memref<1x1x64xi32, #tpu.memory_space<hbm>>
        %dma_start3A_220 = tpu.memref_squeeze %dma_start3A_219 : memref<1x1x64xi32, #tpu.memory_space<hbm>> -> memref<1x64xi32, #tpu.memory_space<hbm>>
        %dma_start3A_221 = arith.constant 0 : i32
        %dma_start3A_222 = arith.constant 0 : i32
        %dma_start3A_223 = tpu.memref_slice %arg3[%add3A_216, %dma_start3A_221, %dma_start3A_222] : memref<4992x1x64xi32, #tpu.memory_space<hbm>> -> memref<1x1x64xi32, #tpu.memory_space<hbm>>
        %dma_start3A_224 = tpu.memref_squeeze %dma_start3A_223 : memref<1x1x64xi32, #tpu.memory_space<hbm>> -> memref<1x64xi32, #tpu.memory_space<hbm>>
        tpu.enqueue_dma source(%dma_start3A_224 : memref<1x64xi32, #tpu.memory_space<hbm>>) target(%arg12 : memref<1x64xi32, #tpu.memory_space<vmem>>) target_semaphore(%arg36 : memref<!tpu.dma_semaphore, #tpu.memory_space<semaphore_mem>>)
        %add3A_225 = arith.addi %mul3A_13, %add3A_94 : i32
        %add3A_226 = arith.constant 2 : i32
        %add3A_227 = arith.addi %add3A_225, %add3A_226 : i32
        %dma_start3A_228 = arith.constant 0 : i32
        %dma_start3A_229 = arith.constant 0 : i32
        %dma_start3A_230 = tpu.memref_slice %arg4[%add3A_227, %dma_start3A_228, %dma_start3A_229] : memref<4992x1x64xi32, #tpu.memory_space<hbm>> -> memref<1x1x64xi32, #tpu.memory_space<hbm>>
        %dma_start3A_231 = tpu.memref_squeeze %dma_start3A_230 : memref<1x1x64xi32, #tpu.memory_space<hbm>> -> memref<1x64xi32, #tpu.memory_space<hbm>>
        %dma_start3A_232 = arith.constant 0 : i32
        %dma_start3A_233 = arith.constant 0 : i32
        %dma_start3A_234 = tpu.memref_slice %arg4[%add3A_227, %dma_start3A_232, %dma_start3A_233] : memref<4992x1x64xi32, #tpu.memory_space<hbm>> -> memref<1x1x64xi32, #tpu.memory_space<hbm>>
        %dma_start3A_235 = tpu.memref_squeeze %dma_start3A_234 : memref<1x1x64xi32, #tpu.memory_space<hbm>> -> memref<1x64xi32, #tpu.memory_space<hbm>>
        tpu.enqueue_dma source(%dma_start3A_235 : memref<1x64xi32, #tpu.memory_space<hbm>>) target(%arg16 : memref<1x64xi32, #tpu.memory_space<vmem>>) target_semaphore(%arg36 : memref<!tpu.dma_semaphore, #tpu.memory_space<semaphore_mem>>)
      } else {
      }
      %add3A_120 = arith.constant 1 : i32
      %add3A_121 = arith.addi %add3A_94, %add3A_120 : i32
      %add3A_122 = arith.constant 1 : i32
      %add3A_123 = arith.addi %add3A_121, %add3A_122 : i32
      %lt3A_124 = arith.constant 156 : i32
      %lt3A_125 = arith.cmpi slt, %add3A_123, %lt3A_124 : i32
      %convert_element_type3A_126 = arith.extui %lt3A_125 : i1 to i32
      %cond3A_127 = arith.constant 0 : i32
      %cond3A_128 = arith.cmpi ne, %convert_element_type3A_126, %cond3A_127 : i32
      scf.if %cond3A_128 {
        %add3A_210 = arith.addi %mul3A_13, %add3A_121 : i32
        %add3A_211 = arith.constant 1 : i32
        %add3A_212 = arith.addi %add3A_210, %add3A_211 : i32
        %dma_wait3A_213 = arith.constant 0 : i32
        %dma_wait3A_214 = arith.constant 0 : i32
        %dma_wait3A_215 = tpu.memref_slice %arg3[%add3A_212, %dma_wait3A_213, %dma_wait3A_214] : memref<4992x1x64xi32, #tpu.memory_space<hbm>> -> memref<1x1x64xi32, #tpu.memory_space<hbm>>
        %dma_wait3A_216 = tpu.memref_squeeze %dma_wait3A_215 : memref<1x1x64xi32, #tpu.memory_space<hbm>> -> memref<1x64xi32, #tpu.memory_space<hbm>>
        %dma_wait3A_217 = arith.constant 0 : i32
        %dma_wait3A_218 = arith.constant 0 : i32
        %dma_wait3A_219 = tpu.memref_slice %arg3[%add3A_212, %dma_wait3A_217, %dma_wait3A_218] : memref<4992x1x64xi32, #tpu.memory_space<hbm>> -> memref<1x1x64xi32, #tpu.memory_space<hbm>>
        %dma_wait3A_220 = tpu.memref_squeeze %dma_wait3A_219 : memref<1x1x64xi32, #tpu.memory_space<hbm>> -> memref<1x64xi32, #tpu.memory_space<hbm>>
        tpu.wait_dma2 semaphore(%arg36 : memref<!tpu.dma_semaphore, #tpu.memory_space<semaphore_mem>>) src(%dma_wait3A_220 : memref<1x64xi32, #tpu.memory_space<hbm>>) dst(%arg12 : memref<1x64xi32, #tpu.memory_space<vmem>>)
        %add3A_221 = arith.addi %mul3A_13, %add3A_121 : i32
        %add3A_222 = arith.constant 1 : i32
        %add3A_223 = arith.addi %add3A_221, %add3A_222 : i32
        %dma_wait3A_224 = arith.constant 0 : i32
        %dma_wait3A_225 = arith.constant 0 : i32
        %dma_wait3A_226 = tpu.memref_slice %arg4[%add3A_223, %dma_wait3A_224, %dma_wait3A_225] : memref<4992x1x64xi32, #tpu.memory_space<hbm>> -> memref<1x1x64xi32, #tpu.memory_space<hbm>>
        %dma_wait3A_227 = tpu.memref_squeeze %dma_wait3A_226 : memref<1x1x64xi32, #tpu.memory_space<hbm>> -> memref<1x64xi32, #tpu.memory_space<hbm>>
        %dma_wait3A_228 = arith.constant 0 : i32
        %dma_wait3A_229 = arith.constant 0 : i32
        %dma_wait3A_230 = tpu.memref_slice %arg4[%add3A_223, %dma_wait3A_228, %dma_wait3A_229] : memref<4992x1x64xi32, #tpu.memory_space<hbm>> -> memref<1x1x64xi32, #tpu.memory_space<hbm>>
        %dma_wait3A_231 = tpu.memref_squeeze %dma_wait3A_230 : memref<1x1x64xi32, #tpu.memory_space<hbm>> -> memref<1x64xi32, #tpu.memory_space<hbm>>
        tpu.wait_dma2 semaphore(%arg36 : memref<!tpu.dma_semaphore, #tpu.memory_space<semaphore_mem>>) src(%dma_wait3A_231 : memref<1x64xi32, #tpu.memory_space<hbm>>) dst(%arg16 : memref<1x64xi32, #tpu.memory_space<vmem>>)
        %dma_start3A_232 = arith.constant 0 : i32
        %dma_start3A_233 = arith.constant 0 : i32
        %dma_start3A_234 = tpu.memref_slice %arg12[%dma_start3A_232, %dma_start3A_233] : memref<1x64xi32, #tpu.memory_space<vmem>> -> memref<1x64xi32, #tpu.memory_space<vmem>>
        %dma_start3A_235 = tpu.memref_squeeze %dma_start3A_234 : memref<1x64xi32, #tpu.memory_space<vmem>> -> memref<64xi32, #tpu.memory_space<vmem>>
        %dma_start3A_236 = arith.constant 0 : i32
        %dma_start3A_237 = arith.constant 0 : i32
        %dma_start3A_238 = tpu.memref_slice %arg2[%dma_start3A_236, %dma_start3A_237] : memref<10000x128xf32, #tpu.memory_space<hbm>> -> memref<10000x128xf32, #tpu.memory_space<hbm>>
        tpu.enqueue_indirect_dma source(%dma_start3A_238 : memref<10000x128xf32, #tpu.memory_space<hbm>>) target(%arg20 : memref<64x128xf32, #tpu.memory_space<vmem>>) offsets(%dma_start3A_235 : memref<64xi32, #tpu.memory_space<vmem>>) semaphore(%arg28 : memref<!tpu.dma_semaphore, #tpu.memory_space<semaphore_mem>>)
      } else {
      }
      %dma_wait3A_129 = arith.constant 0 : i32
      %dma_wait3A_130 = arith.constant 0 : i32
      %dma_wait3A_131 = tpu.memref_slice %arg11[%dma_wait3A_129, %dma_wait3A_130] : memref<1x64xi32, #tpu.memory_space<vmem>> -> memref<1x64xi32, #tpu.memory_space<vmem>>
      %dma_wait3A_132 = tpu.memref_squeeze %dma_wait3A_131 : memref<1x64xi32, #tpu.memory_space<vmem>> -> memref<64xi32, #tpu.memory_space<vmem>>
      %dma_wait3A_133 = arith.constant 0 : i32
      %dma_wait3A_134 = arith.constant 0 : i32
      %dma_wait3A_135 = tpu.memref_slice %arg2[%dma_wait3A_133, %dma_wait3A_134] : memref<10000x128xf32, #tpu.memory_space<hbm>> -> memref<10000x128xf32, #tpu.memory_space<hbm>>
      tpu.wait_indirect_dma semaphore(%arg27 : memref<!tpu.dma_semaphore, #tpu.memory_space<semaphore_mem>>) src(%dma_wait3A_135 : memref<10000x128xf32, #tpu.memory_space<hbm>>) dst(%arg19 : memref<64x128xf32, #tpu.memory_space<vmem>>)
      %dma_start3A_136 = arith.constant 0 : i32
      %dma_start3A_137 = arith.constant 0 : i32
      %dma_start3A_138 = tpu.memref_slice %arg15[%dma_start3A_136, %dma_start3A_137] : memref<1x64xi32, #tpu.memory_space<vmem>> -> memref<1x64xi32, #tpu.memory_space<vmem>>
      %dma_start3A_139 = tpu.memref_squeeze %dma_start3A_138 : memref<1x64xi32, #tpu.memory_space<vmem>> -> memref<64xi32, #tpu.memory_space<vmem>>
      %dma_start3A_140 = arith.constant 0 : i32
      %dma_start3A_141 = arith.constant 0 : i32
      %dma_start3A_142 = tpu.memref_slice %arg25[%dma_start3A_140, %dma_start3A_141] : memref<10240x128xf32, #tpu.memory_space<vmem_shared>> -> memref<10240x128xf32, #tpu.memory_space<vmem_shared>>
      tpu.enqueue_indirect_dma source(%arg19 : memref<64x128xf32, #tpu.memory_space<vmem>>) target(%dma_start3A_142 : memref<10240x128xf32, #tpu.memory_space<vmem_shared>>) offsets(%dma_start3A_139 : memref<64xi32, #tpu.memory_space<vmem>>) semaphore(%arg31 : memref<!tpu.dma_semaphore, #tpu.memory_space<semaphore_mem>>) {add = true}
      %add3A_143 = arith.constant 2 : i32
      %add3A_144 = arith.addi %add3A_121, %add3A_143 : i32
      %lt3A_145 = arith.constant 156 : i32
      %lt3A_146 = arith.cmpi slt, %add3A_144, %lt3A_145 : i32
      %convert_element_type3A_147 = arith.extui %lt3A_146 : i1 to i32
      %cond3A_148 = arith.constant 0 : i32
      %cond3A_149 = arith.cmpi ne, %convert_element_type3A_147, %cond3A_148 : i32
      scf.if %cond3A_149 {
        %ge3A = arith.constant 2 : i32
        %ge3A_210 = arith.cmpi sge, %add3A_121, %ge3A : i32
        %convert_element_type3A_211 = arith.extui %ge3A_210 : i1 to i32
        %cond3A_212 = arith.constant 0 : i32
        %cond3A_213 = arith.cmpi ne, %convert_element_type3A_211, %cond3A_212 : i32
        scf.if %cond3A_213 {
          %dma_wait3A_236 = arith.constant 0 : i32
          %dma_wait3A_237 = arith.constant 0 : i32
          %dma_wait3A_238 = tpu.memref_slice %arg17[%dma_wait3A_236, %dma_wait3A_237] : memref<1x64xi32, #tpu.memory_space<vmem>> -> memref<1x64xi32, #tpu.memory_space<vmem>>
          %dma_wait3A_239 = tpu.memref_squeeze %dma_wait3A_238 : memref<1x64xi32, #tpu.memory_space<vmem>> -> memref<64xi32, #tpu.memory_space<vmem>>
          %dma_wait3A_240 = arith.constant 0 : i32
          %dma_wait3A_241 = arith.constant 0 : i32
          %dma_wait3A_242 = tpu.memref_slice %arg25[%dma_wait3A_240, %dma_wait3A_241] : memref<10240x128xf32, #tpu.memory_space<vmem_shared>> -> memref<10240x128xf32, #tpu.memory_space<vmem_shared>>
          tpu.wait_indirect_dma semaphore(%arg33 : memref<!tpu.dma_semaphore, #tpu.memory_space<semaphore_mem>>) src(%arg21 : memref<64x128xf32, #tpu.memory_space<vmem>>) dst(%dma_wait3A_242 : memref<10240x128xf32, #tpu.memory_space<vmem_shared>>)
        } else {
        }
        %add3A_214 = arith.addi %mul3A_13, %add3A_121 : i32
        %add3A_215 = arith.constant 2 : i32
        %add3A_216 = arith.addi %add3A_214, %add3A_215 : i32
        %dma_start3A_217 = arith.constant 0 : i32
        %dma_start3A_218 = arith.constant 0 : i32
        %dma_start3A_219 = tpu.memref_slice %arg3[%add3A_216, %dma_start3A_217, %dma_start3A_218] : memref<4992x1x64xi32, #tpu.memory_space<hbm>> -> memref<1x1x64xi32, #tpu.memory_space<hbm>>
        %dma_start3A_220 = tpu.memref_squeeze %dma_start3A_219 : memref<1x1x64xi32, #tpu.memory_space<hbm>> -> memref<1x64xi32, #tpu.memory_space<hbm>>
        %dma_start3A_221 = arith.constant 0 : i32
        %dma_start3A_222 = arith.constant 0 : i32
        %dma_start3A_223 = tpu.memref_slice %arg3[%add3A_216, %dma_start3A_221, %dma_start3A_222] : memref<4992x1x64xi32, #tpu.memory_space<hbm>> -> memref<1x1x64xi32, #tpu.memory_space<hbm>>
        %dma_start3A_224 = tpu.memref_squeeze %dma_start3A_223 : memref<1x1x64xi32, #tpu.memory_space<hbm>> -> memref<1x64xi32, #tpu.memory_space<hbm>>
        tpu.enqueue_dma source(%dma_start3A_224 : memref<1x64xi32, #tpu.memory_space<hbm>>) target(%arg13 : memref<1x64xi32, #tpu.memory_space<vmem>>) target_semaphore(%arg37 : memref<!tpu.dma_semaphore, #tpu.memory_space<semaphore_mem>>)
        %add3A_225 = arith.addi %mul3A_13, %add3A_121 : i32
        %add3A_226 = arith.constant 2 : i32
        %add3A_227 = arith.addi %add3A_225, %add3A_226 : i32
        %dma_start3A_228 = arith.constant 0 : i32
        %dma_start3A_229 = arith.constant 0 : i32
        %dma_start3A_230 = tpu.memref_slice %arg4[%add3A_227, %dma_start3A_228, %dma_start3A_229] : memref<4992x1x64xi32, #tpu.memory_space<hbm>> -> memref<1x1x64xi32, #tpu.memory_space<hbm>>
        %dma_start3A_231 = tpu.memref_squeeze %dma_start3A_230 : memref<1x1x64xi32, #tpu.memory_space<hbm>> -> memref<1x64xi32, #tpu.memory_space<hbm>>
        %dma_start3A_232 = arith.constant 0 : i32
        %dma_start3A_233 = arith.constant 0 : i32
        %dma_start3A_234 = tpu.memref_slice %arg4[%add3A_227, %dma_start3A_232, %dma_start3A_233] : memref<4992x1x64xi32, #tpu.memory_space<hbm>> -> memref<1x1x64xi32, #tpu.memory_space<hbm>>
        %dma_start3A_235 = tpu.memref_squeeze %dma_start3A_234 : memref<1x1x64xi32, #tpu.memory_space<hbm>> -> memref<1x64xi32, #tpu.memory_space<hbm>>
        tpu.enqueue_dma source(%dma_start3A_235 : memref<1x64xi32, #tpu.memory_space<hbm>>) target(%arg17 : memref<1x64xi32, #tpu.memory_space<vmem>>) target_semaphore(%arg37 : memref<!tpu.dma_semaphore, #tpu.memory_space<semaphore_mem>>)
      } else {
      }
      %add3A_150 = arith.constant 2 : i32
      %add3A_151 = arith.addi %add3A_94, %add3A_150 : i32
      %add3A_152 = arith.constant 1 : i32
      %add3A_153 = arith.addi %add3A_151, %add3A_152 : i32
      %lt3A_154 = arith.constant 156 : i32
      %lt3A_155 = arith.cmpi slt, %add3A_153, %lt3A_154 : i32
      %convert_element_type3A_156 = arith.extui %lt3A_155 : i1 to i32
      %cond3A_157 = arith.constant 0 : i32
      %cond3A_158 = arith.cmpi ne, %convert_element_type3A_156, %cond3A_157 : i32
      scf.if %cond3A_158 {
        %add3A_210 = arith.addi %mul3A_13, %add3A_151 : i32
        %add3A_211 = arith.constant 1 : i32
        %add3A_212 = arith.addi %add3A_210, %add3A_211 : i32
        %dma_wait3A_213 = arith.constant 0 : i32
        %dma_wait3A_214 = arith.constant 0 : i32
        %dma_wait3A_215 = tpu.memref_slice %arg3[%add3A_212, %dma_wait3A_213, %dma_wait3A_214] : memref<4992x1x64xi32, #tpu.memory_space<hbm>> -> memref<1x1x64xi32, #tpu.memory_space<hbm>>
        %dma_wait3A_216 = tpu.memref_squeeze %dma_wait3A_215 : memref<1x1x64xi32, #tpu.memory_space<hbm>> -> memref<1x64xi32, #tpu.memory_space<hbm>>
        %dma_wait3A_217 = arith.constant 0 : i32
        %dma_wait3A_218 = arith.constant 0 : i32
        %dma_wait3A_219 = tpu.memref_slice %arg3[%add3A_212, %dma_wait3A_217, %dma_wait3A_218] : memref<4992x1x64xi32, #tpu.memory_space<hbm>> -> memref<1x1x64xi32, #tpu.memory_space<hbm>>
        %dma_wait3A_220 = tpu.memref_squeeze %dma_wait3A_219 : memref<1x1x64xi32, #tpu.memory_space<hbm>> -> memref<1x64xi32, #tpu.memory_space<hbm>>
        tpu.wait_dma2 semaphore(%arg37 : memref<!tpu.dma_semaphore, #tpu.memory_space<semaphore_mem>>) src(%dma_wait3A_220 : memref<1x64xi32, #tpu.memory_space<hbm>>) dst(%arg13 : memref<1x64xi32, #tpu.memory_space<vmem>>)
        %add3A_221 = arith.addi %mul3A_13, %add3A_151 : i32
        %add3A_222 = arith.constant 1 : i32
        %add3A_223 = arith.addi %add3A_221, %add3A_222 : i32
        %dma_wait3A_224 = arith.constant 0 : i32
        %dma_wait3A_225 = arith.constant 0 : i32
        %dma_wait3A_226 = tpu.memref_slice %arg4[%add3A_223, %dma_wait3A_224, %dma_wait3A_225] : memref<4992x1x64xi32, #tpu.memory_space<hbm>> -> memref<1x1x64xi32, #tpu.memory_space<hbm>>
        %dma_wait3A_227 = tpu.memref_squeeze %dma_wait3A_226 : memref<1x1x64xi32, #tpu.memory_space<hbm>> -> memref<1x64xi32, #tpu.memory_space<hbm>>
        %dma_wait3A_228 = arith.constant 0 : i32
        %dma_wait3A_229 = arith.constant 0 : i32
        %dma_wait3A_230 = tpu.memref_slice %arg4[%add3A_223, %dma_wait3A_228, %dma_wait3A_229] : memref<4992x1x64xi32, #tpu.memory_space<hbm>> -> memref<1x1x64xi32, #tpu.memory_space<hbm>>
        %dma_wait3A_231 = tpu.memref_squeeze %dma_wait3A_230 : memref<1x1x64xi32, #tpu.memory_space<hbm>> -> memref<1x64xi32, #tpu.memory_space<hbm>>
        tpu.wait_dma2 semaphore(%arg37 : memref<!tpu.dma_semaphore, #tpu.memory_space<semaphore_mem>>) src(%dma_wait3A_231 : memref<1x64xi32, #tpu.memory_space<hbm>>) dst(%arg17 : memref<1x64xi32, #tpu.memory_space<vmem>>)
        %dma_start3A_232 = arith.constant 0 : i32
        %dma_start3A_233 = arith.constant 0 : i32
        %dma_start3A_234 = tpu.memref_slice %arg13[%dma_start3A_232, %dma_start3A_233] : memref<1x64xi32, #tpu.memory_space<vmem>> -> memref<1x64xi32, #tpu.memory_space<vmem>>
        %dma_start3A_235 = tpu.memref_squeeze %dma_start3A_234 : memref<1x64xi32, #tpu.memory_space<vmem>> -> memref<64xi32, #tpu.memory_space<vmem>>
        %dma_start3A_236 = arith.constant 0 : i32
        %dma_start3A_237 = arith.constant 0 : i32
        %dma_start3A_238 = tpu.memref_slice %arg2[%dma_start3A_236, %dma_start3A_237] : memref<10000x128xf32, #tpu.memory_space<hbm>> -> memref<10000x128xf32, #tpu.memory_space<hbm>>
        tpu.enqueue_indirect_dma source(%dma_start3A_238 : memref<10000x128xf32, #tpu.memory_space<hbm>>) target(%arg21 : memref<64x128xf32, #tpu.memory_space<vmem>>) offsets(%dma_start3A_235 : memref<64xi32, #tpu.memory_space<vmem>>) semaphore(%arg29 : memref<!tpu.dma_semaphore, #tpu.memory_space<semaphore_mem>>)
      } else {
      }
      %dma_wait3A_159 = arith.constant 0 : i32
      %dma_wait3A_160 = arith.constant 0 : i32
      %dma_wait3A_161 = tpu.memref_slice %arg12[%dma_wait3A_159, %dma_wait3A_160] : memref<1x64xi32, #tpu.memory_space<vmem>> -> memref<1x64xi32, #tpu.memory_space<vmem>>
      %dma_wait3A_162 = tpu.memref_squeeze %dma_wait3A_161 : memref<1x64xi32, #tpu.memory_space<vmem>> -> memref<64xi32, #tpu.memory_space<vmem>>
      %dma_wait3A_163 = arith.constant 0 : i32
      %dma_wait3A_164 = arith.constant 0 : i32
      %dma_wait3A_165 = tpu.memref_slice %arg2[%dma_wait3A_163, %dma_wait3A_164] : memref<10000x128xf32, #tpu.memory_space<hbm>> -> memref<10000x128xf32, #tpu.memory_space<hbm>>
      tpu.wait_indirect_dma semaphore(%arg28 : memref<!tpu.dma_semaphore, #tpu.memory_space<semaphore_mem>>) src(%dma_wait3A_165 : memref<10000x128xf32, #tpu.memory_space<hbm>>) dst(%arg20 : memref<64x128xf32, #tpu.memory_space<vmem>>)
      %dma_start3A_166 = arith.constant 0 : i32
      %dma_start3A_167 = arith.constant 0 : i32
      %dma_start3A_168 = tpu.memref_slice %arg16[%dma_start3A_166, %dma_start3A_167] : memref<1x64xi32, #tpu.memory_space<vmem>> -> memref<1x64xi32, #tpu.memory_space<vmem>>
      %dma_start3A_169 = tpu.memref_squeeze %dma_start3A_168 : memref<1x64xi32, #tpu.memory_space<vmem>> -> memref<64xi32, #tpu.memory_space<vmem>>
      %dma_start3A_170 = arith.constant 0 : i32
      %dma_start3A_171 = arith.constant 0 : i32
      %dma_start3A_172 = tpu.memref_slice %arg25[%dma_start3A_170, %dma_start3A_171] : memref<10240x128xf32, #tpu.memory_space<vmem_shared>> -> memref<10240x128xf32, #tpu.memory_space<vmem_shared>>
      tpu.enqueue_indirect_dma source(%arg20 : memref<64x128xf32, #tpu.memory_space<vmem>>) target(%dma_start3A_172 : memref<10240x128xf32, #tpu.memory_space<vmem_shared>>) offsets(%dma_start3A_169 : memref<64xi32, #tpu.memory_space<vmem>>) semaphore(%arg32 : memref<!tpu.dma_semaphore, #tpu.memory_space<semaphore_mem>>) {add = true}
      %add3A_173 = arith.constant 2 : i32
      %add3A_174 = arith.addi %add3A_151, %add3A_173 : i32
      %lt3A_175 = arith.constant 156 : i32
      %lt3A_176 = arith.cmpi slt, %add3A_174, %lt3A_175 : i32
      %convert_element_type3A_177 = arith.extui %lt3A_176 : i1 to i32
      %cond3A_178 = arith.constant 0 : i32
      %cond3A_179 = arith.cmpi ne, %convert_element_type3A_177, %cond3A_178 : i32
      scf.if %cond3A_179 {
        %ge3A = arith.constant 2 : i32
        %ge3A_210 = arith.cmpi sge, %add3A_151, %ge3A : i32
        %convert_element_type3A_211 = arith.extui %ge3A_210 : i1 to i32
        %cond3A_212 = arith.constant 0 : i32
        %cond3A_213 = arith.cmpi ne, %convert_element_type3A_211, %cond3A_212 : i32
        scf.if %cond3A_213 {
          %dma_wait3A_236 = arith.constant 0 : i32
          %dma_wait3A_237 = arith.constant 0 : i32
          %dma_wait3A_238 = tpu.memref_slice %arg14[%dma_wait3A_236, %dma_wait3A_237] : memref<1x64xi32, #tpu.memory_space<vmem>> -> memref<1x64xi32, #tpu.memory_space<vmem>>
          %dma_wait3A_239 = tpu.memref_squeeze %dma_wait3A_238 : memref<1x64xi32, #tpu.memory_space<vmem>> -> memref<64xi32, #tpu.memory_space<vmem>>
          %dma_wait3A_240 = arith.constant 0 : i32
          %dma_wait3A_241 = arith.constant 0 : i32
          %dma_wait3A_242 = tpu.memref_slice %arg25[%dma_wait3A_240, %dma_wait3A_241] : memref<10240x128xf32, #tpu.memory_space<vmem_shared>> -> memref<10240x128xf32, #tpu.memory_space<vmem_shared>>
          tpu.wait_indirect_dma semaphore(%arg30 : memref<!tpu.dma_semaphore, #tpu.memory_space<semaphore_mem>>) src(%arg18 : memref<64x128xf32, #tpu.memory_space<vmem>>) dst(%dma_wait3A_242 : memref<10240x128xf32, #tpu.memory_space<vmem_shared>>)
        } else {
        }
        %add3A_214 = arith.addi %mul3A_13, %add3A_151 : i32
        %add3A_215 = arith.constant 2 : i32
        %add3A_216 = arith.addi %add3A_214, %add3A_215 : i32
        %dma_start3A_217 = arith.constant 0 : i32
        %dma_start3A_218 = arith.constant 0 : i32
        %dma_start3A_219 = tpu.memref_slice %arg3[%add3A_216, %dma_start3A_217, %dma_start3A_218] : memref<4992x1x64xi32, #tpu.memory_space<hbm>> -> memref<1x1x64xi32, #tpu.memory_space<hbm>>
        %dma_start3A_220 = tpu.memref_squeeze %dma_start3A_219 : memref<1x1x64xi32, #tpu.memory_space<hbm>> -> memref<1x64xi32, #tpu.memory_space<hbm>>
        %dma_start3A_221 = arith.constant 0 : i32
        %dma_start3A_222 = arith.constant 0 : i32
        %dma_start3A_223 = tpu.memref_slice %arg3[%add3A_216, %dma_start3A_221, %dma_start3A_222] : memref<4992x1x64xi32, #tpu.memory_space<hbm>> -> memref<1x1x64xi32, #tpu.memory_space<hbm>>
        %dma_start3A_224 = tpu.memref_squeeze %dma_start3A_223 : memref<1x1x64xi32, #tpu.memory_space<hbm>> -> memref<1x64xi32, #tpu.memory_space<hbm>>
        tpu.enqueue_dma source(%dma_start3A_224 : memref<1x64xi32, #tpu.memory_space<hbm>>) target(%arg10 : memref<1x64xi32, #tpu.memory_space<vmem>>) target_semaphore(%arg34 : memref<!tpu.dma_semaphore, #tpu.memory_space<semaphore_mem>>)
        %add3A_225 = arith.addi %mul3A_13, %add3A_151 : i32
        %add3A_226 = arith.constant 2 : i32
        %add3A_227 = arith.addi %add3A_225, %add3A_226 : i32
        %dma_start3A_228 = arith.constant 0 : i32
        %dma_start3A_229 = arith.constant 0 : i32
        %dma_start3A_230 = tpu.memref_slice %arg4[%add3A_227, %dma_start3A_228, %dma_start3A_229] : memref<4992x1x64xi32, #tpu.memory_space<hbm>> -> memref<1x1x64xi32, #tpu.memory_space<hbm>>
        %dma_start3A_231 = tpu.memref_squeeze %dma_start3A_230 : memref<1x1x64xi32, #tpu.memory_space<hbm>> -> memref<1x64xi32, #tpu.memory_space<hbm>>
        %dma_start3A_232 = arith.constant 0 : i32
        %dma_start3A_233 = arith.constant 0 : i32
        %dma_start3A_234 = tpu.memref_slice %arg4[%add3A_227, %dma_start3A_232, %dma_start3A_233] : memref<4992x1x64xi32, #tpu.memory_space<hbm>> -> memref<1x1x64xi32, #tpu.memory_space<hbm>>
        %dma_start3A_235 = tpu.memref_squeeze %dma_start3A_234 : memref<1x1x64xi32, #tpu.memory_space<hbm>> -> memref<1x64xi32, #tpu.memory_space<hbm>>
        tpu.enqueue_dma source(%dma_start3A_235 : memref<1x64xi32, #tpu.memory_space<hbm>>) target(%arg14 : memref<1x64xi32, #tpu.memory_space<vmem>>) target_semaphore(%arg34 : memref<!tpu.dma_semaphore, #tpu.memory_space<semaphore_mem>>)
      } else {
      }
      %add3A_180 = arith.constant 3 : i32
      %add3A_181 = arith.addi %add3A_94, %add3A_180 : i32
      %add3A_182 = arith.constant 1 : i32
      %add3A_183 = arith.addi %add3A_181, %add3A_182 : i32
      %lt3A_184 = arith.constant 156 : i32
      %lt3A_185 = arith.cmpi slt, %add3A_183, %lt3A_184 : i32
      %convert_element_type3A_186 = arith.extui %lt3A_185 : i1 to i32
      %cond3A_187 = arith.constant 0 : i32
      %cond3A_188 = arith.cmpi ne, %convert_element_type3A_186, %cond3A_187 : i32
      scf.if %cond3A_188 {
        %add3A_210 = arith.addi %mul3A_13, %add3A_181 : i32
        %add3A_211 = arith.constant 1 : i32
        %add3A_212 = arith.addi %add3A_210, %add3A_211 : i32
        %dma_wait3A_213 = arith.constant 0 : i32
        %dma_wait3A_214 = arith.constant 0 : i32
        %dma_wait3A_215 = tpu.memref_slice %arg3[%add3A_212, %dma_wait3A_213, %dma_wait3A_214] : memref<4992x1x64xi32, #tpu.memory_space<hbm>> -> memref<1x1x64xi32, #tpu.memory_space<hbm>>
        %dma_wait3A_216 = tpu.memref_squeeze %dma_wait3A_215 : memref<1x1x64xi32, #tpu.memory_space<hbm>> -> memref<1x64xi32, #tpu.memory_space<hbm>>
        %dma_wait3A_217 = arith.constant 0 : i32
        %dma_wait3A_218 = arith.constant 0 : i32
        %dma_wait3A_219 = tpu.memref_slice %arg3[%add3A_212, %dma_wait3A_217, %dma_wait3A_218] : memref<4992x1x64xi32, #tpu.memory_space<hbm>> -> memref<1x1x64xi32, #tpu.memory_space<hbm>>
        %dma_wait3A_220 = tpu.memref_squeeze %dma_wait3A_219 : memref<1x1x64xi32, #tpu.memory_space<hbm>> -> memref<1x64xi32, #tpu.memory_space<hbm>>
        tpu.wait_dma2 semaphore(%arg34 : memref<!tpu.dma_semaphore, #tpu.memory_space<semaphore_mem>>) src(%dma_wait3A_220 : memref<1x64xi32, #tpu.memory_space<hbm>>) dst(%arg10 : memref<1x64xi32, #tpu.memory_space<vmem>>)
        %add3A_221 = arith.addi %mul3A_13, %add3A_181 : i32
        %add3A_222 = arith.constant 1 : i32
        %add3A_223 = arith.addi %add3A_221, %add3A_222 : i32
        %dma_wait3A_224 = arith.constant 0 : i32
        %dma_wait3A_225 = arith.constant 0 : i32
        %dma_wait3A_226 = tpu.memref_slice %arg4[%add3A_223, %dma_wait3A_224, %dma_wait3A_225] : memref<4992x1x64xi32, #tpu.memory_space<hbm>> -> memref<1x1x64xi32, #tpu.memory_space<hbm>>
        %dma_wait3A_227 = tpu.memref_squeeze %dma_wait3A_226 : memref<1x1x64xi32, #tpu.memory_space<hbm>> -> memref<1x64xi32, #tpu.memory_space<hbm>>
        %dma_wait3A_228 = arith.constant 0 : i32
        %dma_wait3A_229 = arith.constant 0 : i32
        %dma_wait3A_230 = tpu.memref_slice %arg4[%add3A_223, %dma_wait3A_228, %dma_wait3A_229] : memref<4992x1x64xi32, #tpu.memory_space<hbm>> -> memref<1x1x64xi32, #tpu.memory_space<hbm>>
        %dma_wait3A_231 = tpu.memref_squeeze %dma_wait3A_230 : memref<1x1x64xi32, #tpu.memory_space<hbm>> -> memref<1x64xi32, #tpu.memory_space<hbm>>
        tpu.wait_dma2 semaphore(%arg34 : memref<!tpu.dma_semaphore, #tpu.memory_space<semaphore_mem>>) src(%dma_wait3A_231 : memref<1x64xi32, #tpu.memory_space<hbm>>) dst(%arg14 : memref<1x64xi32, #tpu.memory_space<vmem>>)
        %dma_start3A_232 = arith.constant 0 : i32
        %dma_start3A_233 = arith.constant 0 : i32
        %dma_start3A_234 = tpu.memref_slice %arg10[%dma_start3A_232, %dma_start3A_233] : memref<1x64xi32, #tpu.memory_space<vmem>> -> memref<1x64xi32, #tpu.memory_space<vmem>>
        %dma_start3A_235 = tpu.memref_squeeze %dma_start3A_234 : memref<1x64xi32, #tpu.memory_space<vmem>> -> memref<64xi32, #tpu.memory_space<vmem>>
        %dma_start3A_236 = arith.constant 0 : i32
        %dma_start3A_237 = arith.constant 0 : i32
        %dma_start3A_238 = tpu.memref_slice %arg2[%dma_start3A_236, %dma_start3A_237] : memref<10000x128xf32, #tpu.memory_space<hbm>> -> memref<10000x128xf32, #tpu.memory_space<hbm>>
        tpu.enqueue_indirect_dma source(%dma_start3A_238 : memref<10000x128xf32, #tpu.memory_space<hbm>>) target(%arg18 : memref<64x128xf32, #tpu.memory_space<vmem>>) offsets(%dma_start3A_235 : memref<64xi32, #tpu.memory_space<vmem>>) semaphore(%arg26 : memref<!tpu.dma_semaphore, #tpu.memory_space<semaphore_mem>>)
      } else {
      }
      %dma_wait3A_189 = arith.constant 0 : i32
      %dma_wait3A_190 = arith.constant 0 : i32
      %dma_wait3A_191 = tpu.memref_slice %arg13[%dma_wait3A_189, %dma_wait3A_190] : memref<1x64xi32, #tpu.memory_space<vmem>> -> memref<1x64xi32, #tpu.memory_space<vmem>>
      %dma_wait3A_192 = tpu.memref_squeeze %dma_wait3A_191 : memref<1x64xi32, #tpu.memory_space<vmem>> -> memref<64xi32, #tpu.memory_space<vmem>>
      %dma_wait3A_193 = arith.constant 0 : i32
      %dma_wait3A_194 = arith.constant 0 : i32
      %dma_wait3A_195 = tpu.memref_slice %arg2[%dma_wait3A_193, %dma_wait3A_194] : memref<10000x128xf32, #tpu.memory_space<hbm>> -> memref<10000x128xf32, #tpu.memory_space<hbm>>
      tpu.wait_indirect_dma semaphore(%arg29 : memref<!tpu.dma_semaphore, #tpu.memory_space<semaphore_mem>>) src(%dma_wait3A_195 : memref<10000x128xf32, #tpu.memory_space<hbm>>) dst(%arg21 : memref<64x128xf32, #tpu.memory_space<vmem>>)
      %dma_start3A_196 = arith.constant 0 : i32
      %dma_start3A_197 = arith.constant 0 : i32
      %dma_start3A_198 = tpu.memref_slice %arg17[%dma_start3A_196, %dma_start3A_197] : memref<1x64xi32, #tpu.memory_space<vmem>> -> memref<1x64xi32, #tpu.memory_space<vmem>>
      %dma_start3A_199 = tpu.memref_squeeze %dma_start3A_198 : memref<1x64xi32, #tpu.memory_space<vmem>> -> memref<64xi32, #tpu.memory_space<vmem>>
      %dma_start3A_200 = arith.constant 0 : i32
      %dma_start3A_201 = arith.constant 0 : i32
      %dma_start3A_202 = tpu.memref_slice %arg25[%dma_start3A_200, %dma_start3A_201] : memref<10240x128xf32, #tpu.memory_space<vmem_shared>> -> memref<10240x128xf32, #tpu.memory_space<vmem_shared>>
      tpu.enqueue_indirect_dma source(%arg21 : memref<64x128xf32, #tpu.memory_space<vmem>>) target(%dma_start3A_202 : memref<10240x128xf32, #tpu.memory_space<vmem_shared>>) offsets(%dma_start3A_199 : memref<64xi32, #tpu.memory_space<vmem>>) semaphore(%arg33 : memref<!tpu.dma_semaphore, #tpu.memory_space<semaphore_mem>>) {add = true}
      %add3A_203 = arith.constant 2 : i32
      %add3A_204 = arith.addi %add3A_181, %add3A_203 : i32
      %lt3A_205 = arith.constant 156 : i32
      %lt3A_206 = arith.cmpi slt, %add3A_204, %lt3A_205 : i32
      %convert_element_type3A_207 = arith.extui %lt3A_206 : i1 to i32
      %cond3A_208 = arith.constant 0 : i32
      %cond3A_209 = arith.cmpi ne, %convert_element_type3A_207, %cond3A_208 : i32
      scf.if %cond3A_209 {
        %ge3A = arith.constant 2 : i32
        %ge3A_210 = arith.cmpi sge, %add3A_181, %ge3A : i32
        %convert_element_type3A_211 = arith.extui %ge3A_210 : i1 to i32
        %cond3A_212 = arith.constant 0 : i32
        %cond3A_213 = arith.cmpi ne, %convert_element_type3A_211, %cond3A_212 : i32
        scf.if %cond3A_213 {
          %dma_wait3A_236 = arith.constant 0 : i32
          %dma_wait3A_237 = arith.constant 0 : i32
          %dma_wait3A_238 = tpu.memref_slice %arg15[%dma_wait3A_236, %dma_wait3A_237] : memref<1x64xi32, #tpu.memory_space<vmem>> -> memref<1x64xi32, #tpu.memory_space<vmem>>
          %dma_wait3A_239 = tpu.memref_squeeze %dma_wait3A_238 : memref<1x64xi32, #tpu.memory_space<vmem>> -> memref<64xi32, #tpu.memory_space<vmem>>
          %dma_wait3A_240 = arith.constant 0 : i32
          %dma_wait3A_241 = arith.constant 0 : i32
          %dma_wait3A_242 = tpu.memref_slice %arg25[%dma_wait3A_240, %dma_wait3A_241] : memref<10240x128xf32, #tpu.memory_space<vmem_shared>> -> memref<10240x128xf32, #tpu.memory_space<vmem_shared>>
          tpu.wait_indirect_dma semaphore(%arg31 : memref<!tpu.dma_semaphore, #tpu.memory_space<semaphore_mem>>) src(%arg19 : memref<64x128xf32, #tpu.memory_space<vmem>>) dst(%dma_wait3A_242 : memref<10240x128xf32, #tpu.memory_space<vmem_shared>>)
        } else {
        }
        %add3A_214 = arith.addi %mul3A_13, %add3A_181 : i32
        %add3A_215 = arith.constant 2 : i32
        %add3A_216 = arith.addi %add3A_214, %add3A_215 : i32
        %dma_start3A_217 = arith.constant 0 : i32
        %dma_start3A_218 = arith.constant 0 : i32
        %dma_start3A_219 = tpu.memref_slice %arg3[%add3A_216, %dma_start3A_217, %dma_start3A_218] : memref<4992x1x64xi32, #tpu.memory_space<hbm>> -> memref<1x1x64xi32, #tpu.memory_space<hbm>>
        %dma_start3A_220 = tpu.memref_squeeze %dma_start3A_219 : memref<1x1x64xi32, #tpu.memory_space<hbm>> -> memref<1x64xi32, #tpu.memory_space<hbm>>
        %dma_start3A_221 = arith.constant 0 : i32
        %dma_start3A_222 = arith.constant 0 : i32
        %dma_start3A_223 = tpu.memref_slice %arg3[%add3A_216, %dma_start3A_221, %dma_start3A_222] : memref<4992x1x64xi32, #tpu.memory_space<hbm>> -> memref<1x1x64xi32, #tpu.memory_space<hbm>>
        %dma_start3A_224 = tpu.memref_squeeze %dma_start3A_223 : memref<1x1x64xi32, #tpu.memory_space<hbm>> -> memref<1x64xi32, #tpu.memory_space<hbm>>
        tpu.enqueue_dma source(%dma_start3A_224 : memref<1x64xi32, #tpu.memory_space<hbm>>) target(%arg11 : memref<1x64xi32, #tpu.memory_space<vmem>>) target_semaphore(%arg35 : memref<!tpu.dma_semaphore, #tpu.memory_space<semaphore_mem>>)
        %add3A_225 = arith.addi %mul3A_13, %add3A_181 : i32
        %add3A_226 = arith.constant 2 : i32
        %add3A_227 = arith.addi %add3A_225, %add3A_226 : i32
        %dma_start3A_228 = arith.constant 0 : i32
        %dma_start3A_229 = arith.constant 0 : i32
        %dma_start3A_230 = tpu.memref_slice %arg4[%add3A_227, %dma_start3A_228, %dma_start3A_229] : memref<4992x1x64xi32, #tpu.memory_space<hbm>> -> memref<1x1x64xi32, #tpu.memory_space<hbm>>
        %dma_start3A_231 = tpu.memref_squeeze %dma_start3A_230 : memref<1x1x64xi32, #tpu.memory_space<hbm>> -> memref<1x64xi32, #tpu.memory_space<hbm>>
        %dma_start3A_232 = arith.constant 0 : i32
        %dma_start3A_233 = arith.constant 0 : i32
        %dma_start3A_234 = tpu.memref_slice %arg4[%add3A_227, %dma_start3A_232, %dma_start3A_233] : memref<4992x1x64xi32, #tpu.memory_space<hbm>> -> memref<1x1x64xi32, #tpu.memory_space<hbm>>
        %dma_start3A_235 = tpu.memref_squeeze %dma_start3A_234 : memref<1x1x64xi32, #tpu.memory_space<hbm>> -> memref<1x64xi32, #tpu.memory_space<hbm>>
        tpu.enqueue_dma source(%dma_start3A_235 : memref<1x64xi32, #tpu.memory_space<hbm>>) target(%arg15 : memref<1x64xi32, #tpu.memory_space<vmem>>) target_semaphore(%arg35 : memref<!tpu.dma_semaphore, #tpu.memory_space<semaphore_mem>>)
      } else {
      }
    }
    %scan3A_44 = arith.constant 39 : i32
    "tpu.region"() ({
      %run_scoped3A_90 = tpu.sem_alloc : memref<!tpu.dma_semaphore, #tpu.memory_space<semaphore_mem>>
      %dma_start3A_91 = arith.constant 0 : i32
      %dma_start3A_92 = arith.constant 0 : i32
      %dma_start3A_93 = tpu.memref_slice %arg5[%add3A, %dma_start3A_91, %dma_start3A_92] : memref<32x1x16xi32, #tpu.memory_space<hbm>> -> memref<1x1x16xi32, #tpu.memory_space<hbm>>
      %dma_start3A_94 = tpu.memref_squeeze %dma_start3A_93 : memref<1x1x16xi32, #tpu.memory_space<hbm>> -> memref<1x16xi32, #tpu.memory_space<hbm>>
      %dma_start3A_95 = arith.constant 0 : i32
      %dma_start3A_96 = arith.constant 0 : i32
      %dma_start3A_97 = tpu.memref_slice %arg5[%add3A, %dma_start3A_95, %dma_start3A_96] : memref<32x1x16xi32, #tpu.memory_space<hbm>> -> memref<1x1x16xi32, #tpu.memory_space<hbm>>
      %dma_start3A_98 = tpu.memref_squeeze %dma_start3A_97 : memref<1x1x16xi32, #tpu.memory_space<hbm>> -> memref<1x16xi32, #tpu.memory_space<hbm>>
      tpu.enqueue_dma source(%dma_start3A_98 : memref<1x16xi32, #tpu.memory_space<hbm>>) target(%arg22 : memref<1x16xi32, #tpu.memory_space<vmem>>) target_semaphore(%run_scoped3A_90 : memref<!tpu.dma_semaphore, #tpu.memory_space<semaphore_mem>>)
      %dma_wait3A_99 = arith.constant 0 : i32
      %dma_wait3A_100 = arith.constant 0 : i32
      %dma_wait3A_101 = tpu.memref_slice %arg5[%add3A, %dma_wait3A_99, %dma_wait3A_100] : memref<32x1x16xi32, #tpu.memory_space<hbm>> -> memref<1x1x16xi32, #tpu.memory_space<hbm>>
      %dma_wait3A_102 = tpu.memref_squeeze %dma_wait3A_101 : memref<1x1x16xi32, #tpu.memory_space<hbm>> -> memref<1x16xi32, #tpu.memory_space<hbm>>
      %dma_wait3A_103 = arith.constant 0 : i32
      %dma_wait3A_104 = arith.constant 0 : i32
      %dma_wait3A_105 = tpu.memref_slice %arg5[%add3A, %dma_wait3A_103, %dma_wait3A_104] : memref<32x1x16xi32, #tpu.memory_space<hbm>> -> memref<1x1x16xi32, #tpu.memory_space<hbm>>
      %dma_wait3A_106 = tpu.memref_squeeze %dma_wait3A_105 : memref<1x1x16xi32, #tpu.memory_space<hbm>> -> memref<1x16xi32, #tpu.memory_space<hbm>>
      tpu.wait_dma2 semaphore(%run_scoped3A_90 : memref<!tpu.dma_semaphore, #tpu.memory_space<semaphore_mem>>) src(%dma_wait3A_106 : memref<1x16xi32, #tpu.memory_space<hbm>>) dst(%arg22 : memref<1x16xi32, #tpu.memory_space<vmem>>)
      tpu.yield
    }) : () -> ()
    "tpu.region"() ({
      %run_scoped3A_90 = tpu.sem_alloc : memref<!tpu.dma_semaphore, #tpu.memory_space<semaphore_mem>>
      %dma_start3A_91 = arith.constant 0 : i32
      %dma_start3A_92 = arith.constant 0 : i32
      %dma_start3A_93 = tpu.memref_slice %arg6[%add3A, %dma_start3A_91, %dma_start3A_92] : memref<32x1x16xi32, #tpu.memory_space<hbm>> -> memref<1x1x16xi32, #tpu.memory_space<hbm>>
      %dma_start3A_94 = tpu.memref_squeeze %dma_start3A_93 : memref<1x1x16xi32, #tpu.memory_space<hbm>> -> memref<1x16xi32, #tpu.memory_space<hbm>>
      %dma_start3A_95 = arith.constant 0 : i32
      %dma_start3A_96 = arith.constant 0 : i32
      %dma_start3A_97 = tpu.memref_slice %arg6[%add3A, %dma_start3A_95, %dma_start3A_96] : memref<32x1x16xi32, #tpu.memory_space<hbm>> -> memref<1x1x16xi32, #tpu.memory_space<hbm>>
      %dma_start3A_98 = tpu.memref_squeeze %dma_start3A_97 : memref<1x1x16xi32, #tpu.memory_space<hbm>> -> memref<1x16xi32, #tpu.memory_space<hbm>>
      tpu.enqueue_dma source(%dma_start3A_98 : memref<1x16xi32, #tpu.memory_space<hbm>>) target(%arg23 : memref<1x16xi32, #tpu.memory_space<vmem>>) target_semaphore(%run_scoped3A_90 : memref<!tpu.dma_semaphore, #tpu.memory_space<semaphore_mem>>)
      %dma_wait3A_99 = arith.constant 0 : i32
      %dma_wait3A_100 = arith.constant 0 : i32
      %dma_wait3A_101 = tpu.memref_slice %arg6[%add3A, %dma_wait3A_99, %dma_wait3A_100] : memref<32x1x16xi32, #tpu.memory_space<hbm>> -> memref<1x1x16xi32, #tpu.memory_space<hbm>>
      %dma_wait3A_102 = tpu.memref_squeeze %dma_wait3A_101 : memref<1x1x16xi32, #tpu.memory_space<hbm>> -> memref<1x16xi32, #tpu.memory_space<hbm>>
      %dma_wait3A_103 = arith.constant 0 : i32
      %dma_wait3A_104 = arith.constant 0 : i32
      %dma_wait3A_105 = tpu.memref_slice %arg6[%add3A, %dma_wait3A_103, %dma_wait3A_104] : memref<32x1x16xi32, #tpu.memory_space<hbm>> -> memref<1x1x16xi32, #tpu.memory_space<hbm>>
      %dma_wait3A_106 = tpu.memref_squeeze %dma_wait3A_105 : memref<1x1x16xi32, #tpu.memory_space<hbm>> -> memref<1x16xi32, #tpu.memory_space<hbm>>
      tpu.wait_dma2 semaphore(%run_scoped3A_90 : memref<!tpu.dma_semaphore, #tpu.memory_space<semaphore_mem>>) src(%dma_wait3A_106 : memref<1x16xi32, #tpu.memory_space<hbm>>) dst(%arg23 : memref<1x16xi32, #tpu.memory_space<vmem>>)
      tpu.yield
    }) : () -> ()
    %run_scoped3A = arith.constant 0 : i32
    "tpu.region"() ({
      %run_scoped3A_90 = tpu.sem_alloc : memref<!tpu.dma_semaphore, #tpu.memory_space<semaphore_mem>>
      %dma_start3A_91 = arith.constant 0 : i32
      %dma_start3A_92 = tpu.memref_slice %arg22[%run_scoped3A, %dma_start3A_91] : memref<1x16xi32, #tpu.memory_space<vmem>> -> memref<1x16xi32, #tpu.memory_space<vmem>>
      %dma_start3A_93 = tpu.memref_squeeze %dma_start3A_92 : memref<1x16xi32, #tpu.memory_space<vmem>> -> memref<16xi32, #tpu.memory_space<vmem>>
      %dma_start3A_94 = arith.constant 0 : i32
      %dma_start3A_95 = arith.constant 0 : i32
      %dma_start3A_96 = tpu.memref_slice %arg2[%dma_start3A_94, %dma_start3A_95] : memref<10000x128xf32, #tpu.memory_space<hbm>> -> memref<10000x128xf32, #tpu.memory_space<hbm>>
      tpu.enqueue_indirect_dma source(%dma_start3A_96 : memref<10000x128xf32, #tpu.memory_space<hbm>>) target(%arg24 : memref<16x128xf32, #tpu.memory_space<vmem>>) offsets(%dma_start3A_93 : memref<16xi32, #tpu.memory_space<vmem>>) semaphore(%run_scoped3A_90 : memref<!tpu.dma_semaphore, #tpu.memory_space<semaphore_mem>>)
      %dma_wait3A_97 = arith.constant 0 : i32
      %dma_wait3A_98 = tpu.memref_slice %arg22[%run_scoped3A, %dma_wait3A_97] : memref<1x16xi32, #tpu.memory_space<vmem>> -> memref<1x16xi32, #tpu.memory_space<vmem>>
      %dma_wait3A_99 = tpu.memref_squeeze %dma_wait3A_98 : memref<1x16xi32, #tpu.memory_space<vmem>> -> memref<16xi32, #tpu.memory_space<vmem>>
      %dma_wait3A_100 = arith.constant 0 : i32
      %dma_wait3A_101 = arith.constant 0 : i32
      %dma_wait3A_102 = tpu.memref_slice %arg2[%dma_wait3A_100, %dma_wait3A_101] : memref<10000x128xf32, #tpu.memory_space<hbm>> -> memref<10000x128xf32, #tpu.memory_space<hbm>>
      tpu.wait_indirect_dma semaphore(%run_scoped3A_90 : memref<!tpu.dma_semaphore, #tpu.memory_space<semaphore_mem>>) src(%dma_wait3A_102 : memref<10000x128xf32, #tpu.memory_space<hbm>>) dst(%arg24 : memref<16x128xf32, #tpu.memory_space<vmem>>)
      tpu.yield
    }) : () -> ()
    %run_scoped3A_45 = arith.constant 0 : i32
    "tpu.region"() ({
      %run_scoped3A_90 = tpu.sem_alloc : memref<!tpu.dma_semaphore, #tpu.memory_space<semaphore_mem>>
      %dma_start3A_91 = arith.constant 0 : i32
      %dma_start3A_92 = tpu.memref_slice %arg23[%run_scoped3A_45, %dma_start3A_91] : memref<1x16xi32, #tpu.memory_space<vmem>> -> memref<1x16xi32, #tpu.memory_space<vmem>>
      %dma_start3A_93 = tpu.memref_squeeze %dma_start3A_92 : memref<1x16xi32, #tpu.memory_space<vmem>> -> memref<16xi32, #tpu.memory_space<vmem>>
      %dma_start3A_94 = arith.constant 0 : i32
      %dma_start3A_95 = arith.constant 0 : i32
      %dma_start3A_96 = tpu.memref_slice %arg25[%dma_start3A_94, %dma_start3A_95] : memref<10240x128xf32, #tpu.memory_space<vmem_shared>> -> memref<10240x128xf32, #tpu.memory_space<vmem_shared>>
      tpu.enqueue_indirect_dma source(%arg24 : memref<16x128xf32, #tpu.memory_space<vmem>>) target(%dma_start3A_96 : memref<10240x128xf32, #tpu.memory_space<vmem_shared>>) offsets(%dma_start3A_93 : memref<16xi32, #tpu.memory_space<vmem>>) semaphore(%run_scoped3A_90 : memref<!tpu.dma_semaphore, #tpu.memory_space<semaphore_mem>>) {add = true}
      %dma_wait3A_97 = arith.constant 0 : i32
      %dma_wait3A_98 = tpu.memref_slice %arg23[%run_scoped3A_45, %dma_wait3A_97] : memref<1x16xi32, #tpu.memory_space<vmem>> -> memref<1x16xi32, #tpu.memory_space<vmem>>
      %dma_wait3A_99 = tpu.memref_squeeze %dma_wait3A_98 : memref<1x16xi32, #tpu.memory_space<vmem>> -> memref<16xi32, #tpu.memory_space<vmem>>
      %dma_wait3A_100 = arith.constant 0 : i32
      %dma_wait3A_101 = arith.constant 0 : i32
      %dma_wait3A_102 = tpu.memref_slice %arg25[%dma_wait3A_100, %dma_wait3A_101] : memref<10240x128xf32, #tpu.memory_space<vmem_shared>> -> memref<10240x128xf32, #tpu.memory_space<vmem_shared>>
      tpu.wait_indirect_dma semaphore(%run_scoped3A_90 : memref<!tpu.dma_semaphore, #tpu.memory_space<semaphore_mem>>) src(%arg24 : memref<16x128xf32, #tpu.memory_space<vmem>>) dst(%dma_wait3A_102 : memref<10240x128xf32, #tpu.memory_space<vmem_shared>>)
      tpu.yield
    }) : () -> ()
    %dma_wait3A = arith.constant 0 : i32
    %dma_wait3A_46 = arith.constant 0 : i32
    %dma_wait3A_47 = tpu.memref_slice %arg14[%dma_wait3A, %dma_wait3A_46] : memref<1x64xi32, #tpu.memory_space<vmem>> -> memref<1x64xi32, #tpu.memory_space<vmem>>
    %dma_wait3A_48 = tpu.memref_squeeze %dma_wait3A_47 : memref<1x64xi32, #tpu.memory_space<vmem>> -> memref<64xi32, #tpu.memory_space<vmem>>
    %dma_wait3A_49 = arith.constant 0 : i32
    %dma_wait3A_50 = arith.constant 0 : i32
    %dma_wait3A_51 = tpu.memref_slice %arg25[%dma_wait3A_49, %dma_wait3A_50] : memref<10240x128xf32, #tpu.memory_space<vmem_shared>> -> memref<10240x128xf32, #tpu.memory_space<vmem_shared>>
    tpu.wait_indirect_dma semaphore(%arg30 : memref<!tpu.dma_semaphore, #tpu.memory_space<semaphore_mem>>) src(%arg18 : memref<64x128xf32, #tpu.memory_space<vmem>>) dst(%dma_wait3A_51 : memref<10240x128xf32, #tpu.memory_space<vmem_shared>>)
    %dma_wait3A_52 = arith.constant 0 : i32
    %dma_wait3A_53 = arith.constant 0 : i32
    %dma_wait3A_54 = tpu.memref_slice %arg15[%dma_wait3A_52, %dma_wait3A_53] : memref<1x64xi32, #tpu.memory_space<vmem>> -> memref<1x64xi32, #tpu.memory_space<vmem>>
    %dma_wait3A_55 = tpu.memref_squeeze %dma_wait3A_54 : memref<1x64xi32, #tpu.memory_space<vmem>> -> memref<64xi32, #tpu.memory_space<vmem>>
    %dma_wait3A_56 = arith.constant 0 : i32
    %dma_wait3A_57 = arith.constant 0 : i32
    %dma_wait3A_58 = tpu.memref_slice %arg25[%dma_wait3A_56, %dma_wait3A_57] : memref<10240x128xf32, #tpu.memory_space<vmem_shared>> -> memref<10240x128xf32, #tpu.memory_space<vmem_shared>>
    tpu.wait_indirect_dma semaphore(%arg31 : memref<!tpu.dma_semaphore, #tpu.memory_space<semaphore_mem>>) src(%arg19 : memref<64x128xf32, #tpu.memory_space<vmem>>) dst(%dma_wait3A_58 : memref<10240x128xf32, #tpu.memory_space<vmem_shared>>)
    %dma_wait3A_59 = arith.constant 0 : i32
    %dma_wait3A_60 = arith.constant 0 : i32
    %dma_wait3A_61 = tpu.memref_slice %arg16[%dma_wait3A_59, %dma_wait3A_60] : memref<1x64xi32, #tpu.memory_space<vmem>> -> memref<1x64xi32, #tpu.memory_space<vmem>>
    %dma_wait3A_62 = tpu.memref_squeeze %dma_wait3A_61 : memref<1x64xi32, #tpu.memory_space<vmem>> -> memref<64xi32, #tpu.memory_space<vmem>>
    %dma_wait3A_63 = arith.constant 0 : i32
    %dma_wait3A_64 = arith.constant 0 : i32
    %dma_wait3A_65 = tpu.memref_slice %arg25[%dma_wait3A_63, %dma_wait3A_64] : memref<10240x128xf32, #tpu.memory_space<vmem_shared>> -> memref<10240x128xf32, #tpu.memory_space<vmem_shared>>
    tpu.wait_indirect_dma semaphore(%arg32 : memref<!tpu.dma_semaphore, #tpu.memory_space<semaphore_mem>>) src(%arg20 : memref<64x128xf32, #tpu.memory_space<vmem>>) dst(%dma_wait3A_65 : memref<10240x128xf32, #tpu.memory_space<vmem_shared>>)
    %dma_wait3A_66 = arith.constant 0 : i32
    %dma_wait3A_67 = arith.constant 0 : i32
    %dma_wait3A_68 = tpu.memref_slice %arg17[%dma_wait3A_66, %dma_wait3A_67] : memref<1x64xi32, #tpu.memory_space<vmem>> -> memref<1x64xi32, #tpu.memory_space<vmem>>
    %dma_wait3A_69 = tpu.memref_squeeze %dma_wait3A_68 : memref<1x64xi32, #tpu.memory_space<vmem>> -> memref<64xi32, #tpu.memory_space<vmem>>
    %dma_wait3A_70 = arith.constant 0 : i32
    %dma_wait3A_71 = arith.constant 0 : i32
    %dma_wait3A_72 = tpu.memref_slice %arg25[%dma_wait3A_70, %dma_wait3A_71] : memref<10240x128xf32, #tpu.memory_space<vmem_shared>> -> memref<10240x128xf32, #tpu.memory_space<vmem_shared>>
    tpu.wait_indirect_dma semaphore(%arg33 : memref<!tpu.dma_semaphore, #tpu.memory_space<semaphore_mem>>) src(%arg21 : memref<64x128xf32, #tpu.memory_space<vmem>>) dst(%dma_wait3A_72 : memref<10240x128xf32, #tpu.memory_space<vmem_shared>>)
    %barrier3A_73 = arith.constant 0 : index
    tpu.barrier barrier_id(%barrier3A_73)
    %mul3A_74 = arith.constant 10240 : i32
    %mul3A_75 = arith.muli %arg0, %mul3A_74 : i32
    %add3A_76 = arith.addi %mul3A_75, %mul3A_2 : i32
    %scan3A_77 = arith.constant 0 : i32
    %scan3A_78 = arith.constant 5 : i32
    %scan3A_79 = arith.addi %scan3A_77, %scan3A_78 : i32
    %scan3A_80 = arith.constant 1 : i32
    scf.for %scan3A_90 = %scan3A_77 to %scan3A_79 step %scan3A_80  : i32 {
      %mul3A_91 = arith.constant 2 : i32
      %mul3A_92 = arith.muli %scan3A_90, %mul3A_91 : i32
      %add3A_93 = arith.constant 0 : i32
      %add3A_94 = arith.addi %add3A_93, %mul3A_92 : i32
      %ge3A = arith.constant 2 : i32
      %ge3A_95 = arith.cmpi sge, %add3A_94, %ge3A : i32
      %convert_element_type3A = arith.extui %ge3A_95 : i1 to i32
      %cond3A = arith.constant 0 : i32
      %cond3A_96 = arith.cmpi ne, %convert_element_type3A, %cond3A : i32
      scf.if %cond3A_96 {
        %dma_wait3A_121 = arith.constant 0 : i32
        %dma_wait3A_122 = tpu.memref_slice %arg9[%add3A_76, %dma_wait3A_121] : memref<20480x128xf32, #tpu.memory_space<hbm>> -> memref<64x128xf32, #tpu.memory_space<hbm>>
        %dma_wait3A_123 = arith.constant 0 : i32
        %dma_wait3A_124 = tpu.memref_slice %arg9[%add3A_76, %dma_wait3A_123] : memref<20480x128xf32, #tpu.memory_space<hbm>> -> memref<64x128xf32, #tpu.memory_space<hbm>>
        tpu.wait_dma2 semaphore(%arg26 : memref<!tpu.dma_semaphore, #tpu.memory_space<semaphore_mem>>) src(%arg18 : memref<64x128xf32, #tpu.memory_space<vmem>>) dst(%dma_wait3A_124 : memref<64x128xf32, #tpu.memory_space<hbm>>)
        %dma_wait3A_125 = arith.constant 0 : i32
        %dma_wait3A_126 = tpu.memref_slice %arg9[%add3A_76, %dma_wait3A_125] : memref<20480x128xf32, #tpu.memory_space<hbm>> -> memref<64x128xf32, #tpu.memory_space<hbm>>
        %dma_wait3A_127 = arith.constant 0 : i32
        %dma_wait3A_128 = tpu.memref_slice %arg9[%add3A_76, %dma_wait3A_127] : memref<20480x128xf32, #tpu.memory_space<hbm>> -> memref<64x128xf32, #tpu.memory_space<hbm>>
        tpu.wait_dma2 semaphore(%arg27 : memref<!tpu.dma_semaphore, #tpu.memory_space<semaphore_mem>>) src(%arg19 : memref<64x128xf32, #tpu.memory_space<vmem>>) dst(%dma_wait3A_128 : memref<64x128xf32, #tpu.memory_space<hbm>>)
      } else {
      }
      %mul3A_97 = arith.constant 64 : i32
      %mul3A_98 = arith.muli %add3A_94, %mul3A_97 : i32
      %add3A_99 = arith.addi %mul3A_2, %mul3A_98 : i32
      "tpu.region"() ({
        %run_scoped3A_121 = tpu.sem_alloc : memref<!tpu.dma_semaphore, #tpu.memory_space<semaphore_mem>>
        %dma_start3A_122 = arith.constant 0 : i32
        %dma_start3A_123 = tpu.memref_slice %arg25[%add3A_99, %dma_start3A_122] : memref<10240x128xf32, #tpu.memory_space<vmem_shared>> -> memref<64x128xf32, #tpu.memory_space<vmem_shared>>
        %dma_start3A_124 = arith.constant 0 : i32
        %dma_start3A_125 = tpu.memref_slice %arg25[%add3A_99, %dma_start3A_124] : memref<10240x128xf32, #tpu.memory_space<vmem_shared>> -> memref<64x128xf32, #tpu.memory_space<vmem_shared>>
        tpu.enqueue_dma source(%dma_start3A_125 : memref<64x128xf32, #tpu.memory_space<vmem_shared>>) target(%arg18 : memref<64x128xf32, #tpu.memory_space<vmem>>) target_semaphore(%run_scoped3A_121 : memref<!tpu.dma_semaphore, #tpu.memory_space<semaphore_mem>>)
        %dma_wait3A_126 = arith.constant 0 : i32
        %dma_wait3A_127 = tpu.memref_slice %arg25[%add3A_99, %dma_wait3A_126] : memref<10240x128xf32, #tpu.memory_space<vmem_shared>> -> memref<64x128xf32, #tpu.memory_space<vmem_shared>>
        %dma_wait3A_128 = arith.constant 0 : i32
        %dma_wait3A_129 = tpu.memref_slice %arg25[%add3A_99, %dma_wait3A_128] : memref<10240x128xf32, #tpu.memory_space<vmem_shared>> -> memref<64x128xf32, #tpu.memory_space<vmem_shared>>
        tpu.wait_dma2 semaphore(%run_scoped3A_121 : memref<!tpu.dma_semaphore, #tpu.memory_space<semaphore_mem>>) src(%dma_wait3A_129 : memref<64x128xf32, #tpu.memory_space<vmem_shared>>) dst(%arg18 : memref<64x128xf32, #tpu.memory_space<vmem>>)
        tpu.yield
      }) : () -> ()
      %mul3A_100 = arith.constant 64 : i32
      %mul3A_101 = arith.muli %add3A_94, %mul3A_100 : i32
      %add3A_102 = arith.addi %add3A_76, %mul3A_101 : i32
      %dma_start3A_103 = arith.constant 0 : i32
      %dma_start3A_104 = tpu.memref_slice %arg9[%add3A_102, %dma_start3A_103] : memref<20480x128xf32, #tpu.memory_space<hbm>> -> memref<64x128xf32, #tpu.memory_space<hbm>>
      %dma_start3A_105 = arith.constant 0 : i32
      %dma_start3A_106 = tpu.memref_slice %arg9[%add3A_102, %dma_start3A_105] : memref<20480x128xf32, #tpu.memory_space<hbm>> -> memref<64x128xf32, #tpu.memory_space<hbm>>
      tpu.enqueue_dma source(%arg18 : memref<64x128xf32, #tpu.memory_space<vmem>>) target(%dma_start3A_106 : memref<64x128xf32, #tpu.memory_space<hbm>>) target_semaphore(%arg26 : memref<!tpu.dma_semaphore, #tpu.memory_space<semaphore_mem>>)
      %add3A_107 = arith.constant 1 : i32
      %add3A_108 = arith.addi %add3A_94, %add3A_107 : i32
      %mul3A_109 = arith.constant 64 : i32
      %mul3A_110 = arith.muli %add3A_108, %mul3A_109 : i32
      %add3A_111 = arith.addi %mul3A_2, %mul3A_110 : i32
      "tpu.region"() ({
        %run_scoped3A_121 = tpu.sem_alloc : memref<!tpu.dma_semaphore, #tpu.memory_space<semaphore_mem>>
        %dma_start3A_122 = arith.constant 0 : i32
        %dma_start3A_123 = tpu.memref_slice %arg25[%add3A_111, %dma_start3A_122] : memref<10240x128xf32, #tpu.memory_space<vmem_shared>> -> memref<64x128xf32, #tpu.memory_space<vmem_shared>>
        %dma_start3A_124 = arith.constant 0 : i32
        %dma_start3A_125 = tpu.memref_slice %arg25[%add3A_111, %dma_start3A_124] : memref<10240x128xf32, #tpu.memory_space<vmem_shared>> -> memref<64x128xf32, #tpu.memory_space<vmem_shared>>
        tpu.enqueue_dma source(%dma_start3A_125 : memref<64x128xf32, #tpu.memory_space<vmem_shared>>) target(%arg19 : memref<64x128xf32, #tpu.memory_space<vmem>>) target_semaphore(%run_scoped3A_121 : memref<!tpu.dma_semaphore, #tpu.memory_space<semaphore_mem>>)
        %dma_wait3A_126 = arith.constant 0 : i32
        %dma_wait3A_127 = tpu.memref_slice %arg25[%add3A_111, %dma_wait3A_126] : memref<10240x128xf32, #tpu.memory_space<vmem_shared>> -> memref<64x128xf32, #tpu.memory_space<vmem_shared>>
        %dma_wait3A_128 = arith.constant 0 : i32
        %dma_wait3A_129 = tpu.memref_slice %arg25[%add3A_111, %dma_wait3A_128] : memref<10240x128xf32, #tpu.memory_space<vmem_shared>> -> memref<64x128xf32, #tpu.memory_space<vmem_shared>>
        tpu.wait_dma2 semaphore(%run_scoped3A_121 : memref<!tpu.dma_semaphore, #tpu.memory_space<semaphore_mem>>) src(%dma_wait3A_129 : memref<64x128xf32, #tpu.memory_space<vmem_shared>>) dst(%arg19 : memref<64x128xf32, #tpu.memory_space<vmem>>)
        tpu.yield
      }) : () -> ()
      %add3A_112 = arith.constant 1 : i32
      %add3A_113 = arith.addi %add3A_94, %add3A_112 : i32
      %mul3A_114 = arith.constant 64 : i32
      %mul3A_115 = arith.muli %add3A_113, %mul3A_114 : i32
      %add3A_116 = arith.addi %add3A_76, %mul3A_115 : i32
      %dma_start3A_117 = arith.constant 0 : i32
      %dma_start3A_118 = tpu.memref_slice %arg9[%add3A_116, %dma_start3A_117] : memref<20480x128xf32, #tpu.memory_space<hbm>> -> memref<64x128xf32, #tpu.memory_space<hbm>>
      %dma_start3A_119 = arith.constant 0 : i32
      %dma_start3A_120 = tpu.memref_slice %arg9[%add3A_116, %dma_start3A_119] : memref<20480x128xf32, #tpu.memory_space<hbm>> -> memref<64x128xf32, #tpu.memory_space<hbm>>
      tpu.enqueue_dma source(%arg19 : memref<64x128xf32, #tpu.memory_space<vmem>>) target(%dma_start3A_120 : memref<64x128xf32, #tpu.memory_space<hbm>>) target_semaphore(%arg27 : memref<!tpu.dma_semaphore, #tpu.memory_space<semaphore_mem>>)
    }
    %scan3A_81 = arith.constant 5 : i32
    %dma_wait3A_82 = arith.constant 0 : i32
    %dma_wait3A_83 = tpu.memref_slice %arg9[%add3A_76, %dma_wait3A_82] : memref<20480x128xf32, #tpu.memory_space<hbm>> -> memref<64x128xf32, #tpu.memory_space<hbm>>
    %dma_wait3A_84 = arith.constant 0 : i32
    %dma_wait3A_85 = tpu.memref_slice %arg9[%add3A_76, %dma_wait3A_84] : memref<20480x128xf32, #tpu.memory_space<hbm>> -> memref<64x128xf32, #tpu.memory_space<hbm>>
    tpu.wait_dma2 semaphore(%arg26 : memref<!tpu.dma_semaphore, #tpu.memory_space<semaphore_mem>>) src(%arg18 : memref<64x128xf32, #tpu.memory_space<vmem>>) dst(%dma_wait3A_85 : memref<64x128xf32, #tpu.memory_space<hbm>>)
    %dma_wait3A_86 = arith.constant 0 : i32
    %dma_wait3A_87 = tpu.memref_slice %arg9[%add3A_76, %dma_wait3A_86] : memref<20480x128xf32, #tpu.memory_space<hbm>> -> memref<64x128xf32, #tpu.memory_space<hbm>>
    %dma_wait3A_88 = arith.constant 0 : i32
    %dma_wait3A_89 = tpu.memref_slice %arg9[%add3A_76, %dma_wait3A_88] : memref<20480x128xf32, #tpu.memory_space<hbm>> -> memref<64x128xf32, #tpu.memory_space<hbm>>
    tpu.wait_dma2 semaphore(%arg27 : memref<!tpu.dma_semaphore, #tpu.memory_space<semaphore_mem>>) src(%arg19 : memref<64x128xf32, #tpu.memory_space<vmem>>) dst(%dma_wait3A_89 : memref<64x128xf32, #tpu.memory_space<hbm>>)
    return
  }
}

#map = affine_map<(d0, d1) -> (0, 0)>
#map1 = affine_map<(d0, d1) -> (0, 0, 0)>
#map2 = affine_map<(d0, d1) -> (0)>
module attributes {stable_mosaic.version = 14 : i64} {
  func.func @body(%arg0: i32, %arg1: i32, %arg2: memref<10000x128xf32, #tpu.memory_space<hbm>>, %arg3: memref<4992x1x64xi32, #tpu.memory_space<hbm>>, %arg4: memref<4992x1x64xi32, #tpu.memory_space<hbm>>, %arg5: memref<32x1x16xi32, #tpu.memory_space<hbm>>, %arg6: memref<32x1x16xi32, #tpu.memory_space<hbm>>, %arg7: memref<64x128xf32, #tpu.memory_space<hbm>>, %arg8: memref<10240xf32, #tpu.memory_space<hbm>>, %arg9: memref<20480x128xf32, #tpu.memory_space<hbm>>, %arg10: memref<32x10240xf32, #tpu.memory_space<hbm>>, %arg11: memref<1x64xi32, #tpu.memory_space<vmem>>, %arg12: memref<1x64xi32, #tpu.memory_space<vmem>>, %arg13: memref<1x64xi32, #tpu.memory_space<vmem>>, %arg14: memref<1x64xi32, #tpu.memory_space<vmem>>, %arg15: memref<1x64xi32, #tpu.memory_space<vmem>>, %arg16: memref<1x64xi32, #tpu.memory_space<vmem>>, %arg17: memref<1x64xi32, #tpu.memory_space<vmem>>, %arg18: memref<1x64xi32, #tpu.memory_space<vmem>>, %arg19: memref<64x128xf32, #tpu.memory_space<vmem>>, %arg20: memref<64x128xf32, #tpu.memory_space<vmem>>, %arg21: memref<64x128xf32, #tpu.memory_space<vmem>>, %arg22: memref<64x128xf32, #tpu.memory_space<vmem>>, %arg23: memref<1x16xi32, #tpu.memory_space<vmem>>, %arg24: memref<1x16xi32, #tpu.memory_space<vmem>>, %arg25: memref<16x128xf32, #tpu.memory_space<vmem>>, %arg26: memref<10240x128xf32, #tpu.memory_space<vmem_shared>>, %arg27: memref<!tpu.dma_semaphore, #tpu.memory_space<semaphore_mem>>, %arg28: memref<!tpu.dma_semaphore, #tpu.memory_space<semaphore_mem>>, %arg29: memref<!tpu.dma_semaphore, #tpu.memory_space<semaphore_mem>>, %arg30: memref<!tpu.dma_semaphore, #tpu.memory_space<semaphore_mem>>, %arg31: memref<!tpu.dma_semaphore, #tpu.memory_space<semaphore_mem>>, %arg32: memref<!tpu.dma_semaphore, #tpu.memory_space<semaphore_mem>>, %arg33: memref<!tpu.dma_semaphore, #tpu.memory_space<semaphore_mem>>, %arg34: memref<!tpu.dma_semaphore, #tpu.memory_space<semaphore_mem>>, %arg35: memref<!tpu.dma_semaphore, #tpu.memory_space<semaphore_mem>>, %arg36: memref<!tpu.dma_semaphore, #tpu.memory_space<semaphore_mem>>, %arg37: memref<!tpu.dma_semaphore, #tpu.memory_space<semaphore_mem>>, %arg38: memref<!tpu.dma_semaphore, #tpu.memory_space<semaphore_mem>>, %arg39: memref<10240xf32, #tpu.memory_space<vmem>>) attributes {dimension_semantics = [#tpu.dimension_semantics<core_parallel>, #tpu.dimension_semantics<subcore_parallel>], iteration_bounds = array<i64: 2, 16>, scalar_prefetch = 0 : i64, scratch_operands = 29 : i64, tpu.core_type = #tpu.core_type<sc_vector_subcore>, window_params = [{transform_indices = #map}, {transform_indices = #map1}, {transform_indices = #map1}, {transform_indices = #map1}, {transform_indices = #map1}, {transform_indices = #map}, {transform_indices = #map2}, {transform_indices = #map}, {transform_indices = #map}]} {
    %mul3A = arith.constant 2 : i32
    %mul3A_0 = arith.muli %arg1, %mul3A : i32
    %add3A = arith.addi %mul3A_0, %arg0 : i32
    %mul3A_1 = arith.constant 640 : i32
    %mul3A_2 = arith.muli %arg1, %mul3A_1 : i32
    "tpu.region"() ({
      %run_scoped3A_94 = tpu.sem_alloc : memref<!tpu.dma_semaphore, #tpu.memory_space<semaphore_mem>>
      tpu.enqueue_dma source(%arg8 : memref<10240xf32, #tpu.memory_space<hbm>>) target(%arg39 : memref<10240xf32, #tpu.memory_space<vmem>>) target_semaphore(%run_scoped3A_94 : memref<!tpu.dma_semaphore, #tpu.memory_space<semaphore_mem>>)
      tpu.wait_dma2 semaphore(%run_scoped3A_94 : memref<!tpu.dma_semaphore, #tpu.memory_space<semaphore_mem>>) src(%arg8 : memref<10240xf32, #tpu.memory_space<hbm>>) dst(%arg39 : memref<10240xf32, #tpu.memory_space<vmem>>)
      tpu.yield
    }) : () -> ()
    "tpu.region"() ({
      %run_scoped3A_94 = tpu.sem_alloc : memref<!tpu.dma_semaphore, #tpu.memory_space<semaphore_mem>>
      tpu.enqueue_dma source(%arg7 : memref<64x128xf32, #tpu.memory_space<hbm>>) target(%arg19 : memref<64x128xf32, #tpu.memory_space<vmem>>) target_semaphore(%run_scoped3A_94 : memref<!tpu.dma_semaphore, #tpu.memory_space<semaphore_mem>>)
      tpu.wait_dma2 semaphore(%run_scoped3A_94 : memref<!tpu.dma_semaphore, #tpu.memory_space<semaphore_mem>>) src(%arg7 : memref<64x128xf32, #tpu.memory_space<hbm>>) dst(%arg19 : memref<64x128xf32, #tpu.memory_space<vmem>>)
      tpu.yield
    }) : () -> ()
    %scan3A = arith.constant 0 : i32
    %scan3A_3 = arith.constant 10 : i32
    %scan3A_4 = arith.addi %scan3A, %scan3A_3 : i32
    %scan3A_5 = arith.constant 1 : i32
    scf.for %scan3A_94 = %scan3A to %scan3A_4 step %scan3A_5  : i32 {
      %mul3A_95 = arith.constant 1 : i32
      %mul3A_96 = arith.muli %scan3A_94, %mul3A_95 : i32
      %add3A_97 = arith.constant 0 : i32
      %add3A_98 = arith.addi %add3A_97, %mul3A_96 : i32
      %mul3A_99 = arith.constant 64 : i32
      %mul3A_100 = arith.muli %add3A_98, %mul3A_99 : i32
      %add3A_101 = arith.addi %mul3A_2, %mul3A_100 : i32
      %dma_start3A_102 = arith.constant 0 : i32
      %dma_start3A_103 = tpu.memref_slice %arg26[%add3A_101, %dma_start3A_102] : memref<10240x128xf32, #tpu.memory_space<vmem_shared>> -> memref<64x128xf32, #tpu.memory_space<vmem_shared>>
      %dma_start3A_104 = arith.constant 0 : i32
      %dma_start3A_105 = tpu.memref_slice %arg26[%add3A_101, %dma_start3A_104] : memref<10240x128xf32, #tpu.memory_space<vmem_shared>> -> memref<64x128xf32, #tpu.memory_space<vmem_shared>>
      tpu.enqueue_dma source(%arg19 : memref<64x128xf32, #tpu.memory_space<vmem>>) target(%dma_start3A_105 : memref<64x128xf32, #tpu.memory_space<vmem_shared>>) target_semaphore(%arg27 : memref<!tpu.dma_semaphore, #tpu.memory_space<semaphore_mem>>)
    }
    %scan3A_6 = arith.constant 10 : i32
    %scan3A_7 = arith.constant 0 : i32
    %scan3A_8 = arith.constant 10 : i32
    %scan3A_9 = arith.addi %scan3A_7, %scan3A_8 : i32
    %scan3A_10 = arith.constant 1 : i32
    scf.for %scan3A_94 = %scan3A_7 to %scan3A_9 step %scan3A_10  : i32 {
      %mul3A_95 = arith.constant 1 : i32
      %mul3A_96 = arith.muli %scan3A_94, %mul3A_95 : i32
      %add3A_97 = arith.constant 0 : i32
      %add3A_98 = arith.addi %add3A_97, %mul3A_96 : i32
      %dma_wait3A_99 = arith.constant 0 : i32
      %dma_wait3A_100 = tpu.memref_slice %arg26[%mul3A_2, %dma_wait3A_99] : memref<10240x128xf32, #tpu.memory_space<vmem_shared>> -> memref<64x128xf32, #tpu.memory_space<vmem_shared>>
      %dma_wait3A_101 = arith.constant 0 : i32
      %dma_wait3A_102 = tpu.memref_slice %arg26[%mul3A_2, %dma_wait3A_101] : memref<10240x128xf32, #tpu.memory_space<vmem_shared>> -> memref<64x128xf32, #tpu.memory_space<vmem_shared>>
      tpu.wait_dma2 semaphore(%arg27 : memref<!tpu.dma_semaphore, #tpu.memory_space<semaphore_mem>>) src(%arg19 : memref<64x128xf32, #tpu.memory_space<vmem>>) dst(%dma_wait3A_102 : memref<64x128xf32, #tpu.memory_space<vmem_shared>>)
    }
    %scan3A_11 = arith.constant 10 : i32
    %barrier3A = arith.constant 0 : index
    tpu.barrier barrier_id(%barrier3A)
    %mul3A_12 = arith.constant 156 : i32
    %mul3A_13 = arith.muli %add3A, %mul3A_12 : i32
    "tpu.region"() ({
      %run_scoped3A_94 = tpu.sem_alloc : memref<!tpu.dma_semaphore, #tpu.memory_space<semaphore_mem>>
      %dma_start3A_95 = arith.constant 0 : i32
      %dma_start3A_96 = arith.constant 0 : i32
      %dma_start3A_97 = tpu.memref_slice %arg3[%mul3A_13, %dma_start3A_95, %dma_start3A_96] : memref<4992x1x64xi32, #tpu.memory_space<hbm>> -> memref<1x1x64xi32, #tpu.memory_space<hbm>>
      %dma_start3A_98 = tpu.memref_squeeze %dma_start3A_97 : memref<1x1x64xi32, #tpu.memory_space<hbm>> -> memref<1x64xi32, #tpu.memory_space<hbm>>
      %dma_start3A_99 = arith.constant 0 : i32
      %dma_start3A_100 = arith.constant 0 : i32
      %dma_start3A_101 = tpu.memref_slice %arg3[%mul3A_13, %dma_start3A_99, %dma_start3A_100] : memref<4992x1x64xi32, #tpu.memory_space<hbm>> -> memref<1x1x64xi32, #tpu.memory_space<hbm>>
      %dma_start3A_102 = tpu.memref_squeeze %dma_start3A_101 : memref<1x1x64xi32, #tpu.memory_space<hbm>> -> memref<1x64xi32, #tpu.memory_space<hbm>>
      tpu.enqueue_dma source(%dma_start3A_102 : memref<1x64xi32, #tpu.memory_space<hbm>>) target(%arg11 : memref<1x64xi32, #tpu.memory_space<vmem>>) target_semaphore(%run_scoped3A_94 : memref<!tpu.dma_semaphore, #tpu.memory_space<semaphore_mem>>)
      %dma_wait3A_103 = arith.constant 0 : i32
      %dma_wait3A_104 = arith.constant 0 : i32
      %dma_wait3A_105 = tpu.memref_slice %arg3[%mul3A_13, %dma_wait3A_103, %dma_wait3A_104] : memref<4992x1x64xi32, #tpu.memory_space<hbm>> -> memref<1x1x64xi32, #tpu.memory_space<hbm>>
      %dma_wait3A_106 = tpu.memref_squeeze %dma_wait3A_105 : memref<1x1x64xi32, #tpu.memory_space<hbm>> -> memref<1x64xi32, #tpu.memory_space<hbm>>
      %dma_wait3A_107 = arith.constant 0 : i32
      %dma_wait3A_108 = arith.constant 0 : i32
      %dma_wait3A_109 = tpu.memref_slice %arg3[%mul3A_13, %dma_wait3A_107, %dma_wait3A_108] : memref<4992x1x64xi32, #tpu.memory_space<hbm>> -> memref<1x1x64xi32, #tpu.memory_space<hbm>>
      %dma_wait3A_110 = tpu.memref_squeeze %dma_wait3A_109 : memref<1x1x64xi32, #tpu.memory_space<hbm>> -> memref<1x64xi32, #tpu.memory_space<hbm>>
      tpu.wait_dma2 semaphore(%run_scoped3A_94 : memref<!tpu.dma_semaphore, #tpu.memory_space<semaphore_mem>>) src(%dma_wait3A_110 : memref<1x64xi32, #tpu.memory_space<hbm>>) dst(%arg11 : memref<1x64xi32, #tpu.memory_space<vmem>>)
      tpu.yield
    }) : () -> ()
    "tpu.region"() ({
      %run_scoped3A_94 = tpu.sem_alloc : memref<!tpu.dma_semaphore, #tpu.memory_space<semaphore_mem>>
      %dma_start3A_95 = arith.constant 0 : i32
      %dma_start3A_96 = arith.constant 0 : i32
      %dma_start3A_97 = tpu.memref_slice %arg4[%mul3A_13, %dma_start3A_95, %dma_start3A_96] : memref<4992x1x64xi32, #tpu.memory_space<hbm>> -> memref<1x1x64xi32, #tpu.memory_space<hbm>>
      %dma_start3A_98 = tpu.memref_squeeze %dma_start3A_97 : memref<1x1x64xi32, #tpu.memory_space<hbm>> -> memref<1x64xi32, #tpu.memory_space<hbm>>
      %dma_start3A_99 = arith.constant 0 : i32
      %dma_start3A_100 = arith.constant 0 : i32
      %dma_start3A_101 = tpu.memref_slice %arg4[%mul3A_13, %dma_start3A_99, %dma_start3A_100] : memref<4992x1x64xi32, #tpu.memory_space<hbm>> -> memref<1x1x64xi32, #tpu.memory_space<hbm>>
      %dma_start3A_102 = tpu.memref_squeeze %dma_start3A_101 : memref<1x1x64xi32, #tpu.memory_space<hbm>> -> memref<1x64xi32, #tpu.memory_space<hbm>>
      tpu.enqueue_dma source(%dma_start3A_102 : memref<1x64xi32, #tpu.memory_space<hbm>>) target(%arg15 : memref<1x64xi32, #tpu.memory_space<vmem>>) target_semaphore(%run_scoped3A_94 : memref<!tpu.dma_semaphore, #tpu.memory_space<semaphore_mem>>)
      %dma_wait3A_103 = arith.constant 0 : i32
      %dma_wait3A_104 = arith.constant 0 : i32
      %dma_wait3A_105 = tpu.memref_slice %arg4[%mul3A_13, %dma_wait3A_103, %dma_wait3A_104] : memref<4992x1x64xi32, #tpu.memory_space<hbm>> -> memref<1x1x64xi32, #tpu.memory_space<hbm>>
      %dma_wait3A_106 = tpu.memref_squeeze %dma_wait3A_105 : memref<1x1x64xi32, #tpu.memory_space<hbm>> -> memref<1x64xi32, #tpu.memory_space<hbm>>
      %dma_wait3A_107 = arith.constant 0 : i32
      %dma_wait3A_108 = arith.constant 0 : i32
      %dma_wait3A_109 = tpu.memref_slice %arg4[%mul3A_13, %dma_wait3A_107, %dma_wait3A_108] : memref<4992x1x64xi32, #tpu.memory_space<hbm>> -> memref<1x1x64xi32, #tpu.memory_space<hbm>>
      %dma_wait3A_110 = tpu.memref_squeeze %dma_wait3A_109 : memref<1x1x64xi32, #tpu.memory_space<hbm>> -> memref<1x64xi32, #tpu.memory_space<hbm>>
      tpu.wait_dma2 semaphore(%run_scoped3A_94 : memref<!tpu.dma_semaphore, #tpu.memory_space<semaphore_mem>>) src(%dma_wait3A_110 : memref<1x64xi32, #tpu.memory_space<hbm>>) dst(%arg15 : memref<1x64xi32, #tpu.memory_space<vmem>>)
      tpu.yield
    }) : () -> ()
    %dma_start3A = arith.constant 0 : i32
    %dma_start3A_14 = arith.constant 0 : i32
    %dma_start3A_15 = tpu.memref_slice %arg11[%dma_start3A, %dma_start3A_14] : memref<1x64xi32, #tpu.memory_space<vmem>> -> memref<1x64xi32, #tpu.memory_space<vmem>>
    %dma_start3A_16 = tpu.memref_squeeze %dma_start3A_15 : memref<1x64xi32, #tpu.memory_space<vmem>> -> memref<64xi32, #tpu.memory_space<vmem>>
    %dma_start3A_17 = arith.constant 0 : i32
    %dma_start3A_18 = arith.constant 0 : i32
    %dma_start3A_19 = tpu.memref_slice %arg2[%dma_start3A_17, %dma_start3A_18] : memref<10000x128xf32, #tpu.memory_space<hbm>> -> memref<10000x128xf32, #tpu.memory_space<hbm>>
    tpu.enqueue_indirect_dma source(%dma_start3A_19 : memref<10000x128xf32, #tpu.memory_space<hbm>>) target(%arg19 : memref<64x128xf32, #tpu.memory_space<vmem>>) offsets(%dma_start3A_16 : memref<64xi32, #tpu.memory_space<vmem>>) semaphore(%arg27 : memref<!tpu.dma_semaphore, #tpu.memory_space<semaphore_mem>>)
    %add3A_20 = arith.constant 1 : i32
    %add3A_21 = arith.addi %mul3A_13, %add3A_20 : i32
    %dma_start3A_22 = arith.constant 0 : i32
    %dma_start3A_23 = arith.constant 0 : i32
    %dma_start3A_24 = tpu.memref_slice %arg3[%add3A_21, %dma_start3A_22, %dma_start3A_23] : memref<4992x1x64xi32, #tpu.memory_space<hbm>> -> memref<1x1x64xi32, #tpu.memory_space<hbm>>
    %dma_start3A_25 = tpu.memref_squeeze %dma_start3A_24 : memref<1x1x64xi32, #tpu.memory_space<hbm>> -> memref<1x64xi32, #tpu.memory_space<hbm>>
    %dma_start3A_26 = arith.constant 0 : i32
    %dma_start3A_27 = arith.constant 0 : i32
    %dma_start3A_28 = tpu.memref_slice %arg3[%add3A_21, %dma_start3A_26, %dma_start3A_27] : memref<4992x1x64xi32, #tpu.memory_space<hbm>> -> memref<1x1x64xi32, #tpu.memory_space<hbm>>
    %dma_start3A_29 = tpu.memref_squeeze %dma_start3A_28 : memref<1x1x64xi32, #tpu.memory_space<hbm>> -> memref<1x64xi32, #tpu.memory_space<hbm>>
    tpu.enqueue_dma source(%dma_start3A_29 : memref<1x64xi32, #tpu.memory_space<hbm>>) target(%arg12 : memref<1x64xi32, #tpu.memory_space<vmem>>) target_semaphore(%arg36 : memref<!tpu.dma_semaphore, #tpu.memory_space<semaphore_mem>>)
    %add3A_30 = arith.constant 1 : i32
    %add3A_31 = arith.addi %mul3A_13, %add3A_30 : i32
    %dma_start3A_32 = arith.constant 0 : i32
    %dma_start3A_33 = arith.constant 0 : i32
    %dma_start3A_34 = tpu.memref_slice %arg4[%add3A_31, %dma_start3A_32, %dma_start3A_33] : memref<4992x1x64xi32, #tpu.memory_space<hbm>> -> memref<1x1x64xi32, #tpu.memory_space<hbm>>
    %dma_start3A_35 = tpu.memref_squeeze %dma_start3A_34 : memref<1x1x64xi32, #tpu.memory_space<hbm>> -> memref<1x64xi32, #tpu.memory_space<hbm>>
    %dma_start3A_36 = arith.constant 0 : i32
    %dma_start3A_37 = arith.constant 0 : i32
    %dma_start3A_38 = tpu.memref_slice %arg4[%add3A_31, %dma_start3A_36, %dma_start3A_37] : memref<4992x1x64xi32, #tpu.memory_space<hbm>> -> memref<1x1x64xi32, #tpu.memory_space<hbm>>
    %dma_start3A_39 = tpu.memref_squeeze %dma_start3A_38 : memref<1x1x64xi32, #tpu.memory_space<hbm>> -> memref<1x64xi32, #tpu.memory_space<hbm>>
    tpu.enqueue_dma source(%dma_start3A_39 : memref<1x64xi32, #tpu.memory_space<hbm>>) target(%arg16 : memref<1x64xi32, #tpu.memory_space<vmem>>) target_semaphore(%arg36 : memref<!tpu.dma_semaphore, #tpu.memory_space<semaphore_mem>>)
    %scan3A_40 = arith.constant 0 : i32
    %scan3A_41 = arith.constant 39 : i32
    %scan3A_42 = arith.addi %scan3A_40, %scan3A_41 : i32
    %scan3A_43 = arith.constant 1 : i32
    scf.for %scan3A_94 = %scan3A_40 to %scan3A_42 step %scan3A_43  : i32 {
      %mul3A_95 = arith.constant 4 : i32
      %mul3A_96 = arith.muli %scan3A_94, %mul3A_95 : i32
      %add3A_97 = arith.constant 0 : i32
      %add3A_98 = arith.addi %add3A_97, %mul3A_96 : i32
      %add3A_99 = arith.constant 1 : i32
      %add3A_100 = arith.addi %add3A_98, %add3A_99 : i32
      %lt3A = arith.constant 156 : i32
      %lt3A_101 = arith.cmpi slt, %add3A_100, %lt3A : i32
      %convert_element_type3A = arith.extui %lt3A_101 : i1 to i32
      %cond3A = arith.constant 0 : i32
      %cond3A_102 = arith.cmpi ne, %convert_element_type3A, %cond3A : i32
      scf.if %cond3A_102 {
        %add3A_310 = arith.addi %mul3A_13, %add3A_98 : i32
        %add3A_311 = arith.constant 1 : i32
        %add3A_312 = arith.addi %add3A_310, %add3A_311 : i32
        %dma_wait3A_313 = arith.constant 0 : i32
        %dma_wait3A_314 = arith.constant 0 : i32
        %dma_wait3A_315 = tpu.memref_slice %arg3[%add3A_312, %dma_wait3A_313, %dma_wait3A_314] : memref<4992x1x64xi32, #tpu.memory_space<hbm>> -> memref<1x1x64xi32, #tpu.memory_space<hbm>>
        %dma_wait3A_316 = tpu.memref_squeeze %dma_wait3A_315 : memref<1x1x64xi32, #tpu.memory_space<hbm>> -> memref<1x64xi32, #tpu.memory_space<hbm>>
        %dma_wait3A_317 = arith.constant 0 : i32
        %dma_wait3A_318 = arith.constant 0 : i32
        %dma_wait3A_319 = tpu.memref_slice %arg3[%add3A_312, %dma_wait3A_317, %dma_wait3A_318] : memref<4992x1x64xi32, #tpu.memory_space<hbm>> -> memref<1x1x64xi32, #tpu.memory_space<hbm>>
        %dma_wait3A_320 = tpu.memref_squeeze %dma_wait3A_319 : memref<1x1x64xi32, #tpu.memory_space<hbm>> -> memref<1x64xi32, #tpu.memory_space<hbm>>
        tpu.wait_dma2 semaphore(%arg36 : memref<!tpu.dma_semaphore, #tpu.memory_space<semaphore_mem>>) src(%dma_wait3A_320 : memref<1x64xi32, #tpu.memory_space<hbm>>) dst(%arg12 : memref<1x64xi32, #tpu.memory_space<vmem>>)
        %add3A_321 = arith.addi %mul3A_13, %add3A_98 : i32
        %add3A_322 = arith.constant 1 : i32
        %add3A_323 = arith.addi %add3A_321, %add3A_322 : i32
        %dma_wait3A_324 = arith.constant 0 : i32
        %dma_wait3A_325 = arith.constant 0 : i32
        %dma_wait3A_326 = tpu.memref_slice %arg4[%add3A_323, %dma_wait3A_324, %dma_wait3A_325] : memref<4992x1x64xi32, #tpu.memory_space<hbm>> -> memref<1x1x64xi32, #tpu.memory_space<hbm>>
        %dma_wait3A_327 = tpu.memref_squeeze %dma_wait3A_326 : memref<1x1x64xi32, #tpu.memory_space<hbm>> -> memref<1x64xi32, #tpu.memory_space<hbm>>
        %dma_wait3A_328 = arith.constant 0 : i32
        %dma_wait3A_329 = arith.constant 0 : i32
        %dma_wait3A_330 = tpu.memref_slice %arg4[%add3A_323, %dma_wait3A_328, %dma_wait3A_329] : memref<4992x1x64xi32, #tpu.memory_space<hbm>> -> memref<1x1x64xi32, #tpu.memory_space<hbm>>
        %dma_wait3A_331 = tpu.memref_squeeze %dma_wait3A_330 : memref<1x1x64xi32, #tpu.memory_space<hbm>> -> memref<1x64xi32, #tpu.memory_space<hbm>>
        tpu.wait_dma2 semaphore(%arg36 : memref<!tpu.dma_semaphore, #tpu.memory_space<semaphore_mem>>) src(%dma_wait3A_331 : memref<1x64xi32, #tpu.memory_space<hbm>>) dst(%arg16 : memref<1x64xi32, #tpu.memory_space<vmem>>)
        %dma_start3A_332 = arith.constant 0 : i32
        %dma_start3A_333 = arith.constant 0 : i32
        %dma_start3A_334 = tpu.memref_slice %arg12[%dma_start3A_332, %dma_start3A_333] : memref<1x64xi32, #tpu.memory_space<vmem>> -> memref<1x64xi32, #tpu.memory_space<vmem>>
        %dma_start3A_335 = tpu.memref_squeeze %dma_start3A_334 : memref<1x64xi32, #tpu.memory_space<vmem>> -> memref<64xi32, #tpu.memory_space<vmem>>
        %dma_start3A_336 = arith.constant 0 : i32
        %dma_start3A_337 = arith.constant 0 : i32
        %dma_start3A_338 = tpu.memref_slice %arg2[%dma_start3A_336, %dma_start3A_337] : memref<10000x128xf32, #tpu.memory_space<hbm>> -> memref<10000x128xf32, #tpu.memory_space<hbm>>
        tpu.enqueue_indirect_dma source(%dma_start3A_338 : memref<10000x128xf32, #tpu.memory_space<hbm>>) target(%arg20 : memref<64x128xf32, #tpu.memory_space<vmem>>) offsets(%dma_start3A_335 : memref<64xi32, #tpu.memory_space<vmem>>) semaphore(%arg28 : memref<!tpu.dma_semaphore, #tpu.memory_space<semaphore_mem>>)
      } else {
      }
      %dma_wait3A_103 = arith.constant 0 : i32
      %dma_wait3A_104 = arith.constant 0 : i32
      %dma_wait3A_105 = tpu.memref_slice %arg11[%dma_wait3A_103, %dma_wait3A_104] : memref<1x64xi32, #tpu.memory_space<vmem>> -> memref<1x64xi32, #tpu.memory_space<vmem>>
      %dma_wait3A_106 = tpu.memref_squeeze %dma_wait3A_105 : memref<1x64xi32, #tpu.memory_space<vmem>> -> memref<64xi32, #tpu.memory_space<vmem>>
      %dma_wait3A_107 = arith.constant 0 : i32
      %dma_wait3A_108 = arith.constant 0 : i32
      %dma_wait3A_109 = tpu.memref_slice %arg2[%dma_wait3A_107, %dma_wait3A_108] : memref<10000x128xf32, #tpu.memory_space<hbm>> -> memref<10000x128xf32, #tpu.memory_space<hbm>>
      tpu.wait_indirect_dma semaphore(%arg27 : memref<!tpu.dma_semaphore, #tpu.memory_space<semaphore_mem>>) src(%dma_wait3A_109 : memref<10000x128xf32, #tpu.memory_space<hbm>>) dst(%arg19 : memref<64x128xf32, #tpu.memory_space<vmem>>)
      %dma_start3A_110 = arith.constant 0 : i32
      %dma_start3A_111 = arith.constant 0 : i32
      %dma_start3A_112 = tpu.memref_slice %arg15[%dma_start3A_110, %dma_start3A_111] : memref<1x64xi32, #tpu.memory_space<vmem>> -> memref<1x64xi32, #tpu.memory_space<vmem>>
      %dma_start3A_113 = tpu.memref_squeeze %dma_start3A_112 : memref<1x64xi32, #tpu.memory_space<vmem>> -> memref<64xi32, #tpu.memory_space<vmem>>
      %dma_start3A_114 = arith.constant 0 : i32
      %dma_start3A_115 = arith.constant 0 : i32
      %dma_start3A_116 = tpu.memref_slice %arg26[%dma_start3A_114, %dma_start3A_115] : memref<10240x128xf32, #tpu.memory_space<vmem_shared>> -> memref<10240x128xf32, #tpu.memory_space<vmem_shared>>
      tpu.enqueue_indirect_dma source(%arg19 : memref<64x128xf32, #tpu.memory_space<vmem>>) target(%dma_start3A_116 : memref<10240x128xf32, #tpu.memory_space<vmem_shared>>) offsets(%dma_start3A_113 : memref<64xi32, #tpu.memory_space<vmem>>) semaphore(%arg31 : memref<!tpu.dma_semaphore, #tpu.memory_space<semaphore_mem>>) {add = true}
      %get3A_117 = arith.constant 0 : i32
      %get3A_118 = arith.index_cast %get3A_117 : i32 to index
      %get3A_119 = arith.constant 0 : index
      %get3A_120 = tpu.vector_load %arg15[%get3A_118, %get3A_119] {strides = array<i32>} : memref<1x64xi32, #tpu.memory_space<vmem>>, vector<16xi32>,
      %broadcast_in_dim3A_121 = arith.constant 1.000000e+00 : f32
      %broadcast_in_dim3A_122 = vector.broadcast %broadcast_in_dim3A_121 : f32 to vector<16xf32>
      tpu.vector_store_idx %arg39[%get3A_120], %broadcast_in_dim3A_122 {add = true} : memref<10240xf32, #tpu.memory_space<vmem>>[vector<16xi32>], vector<16xf32>,
      %get3A_123 = arith.constant 0 : i32
      %get3A_124 = arith.index_cast %get3A_123 : i32 to index
      %get3A_125 = arith.constant 16 : index
      %get3A_126 = tpu.vector_load %arg15[%get3A_124, %get3A_125] {strides = array<i32>} : memref<1x64xi32, #tpu.memory_space<vmem>>, vector<16xi32>,
      %broadcast_in_dim3A_127 = arith.constant 1.000000e+00 : f32
      %broadcast_in_dim3A_128 = vector.broadcast %broadcast_in_dim3A_127 : f32 to vector<16xf32>
      tpu.vector_store_idx %arg39[%get3A_126], %broadcast_in_dim3A_128 {add = true} : memref<10240xf32, #tpu.memory_space<vmem>>[vector<16xi32>], vector<16xf32>,
      %get3A_129 = arith.constant 0 : i32
      %get3A_130 = arith.index_cast %get3A_129 : i32 to index
      %get3A_131 = arith.constant 32 : index
      %get3A_132 = tpu.vector_load %arg15[%get3A_130, %get3A_131] {strides = array<i32>} : memref<1x64xi32, #tpu.memory_space<vmem>>, vector<16xi32>,
      %broadcast_in_dim3A_133 = arith.constant 1.000000e+00 : f32
      %broadcast_in_dim3A_134 = vector.broadcast %broadcast_in_dim3A_133 : f32 to vector<16xf32>
      tpu.vector_store_idx %arg39[%get3A_132], %broadcast_in_dim3A_134 {add = true} : memref<10240xf32, #tpu.memory_space<vmem>>[vector<16xi32>], vector<16xf32>,
      %get3A_135 = arith.constant 0 : i32
      %get3A_136 = arith.index_cast %get3A_135 : i32 to index
      %get3A_137 = arith.constant 48 : index
      %get3A_138 = tpu.vector_load %arg15[%get3A_136, %get3A_137] {strides = array<i32>} : memref<1x64xi32, #tpu.memory_space<vmem>>, vector<16xi32>,
      %broadcast_in_dim3A_139 = arith.constant 1.000000e+00 : f32
      %broadcast_in_dim3A_140 = vector.broadcast %broadcast_in_dim3A_139 : f32 to vector<16xf32>
      tpu.vector_store_idx %arg39[%get3A_138], %broadcast_in_dim3A_140 {add = true} : memref<10240xf32, #tpu.memory_space<vmem>>[vector<16xi32>], vector<16xf32>,
      %add3A_141 = arith.constant 2 : i32
      %add3A_142 = arith.addi %add3A_98, %add3A_141 : i32
      %lt3A_143 = arith.constant 156 : i32
      %lt3A_144 = arith.cmpi slt, %add3A_142, %lt3A_143 : i32
      %convert_element_type3A_145 = arith.extui %lt3A_144 : i1 to i32
      %cond3A_146 = arith.constant 0 : i32
      %cond3A_147 = arith.cmpi ne, %convert_element_type3A_145, %cond3A_146 : i32
      scf.if %cond3A_147 {
        %ge3A = arith.constant 2 : i32
        %ge3A_310 = arith.cmpi sge, %add3A_98, %ge3A : i32
        %convert_element_type3A_311 = arith.extui %ge3A_310 : i1 to i32
        %cond3A_312 = arith.constant 0 : i32
        %cond3A_313 = arith.cmpi ne, %convert_element_type3A_311, %cond3A_312 : i32
        scf.if %cond3A_313 {
          %dma_wait3A_336 = arith.constant 0 : i32
          %dma_wait3A_337 = arith.constant 0 : i32
          %dma_wait3A_338 = tpu.memref_slice %arg17[%dma_wait3A_336, %dma_wait3A_337] : memref<1x64xi32, #tpu.memory_space<vmem>> -> memref<1x64xi32, #tpu.memory_space<vmem>>
          %dma_wait3A_339 = tpu.memref_squeeze %dma_wait3A_338 : memref<1x64xi32, #tpu.memory_space<vmem>> -> memref<64xi32, #tpu.memory_space<vmem>>
          %dma_wait3A_340 = arith.constant 0 : i32
          %dma_wait3A_341 = arith.constant 0 : i32
          %dma_wait3A_342 = tpu.memref_slice %arg26[%dma_wait3A_340, %dma_wait3A_341] : memref<10240x128xf32, #tpu.memory_space<vmem_shared>> -> memref<10240x128xf32, #tpu.memory_space<vmem_shared>>
          tpu.wait_indirect_dma semaphore(%arg33 : memref<!tpu.dma_semaphore, #tpu.memory_space<semaphore_mem>>) src(%arg21 : memref<64x128xf32, #tpu.memory_space<vmem>>) dst(%dma_wait3A_342 : memref<10240x128xf32, #tpu.memory_space<vmem_shared>>)
        } else {
        }
        %add3A_314 = arith.addi %mul3A_13, %add3A_98 : i32
        %add3A_315 = arith.constant 2 : i32
        %add3A_316 = arith.addi %add3A_314, %add3A_315 : i32
        %dma_start3A_317 = arith.constant 0 : i32
        %dma_start3A_318 = arith.constant 0 : i32
        %dma_start3A_319 = tpu.memref_slice %arg3[%add3A_316, %dma_start3A_317, %dma_start3A_318] : memref<4992x1x64xi32, #tpu.memory_space<hbm>> -> memref<1x1x64xi32, #tpu.memory_space<hbm>>
        %dma_start3A_320 = tpu.memref_squeeze %dma_start3A_319 : memref<1x1x64xi32, #tpu.memory_space<hbm>> -> memref<1x64xi32, #tpu.memory_space<hbm>>
        %dma_start3A_321 = arith.constant 0 : i32
        %dma_start3A_322 = arith.constant 0 : i32
        %dma_start3A_323 = tpu.memref_slice %arg3[%add3A_316, %dma_start3A_321, %dma_start3A_322] : memref<4992x1x64xi32, #tpu.memory_space<hbm>> -> memref<1x1x64xi32, #tpu.memory_space<hbm>>
        %dma_start3A_324 = tpu.memref_squeeze %dma_start3A_323 : memref<1x1x64xi32, #tpu.memory_space<hbm>> -> memref<1x64xi32, #tpu.memory_space<hbm>>
        tpu.enqueue_dma source(%dma_start3A_324 : memref<1x64xi32, #tpu.memory_space<hbm>>) target(%arg13 : memref<1x64xi32, #tpu.memory_space<vmem>>) target_semaphore(%arg37 : memref<!tpu.dma_semaphore, #tpu.memory_space<semaphore_mem>>)
        %add3A_325 = arith.addi %mul3A_13, %add3A_98 : i32
        %add3A_326 = arith.constant 2 : i32
        %add3A_327 = arith.addi %add3A_325, %add3A_326 : i32
        %dma_start3A_328 = arith.constant 0 : i32
        %dma_start3A_329 = arith.constant 0 : i32
        %dma_start3A_330 = tpu.memref_slice %arg4[%add3A_327, %dma_start3A_328, %dma_start3A_329] : memref<4992x1x64xi32, #tpu.memory_space<hbm>> -> memref<1x1x64xi32, #tpu.memory_space<hbm>>
        %dma_start3A_331 = tpu.memref_squeeze %dma_start3A_330 : memref<1x1x64xi32, #tpu.memory_space<hbm>> -> memref<1x64xi32, #tpu.memory_space<hbm>>
        %dma_start3A_332 = arith.constant 0 : i32
        %dma_start3A_333 = arith.constant 0 : i32
        %dma_start3A_334 = tpu.memref_slice %arg4[%add3A_327, %dma_start3A_332, %dma_start3A_333] : memref<4992x1x64xi32, #tpu.memory_space<hbm>> -> memref<1x1x64xi32, #tpu.memory_space<hbm>>
        %dma_start3A_335 = tpu.memref_squeeze %dma_start3A_334 : memref<1x1x64xi32, #tpu.memory_space<hbm>> -> memref<1x64xi32, #tpu.memory_space<hbm>>
        tpu.enqueue_dma source(%dma_start3A_335 : memref<1x64xi32, #tpu.memory_space<hbm>>) target(%arg17 : memref<1x64xi32, #tpu.memory_space<vmem>>) target_semaphore(%arg37 : memref<!tpu.dma_semaphore, #tpu.memory_space<semaphore_mem>>)
      } else {
      }
      %add3A_148 = arith.constant 1 : i32
      %add3A_149 = arith.addi %add3A_98, %add3A_148 : i32
      %add3A_150 = arith.constant 1 : i32
      %add3A_151 = arith.addi %add3A_149, %add3A_150 : i32
      %lt3A_152 = arith.constant 156 : i32
      %lt3A_153 = arith.cmpi slt, %add3A_151, %lt3A_152 : i32
      %convert_element_type3A_154 = arith.extui %lt3A_153 : i1 to i32
      %cond3A_155 = arith.constant 0 : i32
      %cond3A_156 = arith.cmpi ne, %convert_element_type3A_154, %cond3A_155 : i32
      scf.if %cond3A_156 {
        %add3A_310 = arith.addi %mul3A_13, %add3A_149 : i32
        %add3A_311 = arith.constant 1 : i32
        %add3A_312 = arith.addi %add3A_310, %add3A_311 : i32
        %dma_wait3A_313 = arith.constant 0 : i32
        %dma_wait3A_314 = arith.constant 0 : i32
        %dma_wait3A_315 = tpu.memref_slice %arg3[%add3A_312, %dma_wait3A_313, %dma_wait3A_314] : memref<4992x1x64xi32, #tpu.memory_space<hbm>> -> memref<1x1x64xi32, #tpu.memory_space<hbm>>
        %dma_wait3A_316 = tpu.memref_squeeze %dma_wait3A_315 : memref<1x1x64xi32, #tpu.memory_space<hbm>> -> memref<1x64xi32, #tpu.memory_space<hbm>>
        %dma_wait3A_317 = arith.constant 0 : i32
        %dma_wait3A_318 = arith.constant 0 : i32
        %dma_wait3A_319 = tpu.memref_slice %arg3[%add3A_312, %dma_wait3A_317, %dma_wait3A_318] : memref<4992x1x64xi32, #tpu.memory_space<hbm>> -> memref<1x1x64xi32, #tpu.memory_space<hbm>>
        %dma_wait3A_320 = tpu.memref_squeeze %dma_wait3A_319 : memref<1x1x64xi32, #tpu.memory_space<hbm>> -> memref<1x64xi32, #tpu.memory_space<hbm>>
        tpu.wait_dma2 semaphore(%arg37 : memref<!tpu.dma_semaphore, #tpu.memory_space<semaphore_mem>>) src(%dma_wait3A_320 : memref<1x64xi32, #tpu.memory_space<hbm>>) dst(%arg13 : memref<1x64xi32, #tpu.memory_space<vmem>>)
        %add3A_321 = arith.addi %mul3A_13, %add3A_149 : i32
        %add3A_322 = arith.constant 1 : i32
        %add3A_323 = arith.addi %add3A_321, %add3A_322 : i32
        %dma_wait3A_324 = arith.constant 0 : i32
        %dma_wait3A_325 = arith.constant 0 : i32
        %dma_wait3A_326 = tpu.memref_slice %arg4[%add3A_323, %dma_wait3A_324, %dma_wait3A_325] : memref<4992x1x64xi32, #tpu.memory_space<hbm>> -> memref<1x1x64xi32, #tpu.memory_space<hbm>>
        %dma_wait3A_327 = tpu.memref_squeeze %dma_wait3A_326 : memref<1x1x64xi32, #tpu.memory_space<hbm>> -> memref<1x64xi32, #tpu.memory_space<hbm>>
        %dma_wait3A_328 = arith.constant 0 : i32
        %dma_wait3A_329 = arith.constant 0 : i32
        %dma_wait3A_330 = tpu.memref_slice %arg4[%add3A_323, %dma_wait3A_328, %dma_wait3A_329] : memref<4992x1x64xi32, #tpu.memory_space<hbm>> -> memref<1x1x64xi32, #tpu.memory_space<hbm>>
        %dma_wait3A_331 = tpu.memref_squeeze %dma_wait3A_330 : memref<1x1x64xi32, #tpu.memory_space<hbm>> -> memref<1x64xi32, #tpu.memory_space<hbm>>
        tpu.wait_dma2 semaphore(%arg37 : memref<!tpu.dma_semaphore, #tpu.memory_space<semaphore_mem>>) src(%dma_wait3A_331 : memref<1x64xi32, #tpu.memory_space<hbm>>) dst(%arg17 : memref<1x64xi32, #tpu.memory_space<vmem>>)
        %dma_start3A_332 = arith.constant 0 : i32
        %dma_start3A_333 = arith.constant 0 : i32
        %dma_start3A_334 = tpu.memref_slice %arg13[%dma_start3A_332, %dma_start3A_333] : memref<1x64xi32, #tpu.memory_space<vmem>> -> memref<1x64xi32, #tpu.memory_space<vmem>>
        %dma_start3A_335 = tpu.memref_squeeze %dma_start3A_334 : memref<1x64xi32, #tpu.memory_space<vmem>> -> memref<64xi32, #tpu.memory_space<vmem>>
        %dma_start3A_336 = arith.constant 0 : i32
        %dma_start3A_337 = arith.constant 0 : i32
        %dma_start3A_338 = tpu.memref_slice %arg2[%dma_start3A_336, %dma_start3A_337] : memref<10000x128xf32, #tpu.memory_space<hbm>> -> memref<10000x128xf32, #tpu.memory_space<hbm>>
        tpu.enqueue_indirect_dma source(%dma_start3A_338 : memref<10000x128xf32, #tpu.memory_space<hbm>>) target(%arg21 : memref<64x128xf32, #tpu.memory_space<vmem>>) offsets(%dma_start3A_335 : memref<64xi32, #tpu.memory_space<vmem>>) semaphore(%arg29 : memref<!tpu.dma_semaphore, #tpu.memory_space<semaphore_mem>>)
      } else {
      }
      %dma_wait3A_157 = arith.constant 0 : i32
      %dma_wait3A_158 = arith.constant 0 : i32
      %dma_wait3A_159 = tpu.memref_slice %arg12[%dma_wait3A_157, %dma_wait3A_158] : memref<1x64xi32, #tpu.memory_space<vmem>> -> memref<1x64xi32, #tpu.memory_space<vmem>>
      %dma_wait3A_160 = tpu.memref_squeeze %dma_wait3A_159 : memref<1x64xi32, #tpu.memory_space<vmem>> -> memref<64xi32, #tpu.memory_space<vmem>>
      %dma_wait3A_161 = arith.constant 0 : i32
      %dma_wait3A_162 = arith.constant 0 : i32
      %dma_wait3A_163 = tpu.memref_slice %arg2[%dma_wait3A_161, %dma_wait3A_162] : memref<10000x128xf32, #tpu.memory_space<hbm>> -> memref<10000x128xf32, #tpu.memory_space<hbm>>
      tpu.wait_indirect_dma semaphore(%arg28 : memref<!tpu.dma_semaphore, #tpu.memory_space<semaphore_mem>>) src(%dma_wait3A_163 : memref<10000x128xf32, #tpu.memory_space<hbm>>) dst(%arg20 : memref<64x128xf32, #tpu.memory_space<vmem>>)
      %dma_start3A_164 = arith.constant 0 : i32
      %dma_start3A_165 = arith.constant 0 : i32
      %dma_start3A_166 = tpu.memref_slice %arg16[%dma_start3A_164, %dma_start3A_165] : memref<1x64xi32, #tpu.memory_space<vmem>> -> memref<1x64xi32, #tpu.memory_space<vmem>>
      %dma_start3A_167 = tpu.memref_squeeze %dma_start3A_166 : memref<1x64xi32, #tpu.memory_space<vmem>> -> memref<64xi32, #tpu.memory_space<vmem>>
      %dma_start3A_168 = arith.constant 0 : i32
      %dma_start3A_169 = arith.constant 0 : i32
      %dma_start3A_170 = tpu.memref_slice %arg26[%dma_start3A_168, %dma_start3A_169] : memref<10240x128xf32, #tpu.memory_space<vmem_shared>> -> memref<10240x128xf32, #tpu.memory_space<vmem_shared>>
      tpu.enqueue_indirect_dma source(%arg20 : memref<64x128xf32, #tpu.memory_space<vmem>>) target(%dma_start3A_170 : memref<10240x128xf32, #tpu.memory_space<vmem_shared>>) offsets(%dma_start3A_167 : memref<64xi32, #tpu.memory_space<vmem>>) semaphore(%arg32 : memref<!tpu.dma_semaphore, #tpu.memory_space<semaphore_mem>>) {add = true}
      %get3A_171 = arith.constant 0 : i32
      %get3A_172 = arith.index_cast %get3A_171 : i32 to index
      %get3A_173 = arith.constant 0 : index
      %get3A_174 = tpu.vector_load %arg16[%get3A_172, %get3A_173] {strides = array<i32>} : memref<1x64xi32, #tpu.memory_space<vmem>>, vector<16xi32>,
      %broadcast_in_dim3A_175 = arith.constant 1.000000e+00 : f32
      %broadcast_in_dim3A_176 = vector.broadcast %broadcast_in_dim3A_175 : f32 to vector<16xf32>
      tpu.vector_store_idx %arg39[%get3A_174], %broadcast_in_dim3A_176 {add = true} : memref<10240xf32, #tpu.memory_space<vmem>>[vector<16xi32>], vector<16xf32>,
      %get3A_177 = arith.constant 0 : i32
      %get3A_178 = arith.index_cast %get3A_177 : i32 to index
      %get3A_179 = arith.constant 16 : index
      %get3A_180 = tpu.vector_load %arg16[%get3A_178, %get3A_179] {strides = array<i32>} : memref<1x64xi32, #tpu.memory_space<vmem>>, vector<16xi32>,
      %broadcast_in_dim3A_181 = arith.constant 1.000000e+00 : f32
      %broadcast_in_dim3A_182 = vector.broadcast %broadcast_in_dim3A_181 : f32 to vector<16xf32>
      tpu.vector_store_idx %arg39[%get3A_180], %broadcast_in_dim3A_182 {add = true} : memref<10240xf32, #tpu.memory_space<vmem>>[vector<16xi32>], vector<16xf32>,
      %get3A_183 = arith.constant 0 : i32
      %get3A_184 = arith.index_cast %get3A_183 : i32 to index
      %get3A_185 = arith.constant 32 : index
      %get3A_186 = tpu.vector_load %arg16[%get3A_184, %get3A_185] {strides = array<i32>} : memref<1x64xi32, #tpu.memory_space<vmem>>, vector<16xi32>,
      %broadcast_in_dim3A_187 = arith.constant 1.000000e+00 : f32
      %broadcast_in_dim3A_188 = vector.broadcast %broadcast_in_dim3A_187 : f32 to vector<16xf32>
      tpu.vector_store_idx %arg39[%get3A_186], %broadcast_in_dim3A_188 {add = true} : memref<10240xf32, #tpu.memory_space<vmem>>[vector<16xi32>], vector<16xf32>,
      %get3A_189 = arith.constant 0 : i32
      %get3A_190 = arith.index_cast %get3A_189 : i32 to index
      %get3A_191 = arith.constant 48 : index
      %get3A_192 = tpu.vector_load %arg16[%get3A_190, %get3A_191] {strides = array<i32>} : memref<1x64xi32, #tpu.memory_space<vmem>>, vector<16xi32>,
      %broadcast_in_dim3A_193 = arith.constant 1.000000e+00 : f32
      %broadcast_in_dim3A_194 = vector.broadcast %broadcast_in_dim3A_193 : f32 to vector<16xf32>
      tpu.vector_store_idx %arg39[%get3A_192], %broadcast_in_dim3A_194 {add = true} : memref<10240xf32, #tpu.memory_space<vmem>>[vector<16xi32>], vector<16xf32>,
      %add3A_195 = arith.constant 2 : i32
      %add3A_196 = arith.addi %add3A_149, %add3A_195 : i32
      %lt3A_197 = arith.constant 156 : i32
      %lt3A_198 = arith.cmpi slt, %add3A_196, %lt3A_197 : i32
      %convert_element_type3A_199 = arith.extui %lt3A_198 : i1 to i32
      %cond3A_200 = arith.constant 0 : i32
      %cond3A_201 = arith.cmpi ne, %convert_element_type3A_199, %cond3A_200 : i32
      scf.if %cond3A_201 {
        %ge3A = arith.constant 2 : i32
        %ge3A_310 = arith.cmpi sge, %add3A_149, %ge3A : i32
        %convert_element_type3A_311 = arith.extui %ge3A_310 : i1 to i32
        %cond3A_312 = arith.constant 0 : i32
        %cond3A_313 = arith.cmpi ne, %convert_element_type3A_311, %cond3A_312 : i32
        scf.if %cond3A_313 {
          %dma_wait3A_336 = arith.constant 0 : i32
          %dma_wait3A_337 = arith.constant 0 : i32
          %dma_wait3A_338 = tpu.memref_slice %arg18[%dma_wait3A_336, %dma_wait3A_337] : memref<1x64xi32, #tpu.memory_space<vmem>> -> memref<1x64xi32, #tpu.memory_space<vmem>>
          %dma_wait3A_339 = tpu.memref_squeeze %dma_wait3A_338 : memref<1x64xi32, #tpu.memory_space<vmem>> -> memref<64xi32, #tpu.memory_space<vmem>>
          %dma_wait3A_340 = arith.constant 0 : i32
          %dma_wait3A_341 = arith.constant 0 : i32
          %dma_wait3A_342 = tpu.memref_slice %arg26[%dma_wait3A_340, %dma_wait3A_341] : memref<10240x128xf32, #tpu.memory_space<vmem_shared>> -> memref<10240x128xf32, #tpu.memory_space<vmem_shared>>
          tpu.wait_indirect_dma semaphore(%arg34 : memref<!tpu.dma_semaphore, #tpu.memory_space<semaphore_mem>>) src(%arg22 : memref<64x128xf32, #tpu.memory_space<vmem>>) dst(%dma_wait3A_342 : memref<10240x128xf32, #tpu.memory_space<vmem_shared>>)
        } else {
        }
        %add3A_314 = arith.addi %mul3A_13, %add3A_149 : i32
        %add3A_315 = arith.constant 2 : i32
        %add3A_316 = arith.addi %add3A_314, %add3A_315 : i32
        %dma_start3A_317 = arith.constant 0 : i32
        %dma_start3A_318 = arith.constant 0 : i32
        %dma_start3A_319 = tpu.memref_slice %arg3[%add3A_316, %dma_start3A_317, %dma_start3A_318] : memref<4992x1x64xi32, #tpu.memory_space<hbm>> -> memref<1x1x64xi32, #tpu.memory_space<hbm>>
        %dma_start3A_320 = tpu.memref_squeeze %dma_start3A_319 : memref<1x1x64xi32, #tpu.memory_space<hbm>> -> memref<1x64xi32, #tpu.memory_space<hbm>>
        %dma_start3A_321 = arith.constant 0 : i32
        %dma_start3A_322 = arith.constant 0 : i32
        %dma_start3A_323 = tpu.memref_slice %arg3[%add3A_316, %dma_start3A_321, %dma_start3A_322] : memref<4992x1x64xi32, #tpu.memory_space<hbm>> -> memref<1x1x64xi32, #tpu.memory_space<hbm>>
        %dma_start3A_324 = tpu.memref_squeeze %dma_start3A_323 : memref<1x1x64xi32, #tpu.memory_space<hbm>> -> memref<1x64xi32, #tpu.memory_space<hbm>>
        tpu.enqueue_dma source(%dma_start3A_324 : memref<1x64xi32, #tpu.memory_space<hbm>>) target(%arg14 : memref<1x64xi32, #tpu.memory_space<vmem>>) target_semaphore(%arg38 : memref<!tpu.dma_semaphore, #tpu.memory_space<semaphore_mem>>)
        %add3A_325 = arith.addi %mul3A_13, %add3A_149 : i32
        %add3A_326 = arith.constant 2 : i32
        %add3A_327 = arith.addi %add3A_325, %add3A_326 : i32
        %dma_start3A_328 = arith.constant 0 : i32
        %dma_start3A_329 = arith.constant 0 : i32
        %dma_start3A_330 = tpu.memref_slice %arg4[%add3A_327, %dma_start3A_328, %dma_start3A_329] : memref<4992x1x64xi32, #tpu.memory_space<hbm>> -> memref<1x1x64xi32, #tpu.memory_space<hbm>>
        %dma_start3A_331 = tpu.memref_squeeze %dma_start3A_330 : memref<1x1x64xi32, #tpu.memory_space<hbm>> -> memref<1x64xi32, #tpu.memory_space<hbm>>
        %dma_start3A_332 = arith.constant 0 : i32
        %dma_start3A_333 = arith.constant 0 : i32
        %dma_start3A_334 = tpu.memref_slice %arg4[%add3A_327, %dma_start3A_332, %dma_start3A_333] : memref<4992x1x64xi32, #tpu.memory_space<hbm>> -> memref<1x1x64xi32, #tpu.memory_space<hbm>>
        %dma_start3A_335 = tpu.memref_squeeze %dma_start3A_334 : memref<1x1x64xi32, #tpu.memory_space<hbm>> -> memref<1x64xi32, #tpu.memory_space<hbm>>
        tpu.enqueue_dma source(%dma_start3A_335 : memref<1x64xi32, #tpu.memory_space<hbm>>) target(%arg18 : memref<1x64xi32, #tpu.memory_space<vmem>>) target_semaphore(%arg38 : memref<!tpu.dma_semaphore, #tpu.memory_space<semaphore_mem>>)
      } else {
      }
      %add3A_202 = arith.constant 2 : i32
      %add3A_203 = arith.addi %add3A_98, %add3A_202 : i32
      %add3A_204 = arith.constant 1 : i32
      %add3A_205 = arith.addi %add3A_203, %add3A_204 : i32
      %lt3A_206 = arith.constant 156 : i32
      %lt3A_207 = arith.cmpi slt, %add3A_205, %lt3A_206 : i32
      %convert_element_type3A_208 = arith.extui %lt3A_207 : i1 to i32
      %cond3A_209 = arith.constant 0 : i32
      %cond3A_210 = arith.cmpi ne, %convert_element_type3A_208, %cond3A_209 : i32
      scf.if %cond3A_210 {
        %add3A_310 = arith.addi %mul3A_13, %add3A_203 : i32
        %add3A_311 = arith.constant 1 : i32
        %add3A_312 = arith.addi %add3A_310, %add3A_311 : i32
        %dma_wait3A_313 = arith.constant 0 : i32
        %dma_wait3A_314 = arith.constant 0 : i32
        %dma_wait3A_315 = tpu.memref_slice %arg3[%add3A_312, %dma_wait3A_313, %dma_wait3A_314] : memref<4992x1x64xi32, #tpu.memory_space<hbm>> -> memref<1x1x64xi32, #tpu.memory_space<hbm>>
        %dma_wait3A_316 = tpu.memref_squeeze %dma_wait3A_315 : memref<1x1x64xi32, #tpu.memory_space<hbm>> -> memref<1x64xi32, #tpu.memory_space<hbm>>
        %dma_wait3A_317 = arith.constant 0 : i32
        %dma_wait3A_318 = arith.constant 0 : i32
        %dma_wait3A_319 = tpu.memref_slice %arg3[%add3A_312, %dma_wait3A_317, %dma_wait3A_318] : memref<4992x1x64xi32, #tpu.memory_space<hbm>> -> memref<1x1x64xi32, #tpu.memory_space<hbm>>
        %dma_wait3A_320 = tpu.memref_squeeze %dma_wait3A_319 : memref<1x1x64xi32, #tpu.memory_space<hbm>> -> memref<1x64xi32, #tpu.memory_space<hbm>>
        tpu.wait_dma2 semaphore(%arg38 : memref<!tpu.dma_semaphore, #tpu.memory_space<semaphore_mem>>) src(%dma_wait3A_320 : memref<1x64xi32, #tpu.memory_space<hbm>>) dst(%arg14 : memref<1x64xi32, #tpu.memory_space<vmem>>)
        %add3A_321 = arith.addi %mul3A_13, %add3A_203 : i32
        %add3A_322 = arith.constant 1 : i32
        %add3A_323 = arith.addi %add3A_321, %add3A_322 : i32
        %dma_wait3A_324 = arith.constant 0 : i32
        %dma_wait3A_325 = arith.constant 0 : i32
        %dma_wait3A_326 = tpu.memref_slice %arg4[%add3A_323, %dma_wait3A_324, %dma_wait3A_325] : memref<4992x1x64xi32, #tpu.memory_space<hbm>> -> memref<1x1x64xi32, #tpu.memory_space<hbm>>
        %dma_wait3A_327 = tpu.memref_squeeze %dma_wait3A_326 : memref<1x1x64xi32, #tpu.memory_space<hbm>> -> memref<1x64xi32, #tpu.memory_space<hbm>>
        %dma_wait3A_328 = arith.constant 0 : i32
        %dma_wait3A_329 = arith.constant 0 : i32
        %dma_wait3A_330 = tpu.memref_slice %arg4[%add3A_323, %dma_wait3A_328, %dma_wait3A_329] : memref<4992x1x64xi32, #tpu.memory_space<hbm>> -> memref<1x1x64xi32, #tpu.memory_space<hbm>>
        %dma_wait3A_331 = tpu.memref_squeeze %dma_wait3A_330 : memref<1x1x64xi32, #tpu.memory_space<hbm>> -> memref<1x64xi32, #tpu.memory_space<hbm>>
        tpu.wait_dma2 semaphore(%arg38 : memref<!tpu.dma_semaphore, #tpu.memory_space<semaphore_mem>>) src(%dma_wait3A_331 : memref<1x64xi32, #tpu.memory_space<hbm>>) dst(%arg18 : memref<1x64xi32, #tpu.memory_space<vmem>>)
        %dma_start3A_332 = arith.constant 0 : i32
        %dma_start3A_333 = arith.constant 0 : i32
        %dma_start3A_334 = tpu.memref_slice %arg14[%dma_start3A_332, %dma_start3A_333] : memref<1x64xi32, #tpu.memory_space<vmem>> -> memref<1x64xi32, #tpu.memory_space<vmem>>
        %dma_start3A_335 = tpu.memref_squeeze %dma_start3A_334 : memref<1x64xi32, #tpu.memory_space<vmem>> -> memref<64xi32, #tpu.memory_space<vmem>>
        %dma_start3A_336 = arith.constant 0 : i32
        %dma_start3A_337 = arith.constant 0 : i32
        %dma_start3A_338 = tpu.memref_slice %arg2[%dma_start3A_336, %dma_start3A_337] : memref<10000x128xf32, #tpu.memory_space<hbm>> -> memref<10000x128xf32, #tpu.memory_space<hbm>>
        tpu.enqueue_indirect_dma source(%dma_start3A_338 : memref<10000x128xf32, #tpu.memory_space<hbm>>) target(%arg22 : memref<64x128xf32, #tpu.memory_space<vmem>>) offsets(%dma_start3A_335 : memref<64xi32, #tpu.memory_space<vmem>>) semaphore(%arg30 : memref<!tpu.dma_semaphore, #tpu.memory_space<semaphore_mem>>)
      } else {
      }
      %dma_wait3A_211 = arith.constant 0 : i32
      %dma_wait3A_212 = arith.constant 0 : i32
      %dma_wait3A_213 = tpu.memref_slice %arg13[%dma_wait3A_211, %dma_wait3A_212] : memref<1x64xi32, #tpu.memory_space<vmem>> -> memref<1x64xi32, #tpu.memory_space<vmem>>
      %dma_wait3A_214 = tpu.memref_squeeze %dma_wait3A_213 : memref<1x64xi32, #tpu.memory_space<vmem>> -> memref<64xi32, #tpu.memory_space<vmem>>
      %dma_wait3A_215 = arith.constant 0 : i32
      %dma_wait3A_216 = arith.constant 0 : i32
      %dma_wait3A_217 = tpu.memref_slice %arg2[%dma_wait3A_215, %dma_wait3A_216] : memref<10000x128xf32, #tpu.memory_space<hbm>> -> memref<10000x128xf32, #tpu.memory_space<hbm>>
      tpu.wait_indirect_dma semaphore(%arg29 : memref<!tpu.dma_semaphore, #tpu.memory_space<semaphore_mem>>) src(%dma_wait3A_217 : memref<10000x128xf32, #tpu.memory_space<hbm>>) dst(%arg21 : memref<64x128xf32, #tpu.memory_space<vmem>>)
      %dma_start3A_218 = arith.constant 0 : i32
      %dma_start3A_219 = arith.constant 0 : i32
      %dma_start3A_220 = tpu.memref_slice %arg17[%dma_start3A_218, %dma_start3A_219] : memref<1x64xi32, #tpu.memory_space<vmem>> -> memref<1x64xi32, #tpu.memory_space<vmem>>
      %dma_start3A_221 = tpu.memref_squeeze %dma_start3A_220 : memref<1x64xi32, #tpu.memory_space<vmem>> -> memref<64xi32, #tpu.memory_space<vmem>>
      %dma_start3A_222 = arith.constant 0 : i32
      %dma_start3A_223 = arith.constant 0 : i32
      %dma_start3A_224 = tpu.memref_slice %arg26[%dma_start3A_222, %dma_start3A_223] : memref<10240x128xf32, #tpu.memory_space<vmem_shared>> -> memref<10240x128xf32, #tpu.memory_space<vmem_shared>>
      tpu.enqueue_indirect_dma source(%arg21 : memref<64x128xf32, #tpu.memory_space<vmem>>) target(%dma_start3A_224 : memref<10240x128xf32, #tpu.memory_space<vmem_shared>>) offsets(%dma_start3A_221 : memref<64xi32, #tpu.memory_space<vmem>>) semaphore(%arg33 : memref<!tpu.dma_semaphore, #tpu.memory_space<semaphore_mem>>) {add = true}
      %get3A_225 = arith.constant 0 : i32
      %get3A_226 = arith.index_cast %get3A_225 : i32 to index
      %get3A_227 = arith.constant 0 : index
      %get3A_228 = tpu.vector_load %arg17[%get3A_226, %get3A_227] {strides = array<i32>} : memref<1x64xi32, #tpu.memory_space<vmem>>, vector<16xi32>,
      %broadcast_in_dim3A_229 = arith.constant 1.000000e+00 : f32
      %broadcast_in_dim3A_230 = vector.broadcast %broadcast_in_dim3A_229 : f32 to vector<16xf32>
      tpu.vector_store_idx %arg39[%get3A_228], %broadcast_in_dim3A_230 {add = true} : memref<10240xf32, #tpu.memory_space<vmem>>[vector<16xi32>], vector<16xf32>,
      %get3A_231 = arith.constant 0 : i32
      %get3A_232 = arith.index_cast %get3A_231 : i32 to index
      %get3A_233 = arith.constant 16 : index
      %get3A_234 = tpu.vector_load %arg17[%get3A_232, %get3A_233] {strides = array<i32>} : memref<1x64xi32, #tpu.memory_space<vmem>>, vector<16xi32>,
      %broadcast_in_dim3A_235 = arith.constant 1.000000e+00 : f32
      %broadcast_in_dim3A_236 = vector.broadcast %broadcast_in_dim3A_235 : f32 to vector<16xf32>
      tpu.vector_store_idx %arg39[%get3A_234], %broadcast_in_dim3A_236 {add = true} : memref<10240xf32, #tpu.memory_space<vmem>>[vector<16xi32>], vector<16xf32>,
      %get3A_237 = arith.constant 0 : i32
      %get3A_238 = arith.index_cast %get3A_237 : i32 to index
      %get3A_239 = arith.constant 32 : index
      %get3A_240 = tpu.vector_load %arg17[%get3A_238, %get3A_239] {strides = array<i32>} : memref<1x64xi32, #tpu.memory_space<vmem>>, vector<16xi32>,
      %broadcast_in_dim3A_241 = arith.constant 1.000000e+00 : f32
      %broadcast_in_dim3A_242 = vector.broadcast %broadcast_in_dim3A_241 : f32 to vector<16xf32>
      tpu.vector_store_idx %arg39[%get3A_240], %broadcast_in_dim3A_242 {add = true} : memref<10240xf32, #tpu.memory_space<vmem>>[vector<16xi32>], vector<16xf32>,
      %get3A_243 = arith.constant 0 : i32
      %get3A_244 = arith.index_cast %get3A_243 : i32 to index
      %get3A_245 = arith.constant 48 : index
      %get3A_246 = tpu.vector_load %arg17[%get3A_244, %get3A_245] {strides = array<i32>} : memref<1x64xi32, #tpu.memory_space<vmem>>, vector<16xi32>,
      %broadcast_in_dim3A_247 = arith.constant 1.000000e+00 : f32
      %broadcast_in_dim3A_248 = vector.broadcast %broadcast_in_dim3A_247 : f32 to vector<16xf32>
      tpu.vector_store_idx %arg39[%get3A_246], %broadcast_in_dim3A_248 {add = true} : memref<10240xf32, #tpu.memory_space<vmem>>[vector<16xi32>], vector<16xf32>,
      %add3A_249 = arith.constant 2 : i32
      %add3A_250 = arith.addi %add3A_203, %add3A_249 : i32
      %lt3A_251 = arith.constant 156 : i32
      %lt3A_252 = arith.cmpi slt, %add3A_250, %lt3A_251 : i32
      %convert_element_type3A_253 = arith.extui %lt3A_252 : i1 to i32
      %cond3A_254 = arith.constant 0 : i32
      %cond3A_255 = arith.cmpi ne, %convert_element_type3A_253, %cond3A_254 : i32
      scf.if %cond3A_255 {
        %ge3A = arith.constant 2 : i32
        %ge3A_310 = arith.cmpi sge, %add3A_203, %ge3A : i32
        %convert_element_type3A_311 = arith.extui %ge3A_310 : i1 to i32
        %cond3A_312 = arith.constant 0 : i32
        %cond3A_313 = arith.cmpi ne, %convert_element_type3A_311, %cond3A_312 : i32
        scf.if %cond3A_313 {
          %dma_wait3A_336 = arith.constant 0 : i32
          %dma_wait3A_337 = arith.constant 0 : i32
          %dma_wait3A_338 = tpu.memref_slice %arg15[%dma_wait3A_336, %dma_wait3A_337] : memref<1x64xi32, #tpu.memory_space<vmem>> -> memref<1x64xi32, #tpu.memory_space<vmem>>
          %dma_wait3A_339 = tpu.memref_squeeze %dma_wait3A_338 : memref<1x64xi32, #tpu.memory_space<vmem>> -> memref<64xi32, #tpu.memory_space<vmem>>
          %dma_wait3A_340 = arith.constant 0 : i32
          %dma_wait3A_341 = arith.constant 0 : i32
          %dma_wait3A_342 = tpu.memref_slice %arg26[%dma_wait3A_340, %dma_wait3A_341] : memref<10240x128xf32, #tpu.memory_space<vmem_shared>> -> memref<10240x128xf32, #tpu.memory_space<vmem_shared>>
          tpu.wait_indirect_dma semaphore(%arg31 : memref<!tpu.dma_semaphore, #tpu.memory_space<semaphore_mem>>) src(%arg19 : memref<64x128xf32, #tpu.memory_space<vmem>>) dst(%dma_wait3A_342 : memref<10240x128xf32, #tpu.memory_space<vmem_shared>>)
        } else {
        }
        %add3A_314 = arith.addi %mul3A_13, %add3A_203 : i32
        %add3A_315 = arith.constant 2 : i32
        %add3A_316 = arith.addi %add3A_314, %add3A_315 : i32
        %dma_start3A_317 = arith.constant 0 : i32
        %dma_start3A_318 = arith.constant 0 : i32
        %dma_start3A_319 = tpu.memref_slice %arg3[%add3A_316, %dma_start3A_317, %dma_start3A_318] : memref<4992x1x64xi32, #tpu.memory_space<hbm>> -> memref<1x1x64xi32, #tpu.memory_space<hbm>>
        %dma_start3A_320 = tpu.memref_squeeze %dma_start3A_319 : memref<1x1x64xi32, #tpu.memory_space<hbm>> -> memref<1x64xi32, #tpu.memory_space<hbm>>
        %dma_start3A_321 = arith.constant 0 : i32
        %dma_start3A_322 = arith.constant 0 : i32
        %dma_start3A_323 = tpu.memref_slice %arg3[%add3A_316, %dma_start3A_321, %dma_start3A_322] : memref<4992x1x64xi32, #tpu.memory_space<hbm>> -> memref<1x1x64xi32, #tpu.memory_space<hbm>>
        %dma_start3A_324 = tpu.memref_squeeze %dma_start3A_323 : memref<1x1x64xi32, #tpu.memory_space<hbm>> -> memref<1x64xi32, #tpu.memory_space<hbm>>
        tpu.enqueue_dma source(%dma_start3A_324 : memref<1x64xi32, #tpu.memory_space<hbm>>) target(%arg11 : memref<1x64xi32, #tpu.memory_space<vmem>>) target_semaphore(%arg35 : memref<!tpu.dma_semaphore, #tpu.memory_space<semaphore_mem>>)
        %add3A_325 = arith.addi %mul3A_13, %add3A_203 : i32
        %add3A_326 = arith.constant 2 : i32
        %add3A_327 = arith.addi %add3A_325, %add3A_326 : i32
        %dma_start3A_328 = arith.constant 0 : i32
        %dma_start3A_329 = arith.constant 0 : i32
        %dma_start3A_330 = tpu.memref_slice %arg4[%add3A_327, %dma_start3A_328, %dma_start3A_329] : memref<4992x1x64xi32, #tpu.memory_space<hbm>> -> memref<1x1x64xi32, #tpu.memory_space<hbm>>
        %dma_start3A_331 = tpu.memref_squeeze %dma_start3A_330 : memref<1x1x64xi32, #tpu.memory_space<hbm>> -> memref<1x64xi32, #tpu.memory_space<hbm>>
        %dma_start3A_332 = arith.constant 0 : i32
        %dma_start3A_333 = arith.constant 0 : i32
        %dma_start3A_334 = tpu.memref_slice %arg4[%add3A_327, %dma_start3A_332, %dma_start3A_333] : memref<4992x1x64xi32, #tpu.memory_space<hbm>> -> memref<1x1x64xi32, #tpu.memory_space<hbm>>
        %dma_start3A_335 = tpu.memref_squeeze %dma_start3A_334 : memref<1x1x64xi32, #tpu.memory_space<hbm>> -> memref<1x64xi32, #tpu.memory_space<hbm>>
        tpu.enqueue_dma source(%dma_start3A_335 : memref<1x64xi32, #tpu.memory_space<hbm>>) target(%arg15 : memref<1x64xi32, #tpu.memory_space<vmem>>) target_semaphore(%arg35 : memref<!tpu.dma_semaphore, #tpu.memory_space<semaphore_mem>>)
      } else {
      }
      %add3A_256 = arith.constant 3 : i32
      %add3A_257 = arith.addi %add3A_98, %add3A_256 : i32
      %add3A_258 = arith.constant 1 : i32
      %add3A_259 = arith.addi %add3A_257, %add3A_258 : i32
      %lt3A_260 = arith.constant 156 : i32
      %lt3A_261 = arith.cmpi slt, %add3A_259, %lt3A_260 : i32
      %convert_element_type3A_262 = arith.extui %lt3A_261 : i1 to i32
      %cond3A_263 = arith.constant 0 : i32
      %cond3A_264 = arith.cmpi ne, %convert_element_type3A_262, %cond3A_263 : i32
      scf.if %cond3A_264 {
        %add3A_310 = arith.addi %mul3A_13, %add3A_257 : i32
        %add3A_311 = arith.constant 1 : i32
        %add3A_312 = arith.addi %add3A_310, %add3A_311 : i32
        %dma_wait3A_313 = arith.constant 0 : i32
        %dma_wait3A_314 = arith.constant 0 : i32
        %dma_wait3A_315 = tpu.memref_slice %arg3[%add3A_312, %dma_wait3A_313, %dma_wait3A_314] : memref<4992x1x64xi32, #tpu.memory_space<hbm>> -> memref<1x1x64xi32, #tpu.memory_space<hbm>>
        %dma_wait3A_316 = tpu.memref_squeeze %dma_wait3A_315 : memref<1x1x64xi32, #tpu.memory_space<hbm>> -> memref<1x64xi32, #tpu.memory_space<hbm>>
        %dma_wait3A_317 = arith.constant 0 : i32
        %dma_wait3A_318 = arith.constant 0 : i32
        %dma_wait3A_319 = tpu.memref_slice %arg3[%add3A_312, %dma_wait3A_317, %dma_wait3A_318] : memref<4992x1x64xi32, #tpu.memory_space<hbm>> -> memref<1x1x64xi32, #tpu.memory_space<hbm>>
        %dma_wait3A_320 = tpu.memref_squeeze %dma_wait3A_319 : memref<1x1x64xi32, #tpu.memory_space<hbm>> -> memref<1x64xi32, #tpu.memory_space<hbm>>
        tpu.wait_dma2 semaphore(%arg35 : memref<!tpu.dma_semaphore, #tpu.memory_space<semaphore_mem>>) src(%dma_wait3A_320 : memref<1x64xi32, #tpu.memory_space<hbm>>) dst(%arg11 : memref<1x64xi32, #tpu.memory_space<vmem>>)
        %add3A_321 = arith.addi %mul3A_13, %add3A_257 : i32
        %add3A_322 = arith.constant 1 : i32
        %add3A_323 = arith.addi %add3A_321, %add3A_322 : i32
        %dma_wait3A_324 = arith.constant 0 : i32
        %dma_wait3A_325 = arith.constant 0 : i32
        %dma_wait3A_326 = tpu.memref_slice %arg4[%add3A_323, %dma_wait3A_324, %dma_wait3A_325] : memref<4992x1x64xi32, #tpu.memory_space<hbm>> -> memref<1x1x64xi32, #tpu.memory_space<hbm>>
        %dma_wait3A_327 = tpu.memref_squeeze %dma_wait3A_326 : memref<1x1x64xi32, #tpu.memory_space<hbm>> -> memref<1x64xi32, #tpu.memory_space<hbm>>
        %dma_wait3A_328 = arith.constant 0 : i32
        %dma_wait3A_329 = arith.constant 0 : i32
        %dma_wait3A_330 = tpu.memref_slice %arg4[%add3A_323, %dma_wait3A_328, %dma_wait3A_329] : memref<4992x1x64xi32, #tpu.memory_space<hbm>> -> memref<1x1x64xi32, #tpu.memory_space<hbm>>
        %dma_wait3A_331 = tpu.memref_squeeze %dma_wait3A_330 : memref<1x1x64xi32, #tpu.memory_space<hbm>> -> memref<1x64xi32, #tpu.memory_space<hbm>>
        tpu.wait_dma2 semaphore(%arg35 : memref<!tpu.dma_semaphore, #tpu.memory_space<semaphore_mem>>) src(%dma_wait3A_331 : memref<1x64xi32, #tpu.memory_space<hbm>>) dst(%arg15 : memref<1x64xi32, #tpu.memory_space<vmem>>)
        %dma_start3A_332 = arith.constant 0 : i32
        %dma_start3A_333 = arith.constant 0 : i32
        %dma_start3A_334 = tpu.memref_slice %arg11[%dma_start3A_332, %dma_start3A_333] : memref<1x64xi32, #tpu.memory_space<vmem>> -> memref<1x64xi32, #tpu.memory_space<vmem>>
        %dma_start3A_335 = tpu.memref_squeeze %dma_start3A_334 : memref<1x64xi32, #tpu.memory_space<vmem>> -> memref<64xi32, #tpu.memory_space<vmem>>
        %dma_start3A_336 = arith.constant 0 : i32
        %dma_start3A_337 = arith.constant 0 : i32
        %dma_start3A_338 = tpu.memref_slice %arg2[%dma_start3A_336, %dma_start3A_337] : memref<10000x128xf32, #tpu.memory_space<hbm>> -> memref<10000x128xf32, #tpu.memory_space<hbm>>
        tpu.enqueue_indirect_dma source(%dma_start3A_338 : memref<10000x128xf32, #tpu.memory_space<hbm>>) target(%arg19 : memref<64x128xf32, #tpu.memory_space<vmem>>) offsets(%dma_start3A_335 : memref<64xi32, #tpu.memory_space<vmem>>) semaphore(%arg27 : memref<!tpu.dma_semaphore, #tpu.memory_space<semaphore_mem>>)
      } else {
      }
      %dma_wait3A_265 = arith.constant 0 : i32
      %dma_wait3A_266 = arith.constant 0 : i32
      %dma_wait3A_267 = tpu.memref_slice %arg14[%dma_wait3A_265, %dma_wait3A_266] : memref<1x64xi32, #tpu.memory_space<vmem>> -> memref<1x64xi32, #tpu.memory_space<vmem>>
      %dma_wait3A_268 = tpu.memref_squeeze %dma_wait3A_267 : memref<1x64xi32, #tpu.memory_space<vmem>> -> memref<64xi32, #tpu.memory_space<vmem>>
      %dma_wait3A_269 = arith.constant 0 : i32
      %dma_wait3A_270 = arith.constant 0 : i32
      %dma_wait3A_271 = tpu.memref_slice %arg2[%dma_wait3A_269, %dma_wait3A_270] : memref<10000x128xf32, #tpu.memory_space<hbm>> -> memref<10000x128xf32, #tpu.memory_space<hbm>>
      tpu.wait_indirect_dma semaphore(%arg30 : memref<!tpu.dma_semaphore, #tpu.memory_space<semaphore_mem>>) src(%dma_wait3A_271 : memref<10000x128xf32, #tpu.memory_space<hbm>>) dst(%arg22 : memref<64x128xf32, #tpu.memory_space<vmem>>)
      %dma_start3A_272 = arith.constant 0 : i32
      %dma_start3A_273 = arith.constant 0 : i32
      %dma_start3A_274 = tpu.memref_slice %arg18[%dma_start3A_272, %dma_start3A_273] : memref<1x64xi32, #tpu.memory_space<vmem>> -> memref<1x64xi32, #tpu.memory_space<vmem>>
      %dma_start3A_275 = tpu.memref_squeeze %dma_start3A_274 : memref<1x64xi32, #tpu.memory_space<vmem>> -> memref<64xi32, #tpu.memory_space<vmem>>
      %dma_start3A_276 = arith.constant 0 : i32
      %dma_start3A_277 = arith.constant 0 : i32
      %dma_start3A_278 = tpu.memref_slice %arg26[%dma_start3A_276, %dma_start3A_277] : memref<10240x128xf32, #tpu.memory_space<vmem_shared>> -> memref<10240x128xf32, #tpu.memory_space<vmem_shared>>
      tpu.enqueue_indirect_dma source(%arg22 : memref<64x128xf32, #tpu.memory_space<vmem>>) target(%dma_start3A_278 : memref<10240x128xf32, #tpu.memory_space<vmem_shared>>) offsets(%dma_start3A_275 : memref<64xi32, #tpu.memory_space<vmem>>) semaphore(%arg34 : memref<!tpu.dma_semaphore, #tpu.memory_space<semaphore_mem>>) {add = true}
      %get3A_279 = arith.constant 0 : i32
      %get3A_280 = arith.index_cast %get3A_279 : i32 to index
      %get3A_281 = arith.constant 0 : index
      %get3A_282 = tpu.vector_load %arg18[%get3A_280, %get3A_281] {strides = array<i32>} : memref<1x64xi32, #tpu.memory_space<vmem>>, vector<16xi32>,
      %broadcast_in_dim3A_283 = arith.constant 1.000000e+00 : f32
      %broadcast_in_dim3A_284 = vector.broadcast %broadcast_in_dim3A_283 : f32 to vector<16xf32>
      tpu.vector_store_idx %arg39[%get3A_282], %broadcast_in_dim3A_284 {add = true} : memref<10240xf32, #tpu.memory_space<vmem>>[vector<16xi32>], vector<16xf32>,
      %get3A_285 = arith.constant 0 : i32
      %get3A_286 = arith.index_cast %get3A_285 : i32 to index
      %get3A_287 = arith.constant 16 : index
      %get3A_288 = tpu.vector_load %arg18[%get3A_286, %get3A_287] {strides = array<i32>} : memref<1x64xi32, #tpu.memory_space<vmem>>, vector<16xi32>,
      %broadcast_in_dim3A_289 = arith.constant 1.000000e+00 : f32
      %broadcast_in_dim3A_290 = vector.broadcast %broadcast_in_dim3A_289 : f32 to vector<16xf32>
      tpu.vector_store_idx %arg39[%get3A_288], %broadcast_in_dim3A_290 {add = true} : memref<10240xf32, #tpu.memory_space<vmem>>[vector<16xi32>], vector<16xf32>,
      %get3A_291 = arith.constant 0 : i32
      %get3A_292 = arith.index_cast %get3A_291 : i32 to index
      %get3A_293 = arith.constant 32 : index
      %get3A_294 = tpu.vector_load %arg18[%get3A_292, %get3A_293] {strides = array<i32>} : memref<1x64xi32, #tpu.memory_space<vmem>>, vector<16xi32>,
      %broadcast_in_dim3A_295 = arith.constant 1.000000e+00 : f32
      %broadcast_in_dim3A_296 = vector.broadcast %broadcast_in_dim3A_295 : f32 to vector<16xf32>
      tpu.vector_store_idx %arg39[%get3A_294], %broadcast_in_dim3A_296 {add = true} : memref<10240xf32, #tpu.memory_space<vmem>>[vector<16xi32>], vector<16xf32>,
      %get3A_297 = arith.constant 0 : i32
      %get3A_298 = arith.index_cast %get3A_297 : i32 to index
      %get3A_299 = arith.constant 48 : index
      %get3A_300 = tpu.vector_load %arg18[%get3A_298, %get3A_299] {strides = array<i32>} : memref<1x64xi32, #tpu.memory_space<vmem>>, vector<16xi32>,
      %broadcast_in_dim3A_301 = arith.constant 1.000000e+00 : f32
      %broadcast_in_dim3A_302 = vector.broadcast %broadcast_in_dim3A_301 : f32 to vector<16xf32>
      tpu.vector_store_idx %arg39[%get3A_300], %broadcast_in_dim3A_302 {add = true} : memref<10240xf32, #tpu.memory_space<vmem>>[vector<16xi32>], vector<16xf32>,
      %add3A_303 = arith.constant 2 : i32
      %add3A_304 = arith.addi %add3A_257, %add3A_303 : i32
      %lt3A_305 = arith.constant 156 : i32
      %lt3A_306 = arith.cmpi slt, %add3A_304, %lt3A_305 : i32
      %convert_element_type3A_307 = arith.extui %lt3A_306 : i1 to i32
      %cond3A_308 = arith.constant 0 : i32
      %cond3A_309 = arith.cmpi ne, %convert_element_type3A_307, %cond3A_308 : i32
      scf.if %cond3A_309 {
        %ge3A = arith.constant 2 : i32
        %ge3A_310 = arith.cmpi sge, %add3A_257, %ge3A : i32
        %convert_element_type3A_311 = arith.extui %ge3A_310 : i1 to i32
        %cond3A_312 = arith.constant 0 : i32
        %cond3A_313 = arith.cmpi ne, %convert_element_type3A_311, %cond3A_312 : i32
        scf.if %cond3A_313 {
          %dma_wait3A_336 = arith.constant 0 : i32
          %dma_wait3A_337 = arith.constant 0 : i32
          %dma_wait3A_338 = tpu.memref_slice %arg16[%dma_wait3A_336, %dma_wait3A_337] : memref<1x64xi32, #tpu.memory_space<vmem>> -> memref<1x64xi32, #tpu.memory_space<vmem>>
          %dma_wait3A_339 = tpu.memref_squeeze %dma_wait3A_338 : memref<1x64xi32, #tpu.memory_space<vmem>> -> memref<64xi32, #tpu.memory_space<vmem>>
          %dma_wait3A_340 = arith.constant 0 : i32
          %dma_wait3A_341 = arith.constant 0 : i32
          %dma_wait3A_342 = tpu.memref_slice %arg26[%dma_wait3A_340, %dma_wait3A_341] : memref<10240x128xf32, #tpu.memory_space<vmem_shared>> -> memref<10240x128xf32, #tpu.memory_space<vmem_shared>>
          tpu.wait_indirect_dma semaphore(%arg32 : memref<!tpu.dma_semaphore, #tpu.memory_space<semaphore_mem>>) src(%arg20 : memref<64x128xf32, #tpu.memory_space<vmem>>) dst(%dma_wait3A_342 : memref<10240x128xf32, #tpu.memory_space<vmem_shared>>)
        } else {
        }
        %add3A_314 = arith.addi %mul3A_13, %add3A_257 : i32
        %add3A_315 = arith.constant 2 : i32
        %add3A_316 = arith.addi %add3A_314, %add3A_315 : i32
        %dma_start3A_317 = arith.constant 0 : i32
        %dma_start3A_318 = arith.constant 0 : i32
        %dma_start3A_319 = tpu.memref_slice %arg3[%add3A_316, %dma_start3A_317, %dma_start3A_318] : memref<4992x1x64xi32, #tpu.memory_space<hbm>> -> memref<1x1x64xi32, #tpu.memory_space<hbm>>
        %dma_start3A_320 = tpu.memref_squeeze %dma_start3A_319 : memref<1x1x64xi32, #tpu.memory_space<hbm>> -> memref<1x64xi32, #tpu.memory_space<hbm>>
        %dma_start3A_321 = arith.constant 0 : i32
        %dma_start3A_322 = arith.constant 0 : i32
        %dma_start3A_323 = tpu.memref_slice %arg3[%add3A_316, %dma_start3A_321, %dma_start3A_322] : memref<4992x1x64xi32, #tpu.memory_space<hbm>> -> memref<1x1x64xi32, #tpu.memory_space<hbm>>
        %dma_start3A_324 = tpu.memref_squeeze %dma_start3A_323 : memref<1x1x64xi32, #tpu.memory_space<hbm>> -> memref<1x64xi32, #tpu.memory_space<hbm>>
        tpu.enqueue_dma source(%dma_start3A_324 : memref<1x64xi32, #tpu.memory_space<hbm>>) target(%arg12 : memref<1x64xi32, #tpu.memory_space<vmem>>) target_semaphore(%arg36 : memref<!tpu.dma_semaphore, #tpu.memory_space<semaphore_mem>>)
        %add3A_325 = arith.addi %mul3A_13, %add3A_257 : i32
        %add3A_326 = arith.constant 2 : i32
        %add3A_327 = arith.addi %add3A_325, %add3A_326 : i32
        %dma_start3A_328 = arith.constant 0 : i32
        %dma_start3A_329 = arith.constant 0 : i32
        %dma_start3A_330 = tpu.memref_slice %arg4[%add3A_327, %dma_start3A_328, %dma_start3A_329] : memref<4992x1x64xi32, #tpu.memory_space<hbm>> -> memref<1x1x64xi32, #tpu.memory_space<hbm>>
        %dma_start3A_331 = tpu.memref_squeeze %dma_start3A_330 : memref<1x1x64xi32, #tpu.memory_space<hbm>> -> memref<1x64xi32, #tpu.memory_space<hbm>>
        %dma_start3A_332 = arith.constant 0 : i32
        %dma_start3A_333 = arith.constant 0 : i32
        %dma_start3A_334 = tpu.memref_slice %arg4[%add3A_327, %dma_start3A_332, %dma_start3A_333] : memref<4992x1x64xi32, #tpu.memory_space<hbm>> -> memref<1x1x64xi32, #tpu.memory_space<hbm>>
        %dma_start3A_335 = tpu.memref_squeeze %dma_start3A_334 : memref<1x1x64xi32, #tpu.memory_space<hbm>> -> memref<1x64xi32, #tpu.memory_space<hbm>>
        tpu.enqueue_dma source(%dma_start3A_335 : memref<1x64xi32, #tpu.memory_space<hbm>>) target(%arg16 : memref<1x64xi32, #tpu.memory_space<vmem>>) target_semaphore(%arg36 : memref<!tpu.dma_semaphore, #tpu.memory_space<semaphore_mem>>)
      } else {
      }
    }
    %scan3A_44 = arith.constant 39 : i32
    "tpu.region"() ({
      %run_scoped3A_94 = tpu.sem_alloc : memref<!tpu.dma_semaphore, #tpu.memory_space<semaphore_mem>>
      %dma_start3A_95 = arith.constant 0 : i32
      %dma_start3A_96 = arith.constant 0 : i32
      %dma_start3A_97 = tpu.memref_slice %arg5[%add3A, %dma_start3A_95, %dma_start3A_96] : memref<32x1x16xi32, #tpu.memory_space<hbm>> -> memref<1x1x16xi32, #tpu.memory_space<hbm>>
      %dma_start3A_98 = tpu.memref_squeeze %dma_start3A_97 : memref<1x1x16xi32, #tpu.memory_space<hbm>> -> memref<1x16xi32, #tpu.memory_space<hbm>>
      %dma_start3A_99 = arith.constant 0 : i32
      %dma_start3A_100 = arith.constant 0 : i32
      %dma_start3A_101 = tpu.memref_slice %arg5[%add3A, %dma_start3A_99, %dma_start3A_100] : memref<32x1x16xi32, #tpu.memory_space<hbm>> -> memref<1x1x16xi32, #tpu.memory_space<hbm>>
      %dma_start3A_102 = tpu.memref_squeeze %dma_start3A_101 : memref<1x1x16xi32, #tpu.memory_space<hbm>> -> memref<1x16xi32, #tpu.memory_space<hbm>>
      tpu.enqueue_dma source(%dma_start3A_102 : memref<1x16xi32, #tpu.memory_space<hbm>>) target(%arg23 : memref<1x16xi32, #tpu.memory_space<vmem>>) target_semaphore(%run_scoped3A_94 : memref<!tpu.dma_semaphore, #tpu.memory_space<semaphore_mem>>)
      %dma_wait3A_103 = arith.constant 0 : i32
      %dma_wait3A_104 = arith.constant 0 : i32
      %dma_wait3A_105 = tpu.memref_slice %arg5[%add3A, %dma_wait3A_103, %dma_wait3A_104] : memref<32x1x16xi32, #tpu.memory_space<hbm>> -> memref<1x1x16xi32, #tpu.memory_space<hbm>>
      %dma_wait3A_106 = tpu.memref_squeeze %dma_wait3A_105 : memref<1x1x16xi32, #tpu.memory_space<hbm>> -> memref<1x16xi32, #tpu.memory_space<hbm>>
      %dma_wait3A_107 = arith.constant 0 : i32
      %dma_wait3A_108 = arith.constant 0 : i32
      %dma_wait3A_109 = tpu.memref_slice %arg5[%add3A, %dma_wait3A_107, %dma_wait3A_108] : memref<32x1x16xi32, #tpu.memory_space<hbm>> -> memref<1x1x16xi32, #tpu.memory_space<hbm>>
      %dma_wait3A_110 = tpu.memref_squeeze %dma_wait3A_109 : memref<1x1x16xi32, #tpu.memory_space<hbm>> -> memref<1x16xi32, #tpu.memory_space<hbm>>
      tpu.wait_dma2 semaphore(%run_scoped3A_94 : memref<!tpu.dma_semaphore, #tpu.memory_space<semaphore_mem>>) src(%dma_wait3A_110 : memref<1x16xi32, #tpu.memory_space<hbm>>) dst(%arg23 : memref<1x16xi32, #tpu.memory_space<vmem>>)
      tpu.yield
    }) : () -> ()
    "tpu.region"() ({
      %run_scoped3A_94 = tpu.sem_alloc : memref<!tpu.dma_semaphore, #tpu.memory_space<semaphore_mem>>
      %dma_start3A_95 = arith.constant 0 : i32
      %dma_start3A_96 = arith.constant 0 : i32
      %dma_start3A_97 = tpu.memref_slice %arg6[%add3A, %dma_start3A_95, %dma_start3A_96] : memref<32x1x16xi32, #tpu.memory_space<hbm>> -> memref<1x1x16xi32, #tpu.memory_space<hbm>>
      %dma_start3A_98 = tpu.memref_squeeze %dma_start3A_97 : memref<1x1x16xi32, #tpu.memory_space<hbm>> -> memref<1x16xi32, #tpu.memory_space<hbm>>
      %dma_start3A_99 = arith.constant 0 : i32
      %dma_start3A_100 = arith.constant 0 : i32
      %dma_start3A_101 = tpu.memref_slice %arg6[%add3A, %dma_start3A_99, %dma_start3A_100] : memref<32x1x16xi32, #tpu.memory_space<hbm>> -> memref<1x1x16xi32, #tpu.memory_space<hbm>>
      %dma_start3A_102 = tpu.memref_squeeze %dma_start3A_101 : memref<1x1x16xi32, #tpu.memory_space<hbm>> -> memref<1x16xi32, #tpu.memory_space<hbm>>
      tpu.enqueue_dma source(%dma_start3A_102 : memref<1x16xi32, #tpu.memory_space<hbm>>) target(%arg24 : memref<1x16xi32, #tpu.memory_space<vmem>>) target_semaphore(%run_scoped3A_94 : memref<!tpu.dma_semaphore, #tpu.memory_space<semaphore_mem>>)
      %dma_wait3A_103 = arith.constant 0 : i32
      %dma_wait3A_104 = arith.constant 0 : i32
      %dma_wait3A_105 = tpu.memref_slice %arg6[%add3A, %dma_wait3A_103, %dma_wait3A_104] : memref<32x1x16xi32, #tpu.memory_space<hbm>> -> memref<1x1x16xi32, #tpu.memory_space<hbm>>
      %dma_wait3A_106 = tpu.memref_squeeze %dma_wait3A_105 : memref<1x1x16xi32, #tpu.memory_space<hbm>> -> memref<1x16xi32, #tpu.memory_space<hbm>>
      %dma_wait3A_107 = arith.constant 0 : i32
      %dma_wait3A_108 = arith.constant 0 : i32
      %dma_wait3A_109 = tpu.memref_slice %arg6[%add3A, %dma_wait3A_107, %dma_wait3A_108] : memref<32x1x16xi32, #tpu.memory_space<hbm>> -> memref<1x1x16xi32, #tpu.memory_space<hbm>>
      %dma_wait3A_110 = tpu.memref_squeeze %dma_wait3A_109 : memref<1x1x16xi32, #tpu.memory_space<hbm>> -> memref<1x16xi32, #tpu.memory_space<hbm>>
      tpu.wait_dma2 semaphore(%run_scoped3A_94 : memref<!tpu.dma_semaphore, #tpu.memory_space<semaphore_mem>>) src(%dma_wait3A_110 : memref<1x16xi32, #tpu.memory_space<hbm>>) dst(%arg24 : memref<1x16xi32, #tpu.memory_space<vmem>>)
      tpu.yield
    }) : () -> ()
    %run_scoped3A = arith.constant 0 : i32
    "tpu.region"() ({
      %run_scoped3A_94 = tpu.sem_alloc : memref<!tpu.dma_semaphore, #tpu.memory_space<semaphore_mem>>
      %dma_start3A_95 = arith.constant 0 : i32
      %dma_start3A_96 = tpu.memref_slice %arg23[%run_scoped3A, %dma_start3A_95] : memref<1x16xi32, #tpu.memory_space<vmem>> -> memref<1x16xi32, #tpu.memory_space<vmem>>
      %dma_start3A_97 = tpu.memref_squeeze %dma_start3A_96 : memref<1x16xi32, #tpu.memory_space<vmem>> -> memref<16xi32, #tpu.memory_space<vmem>>
      %dma_start3A_98 = arith.constant 0 : i32
      %dma_start3A_99 = arith.constant 0 : i32
      %dma_start3A_100 = tpu.memref_slice %arg2[%dma_start3A_98, %dma_start3A_99] : memref<10000x128xf32, #tpu.memory_space<hbm>> -> memref<10000x128xf32, #tpu.memory_space<hbm>>
      tpu.enqueue_indirect_dma source(%dma_start3A_100 : memref<10000x128xf32, #tpu.memory_space<hbm>>) target(%arg25 : memref<16x128xf32, #tpu.memory_space<vmem>>) offsets(%dma_start3A_97 : memref<16xi32, #tpu.memory_space<vmem>>) semaphore(%run_scoped3A_94 : memref<!tpu.dma_semaphore, #tpu.memory_space<semaphore_mem>>)
      %dma_wait3A_101 = arith.constant 0 : i32
      %dma_wait3A_102 = tpu.memref_slice %arg23[%run_scoped3A, %dma_wait3A_101] : memref<1x16xi32, #tpu.memory_space<vmem>> -> memref<1x16xi32, #tpu.memory_space<vmem>>
      %dma_wait3A_103 = tpu.memref_squeeze %dma_wait3A_102 : memref<1x16xi32, #tpu.memory_space<vmem>> -> memref<16xi32, #tpu.memory_space<vmem>>
      %dma_wait3A_104 = arith.constant 0 : i32
      %dma_wait3A_105 = arith.constant 0 : i32
      %dma_wait3A_106 = tpu.memref_slice %arg2[%dma_wait3A_104, %dma_wait3A_105] : memref<10000x128xf32, #tpu.memory_space<hbm>> -> memref<10000x128xf32, #tpu.memory_space<hbm>>
      tpu.wait_indirect_dma semaphore(%run_scoped3A_94 : memref<!tpu.dma_semaphore, #tpu.memory_space<semaphore_mem>>) src(%dma_wait3A_106 : memref<10000x128xf32, #tpu.memory_space<hbm>>) dst(%arg25 : memref<16x128xf32, #tpu.memory_space<vmem>>)
      tpu.yield
    }) : () -> ()
    %run_scoped3A_45 = arith.constant 0 : i32
    "tpu.region"() ({
      %run_scoped3A_94 = tpu.sem_alloc : memref<!tpu.dma_semaphore, #tpu.memory_space<semaphore_mem>>
      %dma_start3A_95 = arith.constant 0 : i32
      %dma_start3A_96 = tpu.memref_slice %arg24[%run_scoped3A_45, %dma_start3A_95] : memref<1x16xi32, #tpu.memory_space<vmem>> -> memref<1x16xi32, #tpu.memory_space<vmem>>
      %dma_start3A_97 = tpu.memref_squeeze %dma_start3A_96 : memref<1x16xi32, #tpu.memory_space<vmem>> -> memref<16xi32, #tpu.memory_space<vmem>>
      %dma_start3A_98 = arith.constant 0 : i32
      %dma_start3A_99 = arith.constant 0 : i32
      %dma_start3A_100 = tpu.memref_slice %arg26[%dma_start3A_98, %dma_start3A_99] : memref<10240x128xf32, #tpu.memory_space<vmem_shared>> -> memref<10240x128xf32, #tpu.memory_space<vmem_shared>>
      tpu.enqueue_indirect_dma source(%arg25 : memref<16x128xf32, #tpu.memory_space<vmem>>) target(%dma_start3A_100 : memref<10240x128xf32, #tpu.memory_space<vmem_shared>>) offsets(%dma_start3A_97 : memref<16xi32, #tpu.memory_space<vmem>>) semaphore(%run_scoped3A_94 : memref<!tpu.dma_semaphore, #tpu.memory_space<semaphore_mem>>) {add = true}
      %dma_wait3A_101 = arith.constant 0 : i32
      %dma_wait3A_102 = tpu.memref_slice %arg24[%run_scoped3A_45, %dma_wait3A_101] : memref<1x16xi32, #tpu.memory_space<vmem>> -> memref<1x16xi32, #tpu.memory_space<vmem>>
      %dma_wait3A_103 = tpu.memref_squeeze %dma_wait3A_102 : memref<1x16xi32, #tpu.memory_space<vmem>> -> memref<16xi32, #tpu.memory_space<vmem>>
      %dma_wait3A_104 = arith.constant 0 : i32
      %dma_wait3A_105 = arith.constant 0 : i32
      %dma_wait3A_106 = tpu.memref_slice %arg26[%dma_wait3A_104, %dma_wait3A_105] : memref<10240x128xf32, #tpu.memory_space<vmem_shared>> -> memref<10240x128xf32, #tpu.memory_space<vmem_shared>>
      tpu.wait_indirect_dma semaphore(%run_scoped3A_94 : memref<!tpu.dma_semaphore, #tpu.memory_space<semaphore_mem>>) src(%arg25 : memref<16x128xf32, #tpu.memory_space<vmem>>) dst(%dma_wait3A_106 : memref<10240x128xf32, #tpu.memory_space<vmem_shared>>)
      tpu.yield
    }) : () -> ()
    %get3A = arith.constant 0 : i32
    %get3A_46 = arith.index_cast %get3A : i32 to index
    %get3A_47 = arith.constant 0 : index
    %get3A_48 = tpu.vector_load %arg24[%get3A_46, %get3A_47] {strides = array<i32>} : memref<1x16xi32, #tpu.memory_space<vmem>>, vector<16xi32>,
    %broadcast_in_dim3A = arith.constant 1.000000e+00 : f32
    %broadcast_in_dim3A_49 = vector.broadcast %broadcast_in_dim3A : f32 to vector<16xf32>
    tpu.vector_store_idx %arg39[%get3A_48], %broadcast_in_dim3A_49 {add = true} : memref<10240xf32, #tpu.memory_space<vmem>>[vector<16xi32>], vector<16xf32>,
    %dma_wait3A = arith.constant 0 : i32
    %dma_wait3A_50 = arith.constant 0 : i32
    %dma_wait3A_51 = tpu.memref_slice %arg15[%dma_wait3A, %dma_wait3A_50] : memref<1x64xi32, #tpu.memory_space<vmem>> -> memref<1x64xi32, #tpu.memory_space<vmem>>
    %dma_wait3A_52 = tpu.memref_squeeze %dma_wait3A_51 : memref<1x64xi32, #tpu.memory_space<vmem>> -> memref<64xi32, #tpu.memory_space<vmem>>
    %dma_wait3A_53 = arith.constant 0 : i32
    %dma_wait3A_54 = arith.constant 0 : i32
    %dma_wait3A_55 = tpu.memref_slice %arg26[%dma_wait3A_53, %dma_wait3A_54] : memref<10240x128xf32, #tpu.memory_space<vmem_shared>> -> memref<10240x128xf32, #tpu.memory_space<vmem_shared>>
    tpu.wait_indirect_dma semaphore(%arg31 : memref<!tpu.dma_semaphore, #tpu.memory_space<semaphore_mem>>) src(%arg19 : memref<64x128xf32, #tpu.memory_space<vmem>>) dst(%dma_wait3A_55 : memref<10240x128xf32, #tpu.memory_space<vmem_shared>>)
    %dma_wait3A_56 = arith.constant 0 : i32
    %dma_wait3A_57 = arith.constant 0 : i32
    %dma_wait3A_58 = tpu.memref_slice %arg16[%dma_wait3A_56, %dma_wait3A_57] : memref<1x64xi32, #tpu.memory_space<vmem>> -> memref<1x64xi32, #tpu.memory_space<vmem>>
    %dma_wait3A_59 = tpu.memref_squeeze %dma_wait3A_58 : memref<1x64xi32, #tpu.memory_space<vmem>> -> memref<64xi32, #tpu.memory_space<vmem>>
    %dma_wait3A_60 = arith.constant 0 : i32
    %dma_wait3A_61 = arith.constant 0 : i32
    %dma_wait3A_62 = tpu.memref_slice %arg26[%dma_wait3A_60, %dma_wait3A_61] : memref<10240x128xf32, #tpu.memory_space<vmem_shared>> -> memref<10240x128xf32, #tpu.memory_space<vmem_shared>>
    tpu.wait_indirect_dma semaphore(%arg32 : memref<!tpu.dma_semaphore, #tpu.memory_space<semaphore_mem>>) src(%arg20 : memref<64x128xf32, #tpu.memory_space<vmem>>) dst(%dma_wait3A_62 : memref<10240x128xf32, #tpu.memory_space<vmem_shared>>)
    %dma_wait3A_63 = arith.constant 0 : i32
    %dma_wait3A_64 = arith.constant 0 : i32
    %dma_wait3A_65 = tpu.memref_slice %arg17[%dma_wait3A_63, %dma_wait3A_64] : memref<1x64xi32, #tpu.memory_space<vmem>> -> memref<1x64xi32, #tpu.memory_space<vmem>>
    %dma_wait3A_66 = tpu.memref_squeeze %dma_wait3A_65 : memref<1x64xi32, #tpu.memory_space<vmem>> -> memref<64xi32, #tpu.memory_space<vmem>>
    %dma_wait3A_67 = arith.constant 0 : i32
    %dma_wait3A_68 = arith.constant 0 : i32
    %dma_wait3A_69 = tpu.memref_slice %arg26[%dma_wait3A_67, %dma_wait3A_68] : memref<10240x128xf32, #tpu.memory_space<vmem_shared>> -> memref<10240x128xf32, #tpu.memory_space<vmem_shared>>
    tpu.wait_indirect_dma semaphore(%arg33 : memref<!tpu.dma_semaphore, #tpu.memory_space<semaphore_mem>>) src(%arg21 : memref<64x128xf32, #tpu.memory_space<vmem>>) dst(%dma_wait3A_69 : memref<10240x128xf32, #tpu.memory_space<vmem_shared>>)
    %dma_wait3A_70 = arith.constant 0 : i32
    %dma_wait3A_71 = arith.constant 0 : i32
    %dma_wait3A_72 = tpu.memref_slice %arg18[%dma_wait3A_70, %dma_wait3A_71] : memref<1x64xi32, #tpu.memory_space<vmem>> -> memref<1x64xi32, #tpu.memory_space<vmem>>
    %dma_wait3A_73 = tpu.memref_squeeze %dma_wait3A_72 : memref<1x64xi32, #tpu.memory_space<vmem>> -> memref<64xi32, #tpu.memory_space<vmem>>
    %dma_wait3A_74 = arith.constant 0 : i32
    %dma_wait3A_75 = arith.constant 0 : i32
    %dma_wait3A_76 = tpu.memref_slice %arg26[%dma_wait3A_74, %dma_wait3A_75] : memref<10240x128xf32, #tpu.memory_space<vmem_shared>> -> memref<10240x128xf32, #tpu.memory_space<vmem_shared>>
    tpu.wait_indirect_dma semaphore(%arg34 : memref<!tpu.dma_semaphore, #tpu.memory_space<semaphore_mem>>) src(%arg22 : memref<64x128xf32, #tpu.memory_space<vmem>>) dst(%dma_wait3A_76 : memref<10240x128xf32, #tpu.memory_space<vmem_shared>>)
    %barrier3A_77 = arith.constant 0 : index
    tpu.barrier barrier_id(%barrier3A_77)
    %mul3A_78 = arith.constant 10240 : i32
    %mul3A_79 = arith.muli %arg0, %mul3A_78 : i32
    %add3A_80 = arith.addi %mul3A_79, %mul3A_2 : i32
    %scan3A_81 = arith.constant 0 : i32
    %scan3A_82 = arith.constant 5 : i32
    %scan3A_83 = arith.addi %scan3A_81, %scan3A_82 : i32
    %scan3A_84 = arith.constant 1 : i32
    scf.for %scan3A_94 = %scan3A_81 to %scan3A_83 step %scan3A_84  : i32 {
      %mul3A_95 = arith.constant 2 : i32
      %mul3A_96 = arith.muli %scan3A_94, %mul3A_95 : i32
      %add3A_97 = arith.constant 0 : i32
      %add3A_98 = arith.addi %add3A_97, %mul3A_96 : i32
      %ge3A = arith.constant 2 : i32
      %ge3A_99 = arith.cmpi sge, %add3A_98, %ge3A : i32
      %convert_element_type3A = arith.extui %ge3A_99 : i1 to i32
      %cond3A = arith.constant 0 : i32
      %cond3A_100 = arith.cmpi ne, %convert_element_type3A, %cond3A : i32
      scf.if %cond3A_100 {
        %dma_wait3A_125 = arith.constant 0 : i32
        %dma_wait3A_126 = tpu.memref_slice %arg9[%add3A_80, %dma_wait3A_125] : memref<20480x128xf32, #tpu.memory_space<hbm>> -> memref<64x128xf32, #tpu.memory_space<hbm>>
        %dma_wait3A_127 = arith.constant 0 : i32
        %dma_wait3A_128 = tpu.memref_slice %arg9[%add3A_80, %dma_wait3A_127] : memref<20480x128xf32, #tpu.memory_space<hbm>> -> memref<64x128xf32, #tpu.memory_space<hbm>>
        tpu.wait_dma2 semaphore(%arg27 : memref<!tpu.dma_semaphore, #tpu.memory_space<semaphore_mem>>) src(%arg19 : memref<64x128xf32, #tpu.memory_space<vmem>>) dst(%dma_wait3A_128 : memref<64x128xf32, #tpu.memory_space<hbm>>)
        %dma_wait3A_129 = arith.constant 0 : i32
        %dma_wait3A_130 = tpu.memref_slice %arg9[%add3A_80, %dma_wait3A_129] : memref<20480x128xf32, #tpu.memory_space<hbm>> -> memref<64x128xf32, #tpu.memory_space<hbm>>
        %dma_wait3A_131 = arith.constant 0 : i32
        %dma_wait3A_132 = tpu.memref_slice %arg9[%add3A_80, %dma_wait3A_131] : memref<20480x128xf32, #tpu.memory_space<hbm>> -> memref<64x128xf32, #tpu.memory_space<hbm>>
        tpu.wait_dma2 semaphore(%arg28 : memref<!tpu.dma_semaphore, #tpu.memory_space<semaphore_mem>>) src(%arg20 : memref<64x128xf32, #tpu.memory_space<vmem>>) dst(%dma_wait3A_132 : memref<64x128xf32, #tpu.memory_space<hbm>>)
      } else {
      }
      %mul3A_101 = arith.constant 64 : i32
      %mul3A_102 = arith.muli %add3A_98, %mul3A_101 : i32
      %add3A_103 = arith.addi %mul3A_2, %mul3A_102 : i32
      "tpu.region"() ({
        %run_scoped3A_125 = tpu.sem_alloc : memref<!tpu.dma_semaphore, #tpu.memory_space<semaphore_mem>>
        %dma_start3A_126 = arith.constant 0 : i32
        %dma_start3A_127 = tpu.memref_slice %arg26[%add3A_103, %dma_start3A_126] : memref<10240x128xf32, #tpu.memory_space<vmem_shared>> -> memref<64x128xf32, #tpu.memory_space<vmem_shared>>
        %dma_start3A_128 = arith.constant 0 : i32
        %dma_start3A_129 = tpu.memref_slice %arg26[%add3A_103, %dma_start3A_128] : memref<10240x128xf32, #tpu.memory_space<vmem_shared>> -> memref<64x128xf32, #tpu.memory_space<vmem_shared>>
        tpu.enqueue_dma source(%dma_start3A_129 : memref<64x128xf32, #tpu.memory_space<vmem_shared>>) target(%arg19 : memref<64x128xf32, #tpu.memory_space<vmem>>) target_semaphore(%run_scoped3A_125 : memref<!tpu.dma_semaphore, #tpu.memory_space<semaphore_mem>>)
        %dma_wait3A_130 = arith.constant 0 : i32
        %dma_wait3A_131 = tpu.memref_slice %arg26[%add3A_103, %dma_wait3A_130] : memref<10240x128xf32, #tpu.memory_space<vmem_shared>> -> memref<64x128xf32, #tpu.memory_space<vmem_shared>>
        %dma_wait3A_132 = arith.constant 0 : i32
        %dma_wait3A_133 = tpu.memref_slice %arg26[%add3A_103, %dma_wait3A_132] : memref<10240x128xf32, #tpu.memory_space<vmem_shared>> -> memref<64x128xf32, #tpu.memory_space<vmem_shared>>
        tpu.wait_dma2 semaphore(%run_scoped3A_125 : memref<!tpu.dma_semaphore, #tpu.memory_space<semaphore_mem>>) src(%dma_wait3A_133 : memref<64x128xf32, #tpu.memory_space<vmem_shared>>) dst(%arg19 : memref<64x128xf32, #tpu.memory_space<vmem>>)
        tpu.yield
      }) : () -> ()
      %mul3A_104 = arith.constant 64 : i32
      %mul3A_105 = arith.muli %add3A_98, %mul3A_104 : i32
      %add3A_106 = arith.addi %add3A_80, %mul3A_105 : i32
      %dma_start3A_107 = arith.constant 0 : i32
      %dma_start3A_108 = tpu.memref_slice %arg9[%add3A_106, %dma_start3A_107] : memref<20480x128xf32, #tpu.memory_space<hbm>> -> memref<64x128xf32, #tpu.memory_space<hbm>>
      %dma_start3A_109 = arith.constant 0 : i32
      %dma_start3A_110 = tpu.memref_slice %arg9[%add3A_106, %dma_start3A_109] : memref<20480x128xf32, #tpu.memory_space<hbm>> -> memref<64x128xf32, #tpu.memory_space<hbm>>
      tpu.enqueue_dma source(%arg19 : memref<64x128xf32, #tpu.memory_space<vmem>>) target(%dma_start3A_110 : memref<64x128xf32, #tpu.memory_space<hbm>>) target_semaphore(%arg27 : memref<!tpu.dma_semaphore, #tpu.memory_space<semaphore_mem>>)
      %add3A_111 = arith.constant 1 : i32
      %add3A_112 = arith.addi %add3A_98, %add3A_111 : i32
      %mul3A_113 = arith.constant 64 : i32
      %mul3A_114 = arith.muli %add3A_112, %mul3A_113 : i32
      %add3A_115 = arith.addi %mul3A_2, %mul3A_114 : i32
      "tpu.region"() ({
        %run_scoped3A_125 = tpu.sem_alloc : memref<!tpu.dma_semaphore, #tpu.memory_space<semaphore_mem>>
        %dma_start3A_126 = arith.constant 0 : i32
        %dma_start3A_127 = tpu.memref_slice %arg26[%add3A_115, %dma_start3A_126] : memref<10240x128xf32, #tpu.memory_space<vmem_shared>> -> memref<64x128xf32, #tpu.memory_space<vmem_shared>>
        %dma_start3A_128 = arith.constant 0 : i32
        %dma_start3A_129 = tpu.memref_slice %arg26[%add3A_115, %dma_start3A_128] : memref<10240x128xf32, #tpu.memory_space<vmem_shared>> -> memref<64x128xf32, #tpu.memory_space<vmem_shared>>
        tpu.enqueue_dma source(%dma_start3A_129 : memref<64x128xf32, #tpu.memory_space<vmem_shared>>) target(%arg20 : memref<64x128xf32, #tpu.memory_space<vmem>>) target_semaphore(%run_scoped3A_125 : memref<!tpu.dma_semaphore, #tpu.memory_space<semaphore_mem>>)
        %dma_wait3A_130 = arith.constant 0 : i32
        %dma_wait3A_131 = tpu.memref_slice %arg26[%add3A_115, %dma_wait3A_130] : memref<10240x128xf32, #tpu.memory_space<vmem_shared>> -> memref<64x128xf32, #tpu.memory_space<vmem_shared>>
        %dma_wait3A_132 = arith.constant 0 : i32
        %dma_wait3A_133 = tpu.memref_slice %arg26[%add3A_115, %dma_wait3A_132] : memref<10240x128xf32, #tpu.memory_space<vmem_shared>> -> memref<64x128xf32, #tpu.memory_space<vmem_shared>>
        tpu.wait_dma2 semaphore(%run_scoped3A_125 : memref<!tpu.dma_semaphore, #tpu.memory_space<semaphore_mem>>) src(%dma_wait3A_133 : memref<64x128xf32, #tpu.memory_space<vmem_shared>>) dst(%arg20 : memref<64x128xf32, #tpu.memory_space<vmem>>)
        tpu.yield
      }) : () -> ()
      %add3A_116 = arith.constant 1 : i32
      %add3A_117 = arith.addi %add3A_98, %add3A_116 : i32
      %mul3A_118 = arith.constant 64 : i32
      %mul3A_119 = arith.muli %add3A_117, %mul3A_118 : i32
      %add3A_120 = arith.addi %add3A_80, %mul3A_119 : i32
      %dma_start3A_121 = arith.constant 0 : i32
      %dma_start3A_122 = tpu.memref_slice %arg9[%add3A_120, %dma_start3A_121] : memref<20480x128xf32, #tpu.memory_space<hbm>> -> memref<64x128xf32, #tpu.memory_space<hbm>>
      %dma_start3A_123 = arith.constant 0 : i32
      %dma_start3A_124 = tpu.memref_slice %arg9[%add3A_120, %dma_start3A_123] : memref<20480x128xf32, #tpu.memory_space<hbm>> -> memref<64x128xf32, #tpu.memory_space<hbm>>
      tpu.enqueue_dma source(%arg20 : memref<64x128xf32, #tpu.memory_space<vmem>>) target(%dma_start3A_124 : memref<64x128xf32, #tpu.memory_space<hbm>>) target_semaphore(%arg28 : memref<!tpu.dma_semaphore, #tpu.memory_space<semaphore_mem>>)
    }
    %scan3A_85 = arith.constant 5 : i32
    %dma_wait3A_86 = arith.constant 0 : i32
    %dma_wait3A_87 = tpu.memref_slice %arg9[%add3A_80, %dma_wait3A_86] : memref<20480x128xf32, #tpu.memory_space<hbm>> -> memref<64x128xf32, #tpu.memory_space<hbm>>
    %dma_wait3A_88 = arith.constant 0 : i32
    %dma_wait3A_89 = tpu.memref_slice %arg9[%add3A_80, %dma_wait3A_88] : memref<20480x128xf32, #tpu.memory_space<hbm>> -> memref<64x128xf32, #tpu.memory_space<hbm>>
    tpu.wait_dma2 semaphore(%arg27 : memref<!tpu.dma_semaphore, #tpu.memory_space<semaphore_mem>>) src(%arg19 : memref<64x128xf32, #tpu.memory_space<vmem>>) dst(%dma_wait3A_89 : memref<64x128xf32, #tpu.memory_space<hbm>>)
    %dma_wait3A_90 = arith.constant 0 : i32
    %dma_wait3A_91 = tpu.memref_slice %arg9[%add3A_80, %dma_wait3A_90] : memref<20480x128xf32, #tpu.memory_space<hbm>> -> memref<64x128xf32, #tpu.memory_space<hbm>>
    %dma_wait3A_92 = arith.constant 0 : i32
    %dma_wait3A_93 = tpu.memref_slice %arg9[%add3A_80, %dma_wait3A_92] : memref<20480x128xf32, #tpu.memory_space<hbm>> -> memref<64x128xf32, #tpu.memory_space<hbm>>
    tpu.wait_dma2 semaphore(%arg28 : memref<!tpu.dma_semaphore, #tpu.memory_space<semaphore_mem>>) src(%arg20 : memref<64x128xf32, #tpu.memory_space<vmem>>) dst(%dma_wait3A_93 : memref<64x128xf32, #tpu.memory_space<hbm>>)
    "tpu.region"() ({
      %run_scoped3A_94 = tpu.sem_alloc : memref<!tpu.dma_semaphore, #tpu.memory_space<semaphore_mem>>
      %dma_start3A_95 = arith.constant 0 : i32
      %dma_start3A_96 = tpu.memref_slice %arg10[%add3A, %dma_start3A_95] : memref<32x10240xf32, #tpu.memory_space<hbm>> -> memref<1x10240xf32, #tpu.memory_space<hbm>>
      %dma_start3A_97 = tpu.memref_squeeze %dma_start3A_96 : memref<1x10240xf32, #tpu.memory_space<hbm>> -> memref<10240xf32, #tpu.memory_space<hbm>>
      %dma_start3A_98 = arith.constant 0 : i32
      %dma_start3A_99 = tpu.memref_slice %arg10[%add3A, %dma_start3A_98] : memref<32x10240xf32, #tpu.memory_space<hbm>> -> memref<1x10240xf32, #tpu.memory_space<hbm>>
      %dma_start3A_100 = tpu.memref_squeeze %dma_start3A_99 : memref<1x10240xf32, #tpu.memory_space<hbm>> -> memref<10240xf32, #tpu.memory_space<hbm>>
      tpu.enqueue_dma source(%arg39 : memref<10240xf32, #tpu.memory_space<vmem>>) target(%dma_start3A_100 : memref<10240xf32, #tpu.memory_space<hbm>>) target_semaphore(%run_scoped3A_94 : memref<!tpu.dma_semaphore, #tpu.memory_space<semaphore_mem>>)
      %dma_wait3A_101 = arith.constant 0 : i32
      %dma_wait3A_102 = tpu.memref_slice %arg10[%add3A, %dma_wait3A_101] : memref<32x10240xf32, #tpu.memory_space<hbm>> -> memref<1x10240xf32, #tpu.memory_space<hbm>>
      %dma_wait3A_103 = tpu.memref_squeeze %dma_wait3A_102 : memref<1x10240xf32, #tpu.memory_space<hbm>> -> memref<10240xf32, #tpu.memory_space<hbm>>
      %dma_wait3A_104 = arith.constant 0 : i32
      %dma_wait3A_105 = tpu.memref_slice %arg10[%add3A, %dma_wait3A_104] : memref<32x10240xf32, #tpu.memory_space<hbm>> -> memref<1x10240xf32, #tpu.memory_space<hbm>>
      %dma_wait3A_106 = tpu.memref_squeeze %dma_wait3A_105 : memref<1x10240xf32, #tpu.memory_space<hbm>> -> memref<10240xf32, #tpu.memory_space<hbm>>
      tpu.wait_dma2 semaphore(%run_scoped3A_94 : memref<!tpu.dma_semaphore, #tpu.memory_space<semaphore_mem>>) src(%arg39 : memref<10240xf32, #tpu.memory_space<vmem>>) dst(%dma_wait3A_106 : memref<10240xf32, #tpu.memory_space<hbm>>)
      tpu.yield
    }) : () -> ()
    return
  }
}

module attributes {stable_mosaic.version = 14 : i64} {
  func.func @_tc1_body(%arg0: i32, %arg1: memref<2x1000x128xf32, #tpu.memory_space<vmem>>, %arg2: memref<1000x32xf32, #tpu.memory_space<vmem>>, %arg3: memref<1000x128xf32, #tpu.memory_space<vmem>>, %arg4: memref<128x128xf32, #tpu.memory_space<vmem>>, %arg5: memref<128x128xf32, #tpu.memory_space<vmem>>, %arg6: memref<1x128xf32, #tpu.memory_space<vmem>>, %arg7: memref<1000x128xf32, #tpu.memory_space<vmem>>) attributes {dimension_semantics = [#tpu.dimension_semantics<arbitrary>], iteration_bounds = array<i64: 10>, scalar_prefetch = 0 : i64, scratch_operands = 0 : i64, tpu.core_type = #tpu.core_type<tc>, window_params = [{transform_indices = @transform_0, window_bounds = array<i64: 2, 1000, 128>}, {transform_indices = @transform_1, window_bounds = array<i64: 1000, 32>}, {transform_indices = @transform_2, window_bounds = array<i64: 1000, 128>}, {pipeline_mode = #tpu.pipeline_mode<synchronous>, transform_indices = @transform_3, window_bounds = array<i64: 128, 128>}, {pipeline_mode = #tpu.pipeline_mode<synchronous>, transform_indices = @transform_4, window_bounds = array<i64: 128, 128>}, {pipeline_mode = #tpu.pipeline_mode<synchronous>, transform_indices = @transform_5, window_bounds = array<i64: 1, 128>}, {transform_indices = @transform_6, window_bounds = array<i64: 1000, 128>}]} {
    %get3A = arith.constant 0 : index
    %get3A_0 = arith.constant 0 : index
    %get3A_1 = arith.constant 0 : index
    %get3A_2 = vector.load %arg1[%get3A, %get3A_0, %get3A_1] : memref<2x1000x128xf32, #tpu.memory_space<vmem>>, vector<2x1000x128xf32>
    %get3A_3 = arith.constant 0 : index
    %get3A_4 = arith.constant 0 : index
    %get3A_5 = vector.load %arg2[%get3A_3, %get3A_4] : memref<1000x32xf32, #tpu.memory_space<vmem>>, vector<1000x32xf32>
    %slice3A = vector.extract_strided_slice %get3A_2 {offsets = [0, 0, 0], sizes = [1, 1000, 128], strides = [1, 1, 1]} : vector<2x1000x128xf32> to vector<1x1000x128xf32>
    %squeeze3A = vector.shape_cast %slice3A : vector<1x1000x128xf32> to vector<1000x128xf32>
    %slice3A_6 = vector.extract_strided_slice %get3A_2 {offsets = [1, 0, 0], sizes = [1, 1000, 128], strides = [1, 1, 1]} : vector<2x1000x128xf32> to vector<1x1000x128xf32>
    %squeeze3A_7 = vector.shape_cast %slice3A_6 : vector<1x1000x128xf32> to vector<1000x128xf32>
    %add3A = arith.addf %squeeze3A, %squeeze3A_7 : vector<1000x128xf32>
    %broadcast_in_dim3A = arith.constant 1.000000e+00 : f32
    %broadcast_in_dim3A_8 = vector.broadcast %broadcast_in_dim3A : f32 to vector<32x1xf32>
    %dot_general3A = arith.constant dense<0.000000e+00> : vector<1000x1xf32>
    %dot_general3A_9 = tpu.matmul %get3A_5, %broadcast_in_dim3A_8, %dot_general3A {dimension_numbers = #tpu.dot_dimension_numbers<[1], [0], [0], [1], [0, 0, 1, 1], [], []>, transpose_lhs_hint = false} : vector<1000x32xf32>, vector<32x1xf32>, vector<1000x1xf32> -> vector<1000x1xf32>
    %max3A = arith.constant 1.000000e+00 : f32
    %max3A_10 = vector.broadcast %max3A : f32 to vector<1000x1xf32>
    %max3A_11 = arith.maximumf %dot_general3A_9, %max3A_10 : vector<1000x1xf32>
    %div3A = arith.constant 1.000000e+00 : f32
    %div3A_12 = vector.broadcast %div3A : f32 to vector<1000x1xf32>
    %div3A_13 = arith.divf %div3A_12, %max3A_11 : vector<1000x1xf32>
    %mul3A = vector.broadcast %div3A_13 : vector<1000x1xf32> to vector<1000x128xf32>
    %mul3A_14 = arith.mulf %add3A, %mul3A : vector<1000x128xf32>
    %get3A_15 = arith.constant 0 : index
    %get3A_16 = arith.constant 0 : index
    %get3A_17 = vector.load %arg4[%get3A_15, %get3A_16] : memref<128x128xf32, #tpu.memory_space<vmem>>, vector<128x128xf32>
    %dot_general3A_18 = arith.constant dense<0.000000e+00> : vector<1000x128xf32>
    %dot_general3A_19 = tpu.matmul %mul3A_14, %get3A_17, %dot_general3A_18 {dimension_numbers = #tpu.dot_dimension_numbers<[1], [1], [0], [0], [0, 0, 1, 0], [], []>, transpose_lhs_hint = false} : vector<1000x128xf32>, vector<128x128xf32>, vector<1000x128xf32> -> vector<1000x128xf32>
    %get3A_20 = arith.constant 0 : index
    %get3A_21 = arith.constant 0 : index
    %get3A_22 = vector.load %arg3[%get3A_20, %get3A_21] : memref<1000x128xf32, #tpu.memory_space<vmem>>, vector<1000x128xf32>
    %get3A_23 = arith.constant 0 : index
    %get3A_24 = arith.constant 0 : index
    %get3A_25 = vector.load %arg5[%get3A_23, %get3A_24] : memref<128x128xf32, #tpu.memory_space<vmem>>, vector<128x128xf32>
    %dot_general3A_26 = arith.constant dense<0.000000e+00> : vector<1000x128xf32>
    %dot_general3A_27 = tpu.matmul %get3A_22, %get3A_25, %dot_general3A_26 {dimension_numbers = #tpu.dot_dimension_numbers<[1], [1], [0], [0], [0, 0, 1, 0], [], []>, transpose_lhs_hint = false} : vector<1000x128xf32>, vector<128x128xf32>, vector<1000x128xf32> -> vector<1000x128xf32>
    %add3A_28 = arith.addf %dot_general3A_19, %dot_general3A_27 : vector<1000x128xf32>
    %get3A_29 = arith.constant 0 : index
    %get3A_30 = arith.constant 0 : index
    %get3A_31 = vector.load %arg6[%get3A_29, %get3A_30] : memref<1x128xf32, #tpu.memory_space<vmem>>, vector<1x128xf32>
    %add3A_32 = vector.broadcast %get3A_31 : vector<1x128xf32> to vector<1000x128xf32>
    %add3A_33 = arith.addf %add3A_28, %add3A_32 : vector<1000x128xf32>
    %max3A_34 = arith.constant 0.000000e+00 : f32
    %max3A_35 = vector.broadcast %max3A_34 : f32 to vector<1000x128xf32>
    %max3A_36 = arith.maximumf %add3A_33, %max3A_35 : vector<1000x128xf32>
    %swap3A = arith.constant 0 : index
    %swap3A_37 = arith.constant 0 : index
    %swap3A_38 = vector.load %arg7[%swap3A, %swap3A_37] : memref<1000x128xf32, #tpu.memory_space<vmem>>, vector<1000x128xf32>
    tpu.vector_store %arg7[%swap3A, %swap3A_37], %max3A_36 {strides = array<i32>} : memref<1000x128xf32, #tpu.memory_space<vmem>>, vector<1000x128xf32>,
    return
  }
  func.func @transform_0(%arg0: i32) -> (i32, i32, i32) {
    %c0_i32 = arith.constant 0 : i32
    %c0_i32_0 = arith.constant 0 : i32
    %c0_i32_1 = arith.constant 0 : i32
    return %c0_i32, %arg0, %c0_i32_0 : i32, i32, i32
  }
  func.func @transform_1(%arg0: i32) -> (i32, i32) {
    %c0_i32 = arith.constant 0 : i32
    %c0_i32_0 = arith.constant 0 : i32
    return %arg0, %c0_i32 : i32, i32
  }
  func.func @transform_2(%arg0: i32) -> (i32, i32) {
    %c0_i32 = arith.constant 0 : i32
    %c0_i32_0 = arith.constant 0 : i32
    return %arg0, %c0_i32 : i32, i32
  }
  func.func @transform_3(%arg0: i32) -> (i32, i32) {
    %c0_i32 = arith.constant 0 : i32
    %c0_i32_0 = arith.constant 0 : i32
    %c0_i32_1 = arith.constant 0 : i32
    return %c0_i32, %c0_i32_0 : i32, i32
  }
  func.func @transform_4(%arg0: i32) -> (i32, i32) {
    %c0_i32 = arith.constant 0 : i32
    %c0_i32_0 = arith.constant 0 : i32
    %c0_i32_1 = arith.constant 0 : i32
    return %c0_i32, %c0_i32_0 : i32, i32
  }
  func.func @transform_5(%arg0: i32) -> (i32, i32) {
    %c0_i32 = arith.constant 0 : i32
    %c0_i32_0 = arith.constant 0 : i32
    %c0_i32_1 = arith.constant 0 : i32
    return %c0_i32, %c0_i32_0 : i32, i32
  }
  func.func @transform_6(%arg0: i32) -> (i32, i32) {
    %c0_i32 = arith.constant 0 : i32
    %c0_i32_0 = arith.constant 0 : i32
    return %arg0, %c0_i32 : i32, i32
  }
}

module attributes {stable_mosaic.version = 14 : i64} {
  func.func @_tc2_body(%arg0: i32, %arg1: memref<2x1000x128xf32, #tpu.memory_space<vmem>>, %arg2: memref<1000x32xf32, #tpu.memory_space<vmem>>, %arg3: memref<1000x128xf32, #tpu.memory_space<vmem>>, %arg4: memref<128x128xf32, #tpu.memory_space<vmem>>, %arg5: memref<128x128xf32, #tpu.memory_space<vmem>>, %arg6: memref<1x128xf32, #tpu.memory_space<vmem>>, %arg7: memref<128x128xf32, #tpu.memory_space<vmem>>, %arg8: memref<1x128xf32, #tpu.memory_space<vmem>>, %arg9: memref<128x128xf32, #tpu.memory_space<vmem>>, %arg10: memref<1x128xf32, #tpu.memory_space<vmem>>, %arg11: memref<1000x128xf32, #tpu.memory_space<vmem>>, %arg12: memref<1000x128xf32, #tpu.memory_space<vmem>>) attributes {dimension_semantics = [#tpu.dimension_semantics<arbitrary>], iteration_bounds = array<i64: 10>, scalar_prefetch = 0 : i64, scratch_operands = 0 : i64, tpu.core_type = #tpu.core_type<tc>, window_params = [{transform_indices = @transform_0, window_bounds = array<i64: 2, 1000, 128>}, {transform_indices = @transform_1, window_bounds = array<i64: 1000, 32>}, {transform_indices = @transform_2, window_bounds = array<i64: 1000, 128>}, {pipeline_mode = #tpu.pipeline_mode<synchronous>, transform_indices = @transform_3, window_bounds = array<i64: 128, 128>}, {pipeline_mode = #tpu.pipeline_mode<synchronous>, transform_indices = @transform_4, window_bounds = array<i64: 128, 128>}, {pipeline_mode = #tpu.pipeline_mode<synchronous>, transform_indices = @transform_5, window_bounds = array<i64: 1, 128>}, {pipeline_mode = #tpu.pipeline_mode<synchronous>, transform_indices = @transform_6, window_bounds = array<i64: 128, 128>}, {pipeline_mode = #tpu.pipeline_mode<synchronous>, transform_indices = @transform_7, window_bounds = array<i64: 1, 128>}, {pipeline_mode = #tpu.pipeline_mode<synchronous>, transform_indices = @transform_8, window_bounds = array<i64: 128, 128>}, {pipeline_mode = #tpu.pipeline_mode<synchronous>, transform_indices = @transform_9, window_bounds = array<i64: 1, 128>}, {transform_indices = @transform_10, window_bounds = array<i64: 1000, 128>}, {transform_indices = @transform_11, window_bounds = array<i64: 1000, 128>}]} {
    %get3A = arith.constant 0 : index
    %get3A_0 = arith.constant 0 : index
    %get3A_1 = arith.constant 0 : index
    %get3A_2 = vector.load %arg1[%get3A, %get3A_0, %get3A_1] : memref<2x1000x128xf32, #tpu.memory_space<vmem>>, vector<2x1000x128xf32>
    %get3A_3 = arith.constant 0 : index
    %get3A_4 = arith.constant 0 : index
    %get3A_5 = vector.load %arg2[%get3A_3, %get3A_4] : memref<1000x32xf32, #tpu.memory_space<vmem>>, vector<1000x32xf32>
    %slice3A = vector.extract_strided_slice %get3A_2 {offsets = [0, 0, 0], sizes = [1, 1000, 128], strides = [1, 1, 1]} : vector<2x1000x128xf32> to vector<1x1000x128xf32>
    %squeeze3A = vector.shape_cast %slice3A : vector<1x1000x128xf32> to vector<1000x128xf32>
    %slice3A_6 = vector.extract_strided_slice %get3A_2 {offsets = [1, 0, 0], sizes = [1, 1000, 128], strides = [1, 1, 1]} : vector<2x1000x128xf32> to vector<1x1000x128xf32>
    %squeeze3A_7 = vector.shape_cast %slice3A_6 : vector<1x1000x128xf32> to vector<1000x128xf32>
    %add3A = arith.addf %squeeze3A, %squeeze3A_7 : vector<1000x128xf32>
    %broadcast_in_dim3A = arith.constant 1.000000e+00 : f32
    %broadcast_in_dim3A_8 = vector.broadcast %broadcast_in_dim3A : f32 to vector<32x1xf32>
    %dot_general3A = arith.constant dense<0.000000e+00> : vector<1000x1xf32>
    %dot_general3A_9 = tpu.matmul %get3A_5, %broadcast_in_dim3A_8, %dot_general3A {dimension_numbers = #tpu.dot_dimension_numbers<[1], [0], [0], [1], [0, 0, 1, 1], [], []>, transpose_lhs_hint = false} : vector<1000x32xf32>, vector<32x1xf32>, vector<1000x1xf32> -> vector<1000x1xf32>
    %max3A = arith.constant 1.000000e+00 : f32
    %max3A_10 = vector.broadcast %max3A : f32 to vector<1000x1xf32>
    %max3A_11 = arith.maximumf %dot_general3A_9, %max3A_10 : vector<1000x1xf32>
    %div3A = arith.constant 1.000000e+00 : f32
    %div3A_12 = vector.broadcast %div3A : f32 to vector<1000x1xf32>
    %div3A_13 = arith.divf %div3A_12, %max3A_11 : vector<1000x1xf32>
    %mul3A = vector.broadcast %div3A_13 : vector<1000x1xf32> to vector<1000x128xf32>
    %mul3A_14 = arith.mulf %add3A, %mul3A : vector<1000x128xf32>
    %get3A_15 = arith.constant 0 : index
    %get3A_16 = arith.constant 0 : index
    %get3A_17 = vector.load %arg4[%get3A_15, %get3A_16] : memref<128x128xf32, #tpu.memory_space<vmem>>, vector<128x128xf32>
    %dot_general3A_18 = arith.constant dense<0.000000e+00> : vector<1000x128xf32>
    %dot_general3A_19 = tpu.matmul %mul3A_14, %get3A_17, %dot_general3A_18 {dimension_numbers = #tpu.dot_dimension_numbers<[1], [1], [0], [0], [0, 0, 1, 0], [], []>, transpose_lhs_hint = false} : vector<1000x128xf32>, vector<128x128xf32>, vector<1000x128xf32> -> vector<1000x128xf32>
    %get3A_20 = arith.constant 0 : index
    %get3A_21 = arith.constant 0 : index
    %get3A_22 = vector.load %arg3[%get3A_20, %get3A_21] : memref<1000x128xf32, #tpu.memory_space<vmem>>, vector<1000x128xf32>
    %get3A_23 = arith.constant 0 : index
    %get3A_24 = arith.constant 0 : index
    %get3A_25 = vector.load %arg5[%get3A_23, %get3A_24] : memref<128x128xf32, #tpu.memory_space<vmem>>, vector<128x128xf32>
    %dot_general3A_26 = arith.constant dense<0.000000e+00> : vector<1000x128xf32>
    %dot_general3A_27 = tpu.matmul %get3A_22, %get3A_25, %dot_general3A_26 {dimension_numbers = #tpu.dot_dimension_numbers<[1], [1], [0], [0], [0, 0, 1, 0], [], []>, transpose_lhs_hint = false} : vector<1000x128xf32>, vector<128x128xf32>, vector<1000x128xf32> -> vector<1000x128xf32>
    %add3A_28 = arith.addf %dot_general3A_19, %dot_general3A_27 : vector<1000x128xf32>
    %get3A_29 = arith.constant 0 : index
    %get3A_30 = arith.constant 0 : index
    %get3A_31 = vector.load %arg6[%get3A_29, %get3A_30] : memref<1x128xf32, #tpu.memory_space<vmem>>, vector<1x128xf32>
    %add3A_32 = vector.broadcast %get3A_31 : vector<1x128xf32> to vector<1000x128xf32>
    %add3A_33 = arith.addf %add3A_28, %add3A_32 : vector<1000x128xf32>
    %get3A_34 = arith.constant 0 : index
    %get3A_35 = arith.constant 0 : index
    %get3A_36 = vector.load %arg7[%get3A_34, %get3A_35] : memref<128x128xf32, #tpu.memory_space<vmem>>, vector<128x128xf32>
    %dot_general3A_37 = arith.constant dense<0.000000e+00> : vector<1000x128xf32>
    %dot_general3A_38 = tpu.matmul %add3A_33, %get3A_36, %dot_general3A_37 {dimension_numbers = #tpu.dot_dimension_numbers<[1], [1], [0], [0], [0, 0, 1, 0], [], []>, transpose_lhs_hint = false} : vector<1000x128xf32>, vector<128x128xf32>, vector<1000x128xf32> -> vector<1000x128xf32>
    %get3A_39 = arith.constant 0 : index
    %get3A_40 = arith.constant 0 : index
    %get3A_41 = vector.load %arg8[%get3A_39, %get3A_40] : memref<1x128xf32, #tpu.memory_space<vmem>>, vector<1x128xf32>
    %add3A_42 = vector.broadcast %get3A_41 : vector<1x128xf32> to vector<1000x128xf32>
    %add3A_43 = arith.addf %dot_general3A_38, %add3A_42 : vector<1000x128xf32>
    %tanh3A = math.tanh %add3A_43 : vector<1000x128xf32>
    %swap3A = arith.constant 0 : index
    %swap3A_44 = arith.constant 0 : index
    %swap3A_45 = vector.load %arg12[%swap3A, %swap3A_44] : memref<1000x128xf32, #tpu.memory_space<vmem>>, vector<1000x128xf32>
    tpu.vector_store %arg12[%swap3A, %swap3A_44], %tanh3A {strides = array<i32>} : memref<1000x128xf32, #tpu.memory_space<vmem>>, vector<1000x128xf32>,
    %get3A_46 = arith.constant 0 : index
    %get3A_47 = arith.constant 0 : index
    %get3A_48 = vector.load %arg9[%get3A_46, %get3A_47] : memref<128x128xf32, #tpu.memory_space<vmem>>, vector<128x128xf32>
    %dot_general3A_49 = arith.constant dense<0.000000e+00> : vector<1000x128xf32>
    %dot_general3A_50 = tpu.matmul %tanh3A, %get3A_48, %dot_general3A_49 {dimension_numbers = #tpu.dot_dimension_numbers<[1], [1], [0], [0], [0, 0, 1, 0], [], []>, transpose_lhs_hint = false} : vector<1000x128xf32>, vector<128x128xf32>, vector<1000x128xf32> -> vector<1000x128xf32>
    %get3A_51 = arith.constant 0 : index
    %get3A_52 = arith.constant 0 : index
    %get3A_53 = vector.load %arg10[%get3A_51, %get3A_52] : memref<1x128xf32, #tpu.memory_space<vmem>>, vector<1x128xf32>
    %add3A_54 = vector.broadcast %get3A_53 : vector<1x128xf32> to vector<1000x128xf32>
    %add3A_55 = arith.addf %dot_general3A_50, %add3A_54 : vector<1000x128xf32>
    %logistic3A = arith.negf %add3A_55 : vector<1000x128xf32>
    %logistic3A_56 = math.exp %logistic3A : vector<1000x128xf32>
    %logistic3A_57 = arith.constant 1.000000e+00 : f32
    %logistic3A_58 = vector.broadcast %logistic3A_57 : f32 to vector<1000x128xf32>
    %logistic3A_59 = arith.addf %logistic3A_58, %logistic3A_56 : vector<1000x128xf32>
    %logistic3A_60 = arith.divf %logistic3A_58, %logistic3A_59 : vector<1000x128xf32>
    %swap3A_61 = arith.constant 0 : index
    %swap3A_62 = arith.constant 0 : index
    %swap3A_63 = vector.load %arg11[%swap3A_61, %swap3A_62] : memref<1000x128xf32, #tpu.memory_space<vmem>>, vector<1000x128xf32>
    tpu.vector_store %arg11[%swap3A_61, %swap3A_62], %logistic3A_60 {strides = array<i32>} : memref<1000x128xf32, #tpu.memory_space<vmem>>, vector<1000x128xf32>,
    return
  }
  func.func @transform_0(%arg0: i32) -> (i32, i32, i32) {
    %c0_i32 = arith.constant 0 : i32
    %c0_i32_0 = arith.constant 0 : i32
    %c0_i32_1 = arith.constant 0 : i32
    return %c0_i32, %arg0, %c0_i32_0 : i32, i32, i32
  }
  func.func @transform_1(%arg0: i32) -> (i32, i32) {
    %c0_i32 = arith.constant 0 : i32
    %c0_i32_0 = arith.constant 0 : i32
    return %arg0, %c0_i32 : i32, i32
  }
  func.func @transform_2(%arg0: i32) -> (i32, i32) {
    %c0_i32 = arith.constant 0 : i32
    %c0_i32_0 = arith.constant 0 : i32
    return %arg0, %c0_i32 : i32, i32
  }
  func.func @transform_3(%arg0: i32) -> (i32, i32) {
    %c0_i32 = arith.constant 0 : i32
    %c0_i32_0 = arith.constant 0 : i32
    %c0_i32_1 = arith.constant 0 : i32
    return %c0_i32, %c0_i32_0 : i32, i32
  }
  func.func @transform_4(%arg0: i32) -> (i32, i32) {
    %c0_i32 = arith.constant 0 : i32
    %c0_i32_0 = arith.constant 0 : i32
    %c0_i32_1 = arith.constant 0 : i32
    return %c0_i32, %c0_i32_0 : i32, i32
  }
  func.func @transform_5(%arg0: i32) -> (i32, i32) {
    %c0_i32 = arith.constant 0 : i32
    %c0_i32_0 = arith.constant 0 : i32
    %c0_i32_1 = arith.constant 0 : i32
    return %c0_i32, %c0_i32_0 : i32, i32
  }
  func.func @transform_6(%arg0: i32) -> (i32, i32) {
    %c0_i32 = arith.constant 0 : i32
    %c0_i32_0 = arith.constant 0 : i32
    %c0_i32_1 = arith.constant 0 : i32
    return %c0_i32, %c0_i32_0 : i32, i32
  }
  func.func @transform_7(%arg0: i32) -> (i32, i32) {
    %c0_i32 = arith.constant 0 : i32
    %c0_i32_0 = arith.constant 0 : i32
    %c0_i32_1 = arith.constant 0 : i32
    return %c0_i32, %c0_i32_0 : i32, i32
  }
  func.func @transform_8(%arg0: i32) -> (i32, i32) {
    %c0_i32 = arith.constant 0 : i32
    %c0_i32_0 = arith.constant 0 : i32
    %c0_i32_1 = arith.constant 0 : i32
    return %c0_i32, %c0_i32_0 : i32, i32
  }
  func.func @transform_9(%arg0: i32) -> (i32, i32) {
    %c0_i32 = arith.constant 0 : i32
    %c0_i32_0 = arith.constant 0 : i32
    %c0_i32_1 = arith.constant 0 : i32
    return %c0_i32, %c0_i32_0 : i32, i32
  }
  func.func @transform_10(%arg0: i32) -> (i32, i32) {
    %c0_i32 = arith.constant 0 : i32
    %c0_i32_0 = arith.constant 0 : i32
    return %arg0, %c0_i32 : i32, i32
  }
  func.func @transform_11(%arg0: i32) -> (i32, i32) {
    %c0_i32 = arith.constant 0 : i32
    %c0_i32_0 = arith.constant 0 : i32
    return %arg0, %c0_i32 : i32, i32
  }
}

</mosaic_0001>

<sc_bundles>
// kernel: kernel.6.cloned.1.call-start
scs
__scs_entry_jumppad:
0x0: {  	(pc) =	sbr.rel $0x88, $3  }
0x1: {  	(tag) =	ssettag $0x0;
	lr =	simm.s32 $0x1  }
0x2: {  	[smem:$0x3F94] =	sst lr;
	_ =	strace $0xD0000000  }
0x3: {  	_ = 	snop  }
0x4: {  	_ = 	snop  }
0x5: {  	_ = 	snop  }
0x6: {  	_ = 	snop  }
0x7: {  	_ = 	snop  }
__scs_overlays_trampoline_lowered:
0x8: {  	[smem:$0x3FA3] =	sst s0  }
0x9: {  	[smem:$0x3FA4] =	sst s1  }
0xa: {  	[smem:$0x3FA5] =	sst s2  }
0xb: {  	[smem:$0x3FA6] =	sst s3  }
0xc: {  	[smem:$0x3FA7] =	sst s4  }
0xd: {  	[smem:$0x3FA8] =	sst s5  }
0xe: {  	[smem:$0x3FA9] =	sst s6  }
0xf: {  	[smem:$0x3FAA] =	sst s7  }
0x10: {  	[smem:$0x3FAB] =	sst s8  }
0x11: {  	[smem:$0x3FAC] =	sst s9;
	s0 =	simm.s32 @!p0 $0x0  }
0x12: {  	s1 =	sld [smem:$0x3F92];
	s0 =	simm.s32 @p0 $0x1  }
0x13: {  	[smem:$0x3FAD] =	sst s0;
	s0 =	simm.s32 @!p1 $0x0  }
0x14: {  	s2 =	sld [smem:$0x3F91];
	s0 =	simm.s32 @p1 $0x1  }
0x15: {  	[smem:$0x3FAE] =	sst s0;
	s0 =	simm.s32 @!p2 $0x0  }
0x16: {  	s3 =	sld [smem:$0x3FDB];
	s0 =	simm.s32 @p2 $0x1  }
0x17: {  	s4 =	simm.s32 $0x1BF5;
	[smem:$0x3FB0] =	sst s0  }
0x18: {  	s0 =	sld [smem:$0x3F93];
	_ =	swait.ge [sflag:s4], $0x0  }
0x19: {  	s7 =	sld [smem:$0x3F94]  }
0x1a: {  	s8 =	sadd.s32 $0xFFFFE003, lr  }
0x1b: {  	s9 =	sadd.s32 $0xFFFFFEF7, lr;
	s5 =	simm.s32 $0xFFFFFFFF;
	p2 =	slt.u32 s8, $0xFFFFF086  }
0x1c: {  	p1 =	slt.u32 s9, $0xF7A;
	s5 =	simm.s32 @!p2 $0x0  }
0x1d: {  	s5 =	simm.s32 @p1 $0x1;
	p0 =	seq.s32 s7, s2  }
0x1e: {  	s7 =	smul.u32 @!p0 $0xF7A, s2;
	p2 =	seq.s32 @!p0 s5, $0x0  }
0x1f: {  	s9 =	smul.u32 $0xF7A, s1;
	s8 =	simm.s32 @!p0 $0x1BF5;
	p2 =	por !p2, p0  }
0x20: {  	[sflag:s8] =	ssyncset.s32 @!p0 $0xFFFFF086;
	s6 =	sadd.s32 @!p0 s3, s7;
	s7 =	simm.s32 @!p0 $0x108  }
0x21: {  	s3 =	sadd.s32 s3, s9;
	s6 =	sadd.s32 @!p0 $0x88, s6;
	s7 =	simm.s32 @p2 $0x1082  }
0x22: {  	[simem:s7], [sflag:s8] =	dma.local @!p0 [hbm:s6], $0xF7A  }
0x23: {  	s9 =	sor.u32 $0xD0000000, s2;
	s6 =	simm.s32 $0x108;
	_ =	swait.ge @!p0 [sflag:s8], $0x0  }
0x24: {  	s3 =	sadd.s32 $0x88, s3;
	s6 =	simm.s32 @!p1 $0x1082;
	[sflag:s4] =	ssyncset.s32 $0xFFFFF086  }
0x25: {  	[simem:s6], [sflag:s4] =	dma.local [hbm:s3], $0xF7A  }
0x26: {  	[smem:$0x3F94] =	sst s1;
	(tag) =	ssettag s2;
	_ =	strace s9  }
0x27: {  	s1 =	sld [smem:$0x3FA4]  }
0x28: {  	s2 =	sld [smem:$0x3FA5]  }
0x29: {  	s4 =	sld [smem:$0x3FA7]  }
0x2a: {  	p0 =	seq.s32 s5, $0x0;
	s5 =	sld [smem:$0x3FA8]  }
0x2b: {  	s6 =	sld [smem:$0x3FA9]  }
0x2c: {  	s7 =	sld [smem:$0x3FAA]  }
0x2d: {  	s3 =	simm.s32 $0x108;
	s8 =	sld [smem:$0x3FAB]  }
0x2e: {  	s3 =	simm.s32 @!p0 $0x1082;
	s9 =	sld [smem:$0x3FAC]  }
0x2f: {  	lr =	sadd.s32 s0, s3;
	s0 =	sld [smem:$0x3FA3]  }
0x30: {  	s3 =	sld [smem:$0x3FA6]  }
0x31: {  	[smem:$0x3FAF] =	sst s10  }
0x32: {  	s10 =	sld [smem:$0x3FAD];
	_ =	sdelay $0x3  }
0x33: {  	p0 =	seq.s32 s10, $0x1;
	s10 =	sld [smem:$0x3FAF];
	_ =	sdelay $0x3  }
0x34: {  	[smem:$0x3FAF] =	sst s10  }
0x35: {  	s10 =	sld [smem:$0x3FAE];
	_ =	sdelay $0x3  }
0x36: {  	p1 =	seq.s32 s10, $0x1;
	s10 =	sld [smem:$0x3FAF];
	_ =	sdelay $0x3  }
0x37: {  	[smem:$0x3FAF] =	sst s10  }
0x38: {  	s10 =	sld [smem:$0x3FB0]  }
0x39: {  	_ = 	snop;
	(pc) =	sbr.ind lr, $3  }
0x3a: {  	_ = 	snop  }
0x3b: {  	_ = 	snop  }
0x3c: {  	p2 =	seq.s32 s10, $0x1;
	s10 =	sld [smem:$0x3FAF]  }
0x3d: {  	_ =	shalt  }
0x3e: {  	_ =	shalt  }
0x3f: {  	_ =	shalt  }
0x40: {  	_ =	shalt  }
0x41: {  	_ =	shalt  }
0x42: {  	_ =	shalt  }
0x43: {  	_ =	shalt  }
0x44: {  	_ =	shalt  }
0x45: {  	_ =	shalt  }
0x46: {  	_ =	shalt  }
0x47: {  	_ =	shalt  }
0x48: {  	_ =	shalt  }
0x49: {  	_ =	shalt  }
0x4a: {  	_ =	shalt  }
0x4b: {  	_ =	shalt  }
0x4c: {  	_ =	shalt  }
0x4d: {  	_ =	shalt  }
0x4e: {  	_ =	shalt  }
0x4f: {  	_ =	shalt  }
0x50: {  	_ =	shalt  }
0x51: {  	_ =	shalt  }
0x52: {  	_ =	shalt  }
0x53: {  	_ =	shalt  }
0x54: {  	_ =	shalt  }
0x55: {  	_ =	shalt  }
0x56: {  	_ =	shalt  }
0x57: {  	_ =	shalt  }
0x58: {  	_ =	shalt  }
0x59: {  	_ =	shalt  }
0x5a: {  	_ =	shalt  }
0x5b: {  	_ =	shalt  }
0x5c: {  	_ =	shalt  }
0x5d: {  	_ =	shalt  }
0x5e: {  	_ =	shalt  }
0x5f: {  	_ =	shalt  }
0x60: {  	_ =	shalt  }
0x61: {  	_ =	shalt  }
0x62: {  	_ =	shalt  }
0x63: {  	_ =	shalt  }
0x64: {  	_ =	shalt  }
0x65: {  	_ =	shalt  }
0x66: {  	_ =	shalt  }
0x67: {  	_ =	shalt  }
0x68: {  	_ =	shalt  }
0x69: {  	_ =	shalt  }
0x6a: {  	_ =	shalt  }
0x6b: {  	_ =	shalt  }
0x6c: {  	_ =	shalt  }
0x6d: {  	_ =	shalt  }
0x6e: {  	_ =	shalt  }
0x6f: {  	_ =	shalt  }
0x70: {  	_ =	shalt  }
0x71: {  	_ =	shalt  }
0x72: {  	_ =	shalt  }
0x73: {  	_ =	shalt  }
0x74: {  	_ =	shalt  }
0x75: {  	_ =	shalt  }
0x76: {  	_ =	shalt  }
0x77: {  	_ =	shalt  }
0x78: {  	_ =	shalt  }
0x79: {  	_ =	shalt  }
0x7a: {  	_ =	shalt  }
0x7b: {  	_ =	shalt  }
0x7c: {  	_ =	shalt  }
0x7d: {  	_ =	shalt  }
0x7e: {  	_ =	shalt  }
0x7f: {  	_ =	shalt  }
0x80: {  	_ =	shalt  }
0x81: {  	_ =	shalt  }
0x82: {  	_ =	shalt  }
0x83: {  	_ =	shalt  }
0x84: {  	_ =	shalt  }
0x85: {  	_ =	shalt  }
0x86: {  	_ =	shalt  }
0x87: {  	_ =	shalt  }
.Lfunc_end0:
.L_simem_size_0:
called_computation_lowered:
.L_overlay_start_0:
0x88: {  	s2 =	sld [smem:$0x3FD9]  }
0x89: {  	s3 =	sld [smem:$0x3FFE];
	_ =	sdelay $0x1  }
0x8a: {  	s1 =	srdreg.scid  }
0x8b: {  	s0 =	sand.u32 $0x1, s1  }
0x8c: {  	s14 =	sshll.u32 s0, $0xA;
	s2 =	sadd.s32 s3, s2  }
0x8d: {  	s2 =	sadd.s32 s2, s14  }
0x8e: {  	[smem:$0x3FBB] =	sst s2  }
0x8f: {  	_ = 	snop  }
0x90: {  	s2 =	sld [smem:$0x3FD0];
	_ =	sdelay $0x2  }
0x91: {  	s4 =	simm.s32 $0xA;
	s5 =	simm.s32 $0x10;
	s15 =	sld [smem:$0x3FC9]  }
0x92: {  	[smem:s5], [sflag:s4] =	dma.local [hbm:s2], $0x1  }
0x93: {  	_ =	swait.eq [sflag:s4], $0x1  }
0x94: {  	[sflag:s4] =	ssyncset.done $0x0  }
0x95: {  	s16 =	sld [smem:$0x10];
	[sflag:s4] =	ssyncadd.s32 $0xFFFFFFFF  }
0x96: {  	s17 =	sld [smem:$0x11];
	(tm) =	ssettm $0x1  }
0x97: {  	s18 =	sld [smem:$0x3FFB];
	_ =	sdelay $0x3  }
0x98: {  	_ =	strace s18  }
0x99: {  	s5 =	sld [smem:$0x3FFC];
	_ =	sdelay $0x3  }
0x9a: {  	_ =	strace s5  }
0x9b: {  	s5 =	sld [smem:$0x3FFD];
	_ =	sdelay $0x3  }
0x9c: {  	_ =	strace s5  }
0x9d: {  	_ =	strace $0x8FFFFFFF  }
0x9e: {  	s19 =	sld [smem:$0x3FDB];
	_ =	sdelay $0x1  }
0x9f: {  	s6 =	simm.s32 $_scs_section_size  }
0xa0: {  	s7 =	simm.s32 $_size__tile_overlayer_lowered;
	s8 =	simm.s32 $_tile_overlayer_lowered  }
0xa1: {  	s22 =	simm.s32 $0x1BFF;
	s21 =	sshll.u32 s8, $0x1;
	s5 =	sadd.s32 s6, s19  }
0xa2: {  	s9 =	simm.s32 $0x0;
	s20 =	sshll.u32 s7, $0x1;
	s7 =	sadd.s32 s21, s5  }
0xa3: {  	[timem:s9], [sflag:s22] =	dma.local [hbm:s7], s20  }
0xa4: {  	_ =	swait.ge [sflag:s22], s20  }
0xa5: {  	s6 =	ssub.s32 $0x0, s20;
	[sflag:s22] =	ssyncset.done $0x0  }
0xa6: {  	[sflag:s22] =	ssyncadd.s32 s6;
	_ =	sdelay $0x1  }
0xa7: {  	s23 =	simm.s32 $0x1B8B  }
0xa8: {  	_ =	swait.ge [sflag:s23], $0x1  }
0xa9: {  	[sflag:s23] =	ssyncset.done $0x0  }
0xaa: {  	s25 =	simm.s32 $0x1B8E;
	s24 =	sld [smem:$0x3FFE];
	[sflag:s23] =	ssyncadd.s32 $0xFFFFFFFF  }
0xab: {  	s26 =	simm.s32 $execute0_lowered;
	[smem:$0x3FD2] =	sst s25  }
0xac: {  	s7 =	sshll.u32 s26, $0x1;
	_ =	strace $0x80000046;
	[dreg:$0x1] =	wrdreg $0xFFFFFFFF  }
0xad: {  	s28 =	simm.s32 $_size_execute0_lowered;
	s5 =	sadd.s32 s5, s7;
	[dreg:$0x0] =	wrdreg $0x0  }
0xae: {  	s7 =	sshll.u32 s28, $0x1;
	[dreg:$0x2] =	wrdreg s5  }
0xaf: {  	[dreg:$0x3] =	wrdreg s7  }
0xb0: {  	[dreg:$0x4] =	wrdreg $0xC0  }
0xb1: {  	_ =	task [dreg:s9], $0x5FFFF  }
0xb2: {  	[dreg:$0x1] =	wrdreg $0xFFFFFFFF  }
0xb3: {  	[dreg:$0x0] =	wrdreg $0x60  }
0xb4: {  	[dreg:$0x2] =	wrdreg s15  }
0xb5: {  	[dreg:$0x3] =	wrdreg s16  }
0xb6: {  	[dreg:$0x4] =	wrdreg s24  }
0xb7: {  	[dreg:$0x5] =	wrdreg s17  }
0xb8: {  	[dreg:$0x6] =	wrdreg $0x8D000  }
0xb9: {  	[dreg:$0x7] =	wrdreg $0x9  }
0xba: {  	_ =	task.clear_ibuf [dreg:s9], $0x8FFFF;
	_ =	strace $0x90000046  }
0xbb: {  	s29 =	simm.s32 $0x9;
	_ =	strace $0x80000048  }
0xbc: {  	_ =	swait.ge [sflag:s29], $0x1  }
0xbd: {  	[sflag:s29] =	ssyncadd.s32 $0xFFFFFFFF  }
0xbe: {  	_ =	strace $0x90000048  }
0xbf: {  	_ =	sfence  }
0xc0: {  	s30 =	sld [smem:$0x0];
	_ =	sdelay $0x2  }
0xc1: {  	s31 =	sshll.u32 s1, $0xD;
	s1 =	sshrl.u32 s1, $0x2  }
0xc2: {  	s3 =	sand.u32 $0x4000, s31;
	s1 =	sadd.s32 s1, s30  }
0xc3: {  	s0 =	sor.u32 s3, s0;
	s1 =	sshll.u32 s1, $0x11  }
0xc4: {  	s0 =	sor.u32 s1, s0  }
0xc5: {  	s0 =	sadd.s32 $0x8F2B, s0  }
0xc6: {  	[sflag:s0] =	ssyncadd.remote.s32 $0x1  }
0xc7: {  	_ =	sfence.sel $0xFFFF  }
0xc8: {  	[dreg:$0x0] =	wrdreg $0xFFFFFFFF;
	(pc) =	sbr.abs _section_cstart, $3  }
0xc9: {  	[dreg:$0x1] =	wrdreg $0xFFFFFFFF  }
0xca: {  	_ =	task.clear_ibuf [dreg:s9], $0x2FFFF;
	_ =	strace $0x9FFFFFFF  }
0xcb: {  	(tm) =	ssettm $0x7FFFFFFF  }
tec
execute0_lowered:
.L_overlay_start_1:
0x0: {  	(tag) =	ssettag $0x1  }
0x1: {  	s0 =	rddreg [dreg:$0x0]  }
0x2: {  	s1 =	rddreg [dreg:$0x1]  }
0x3: {  	s2 =	rddreg [dreg:$0x2]  }
0x4: {  	s5 =	rddreg [dreg:$0x3]  }
0x5: {  	s4 =	srdreg.scid;
	s15 =	stileid.u32  }
0x6: {  	s3 =	rddreg [dreg:$0x4];
	s6 =	sand.u32 $0x1, s4;
	s7 =	sshll.u32 s15, $0x1  }
0x7: {  	s4 =	simm.s32 $0x0;
	s8 =	smul.u32 $0x280, s15;
	s11 =	sadd.s32 $0x3200, s2  }
0x8: {  	s12 =	sadd.s32 $0x16A00, s2;
	s17 =	smul.u32 $0x50000, s15;
	s18 =	sadd.s32 $0x16E00, s2  }
0x9: {  	s7 =	sor.u32 s6, s7;
	[smem:$0x7FF] =	sst s4;
	s10 =	smul.u32 $0x2800, s6  }
0xa: {  	_ =	strace $0x80000047;
	[dreg:$0x6] =	wrdreg s12;
	s14 =	smul.u32 $0x9C0, s7  }
0xb: {  	s19 =	ssub.s32 $0x2, s6;
	s9 =	sshll.u32 s7, $0x4;
	[dreg:$0x7] =	wrdreg s18  }
0xc: {  	s13 =	sshrl.u32 s19, $0x1;
	s9 =	sadd.s32 s9, s2;
	s21 =	sadd.s32 s1, s14  }
0xd: {  	s8 =	sadd.s32 s8, s10;
	s22 =	sadd.s32 s11, s14;
	[dreg:$0x9] =	wrdreg s21  }
0xe: {  	s10 =	sshrl.u32 s17, $0x2;
	s25 =	sadd.s32 $0x3000, s9;
	[dreg:$0xa] =	wrdreg s22  }
0xf: {  	s20 =	ssub.s32 s19, s13;
	s9 =	sadd.s32 $0x2E00, s9;
	[dreg:$0xd] =	wrdreg s25  }
0x10: {  	s13 =	sadd.s32 s10, s3;
	s24 =	sor.u32 $0x10, s14;
	[dreg:$0xe] =	wrdreg s9  }
0x11: {  	s28 =	simm.s32 $0x4400;
	s14 =	sadd.s32 s1, s24;
	[dreg:$0x8] =	wrdreg s13  }
0x12: {  	s8 =	sshll.u32 s8, $0x4;
	s12 =	sadd.s32 s11, s24;
	[dreg:$0xb] =	wrdreg s14  }
0x13: {  	s2 =	sadd.s32 s8, s2;
	s8 =	sadd.s32 $0x6000, s13;
	[dreg:$0xc] =	wrdreg s12  }
0x14: {  	s31 =	simm.s32 $0x2;
	s9 =	sadd.s32 $0x8000, s13;
	[dreg:$0x1e] =	wrdreg s8  }
0x15: {  	s23 =	sshrl.u32 s15, $0x2;
	s29 =	sadd.s32 $0x12000, s13;
	[dreg:$0x1f] =	wrdreg s9  }
0x16: {  	s26 =	smul.u32 $0x1380, s15;
	s14 =	smax.u32 s20, $0x1;
	[smem:$0x7FD] =	sst s29  }
0x17: {  	s7 =	sshll.u32 s7, $0x7;
	s16 =	sadd.s32 $0x17400, s2;
	[dreg:$0x10] =	wrdreg s14  }
0x18: {  	s7 =	sand.u32 $0x380, s7;
	s17 =	sadd.s32 $0x17800, s2;
	[dreg:$0x11] =	wrdreg s16  }
0x19: {  	s10 =	smul.u32 $0x14000, s23;
	s18 =	sadd.s32 $0x17C00, s2;
	[dreg:$0x12] =	wrdreg s17  }
0x1a: {  	s19 =	sadd.s32 s26, s1;
	s21 =	sadd.s32 $0x18000, s2;
	[dreg:$0x13] =	wrdreg s18  }
0x1b: {  	s7 =	sor.u32 s10, s7;
	s22 =	sadd.s32 $0x18400, s2;
	[dreg:$0x14] =	wrdreg s21  }
0x1c: {  	s12 =	smul.u32 $0x138, s15;
	s23 =	sadd.s32 $0x18800, s2;
	[dreg:$0x15] =	wrdreg s22  }
0x1d: {  	s15 =	smul.u32 $0x9C, s6;
	s24 =	sadd.s32 $0x18C00, s2;
	[dreg:$0x16] =	wrdreg s23  }
0x1e: {  	s6 =	smul.u32 $0x9C0, s6;
	s25 =	sadd.s32 $0x19000, s2;
	[dreg:$0x17] =	wrdreg s24  }
0x1f: {  	s20 =	sadd.s32 s26, s11;
	s26 =	sadd.s32 $0x19400, s2;
	[dreg:$0x18] =	wrdreg s25  }
0x20: {  	s2 =	sadd.s32 $0x19800, s2;
	s10 =	sadd.s32 $0xA000, s13;
	[dreg:$0x19] =	wrdreg s26  }
0x21: {  	s8 =	simm.s32 $0x3;
	s9 =	simm.s32 $0x4;
	[dreg:$0x1a] =	wrdreg s2  }
0x22: {  	s7 =	sshrl.u32 s7, $0x3;
	s14 =	sadd.s32 $0x2000, s13;
	[smem:$0x7F8] =	sst s10  }
0x23: {  	s16 =	sadd.s32 $0x10000, s13;
	s17 =	simm.s32 $0x40;
	s18 =	simm.s32 $0x80  }
0x24: {  	s21 =	simm.s32 $0x280;
	s22 =	simm.s32 $0xA;
	s23 =	simm.s32 $0x2400  }
0x25: {  	s24 =	simm.s32 $0x100;
	s25 =	simm.s32 $0x300;
	s26 =	simm.s32 $0xB  }
0x26: {  	s2 =	simm.s32 $0x380;
	s10 =	simm.s32 $0x6;
	[dreg:$0x1c] =	wrdreg s14  }
0x27: {  	s5 =	sadd.s32 s5, s7;
	s19 =	sadd.s32 s6, s19;
	[smem:$0x7FC] =	sst s16  }
0x28: {  	s20 =	sadd.s32 s6, s20;
	s7 =	sadd.s32 $0x4000, s13;
	[dreg:$0xf] =	wrdreg s5  }
0x29: {  	s6 =	simm.s32 $0x6400;
	s5 =	sadd.s32 s15, s12;
	[dreg:$0x1d] =	wrdreg s7  }
0x2a: {  	s12 =	sadd.s32 $0xE000, s13;
	s15 =	simm.s32 $0x1;
	s5 =	sshll.u32 s5, $0x4  }
.Ltmp0:
0x2b: {  	[smem:$0x7FA] =	sst s12;
	s12 =	simm.s32 $0x1CD00;
	(pc) =	sbr.rel .LBB2_1-.Ltmp0, $4  }
0x2c: {  	s1 =	sadd.s32 s5, s1;
	s5 =	sadd.s32 s5, s11;
	s11 =	sadd.s32 $0xC000, s13  }
0x2d: {  	s13 =	simm.s32 $0x0;
	s1 =	sadd.s32 $0x30, s1;
	[smem:$0x7F9] =	sst s11  }
0x2e: {  	s30 =	sadd.s32 $0x30, s5;
	s11 =	simm.s32 $0x400;
	[smem:$0x7FB] =	sst s13  }
0x2f: {  	v0 =	vimm.f32 $1.000000000e+00;
	s5 =	simm.s32 $0xC;
	[dreg:$0x1b] =	wrdreg s1;
	s1 =	simm.s32 $0x180  }
.LBB2_4:
0x30: {  	s7 =	rddreg [dreg:$0xd];
	s11 =	simm.s32 $0x8400;
	s13 =	simm.s32 $0xD  }
0x31: {  	[tilespmem:s11], [sflag:$0xD] =	stream.linear.gather [hbm4b:s7+s4], $0x80, $0x38;
	[tilespmem:$0x1F500] =	vst v63  }
0x32: {  	_ =	swait.ge [sflag:s13], $0x80  }
0x33: {  	[sflag:s13] =	ssyncset.done $0x0  }
0x34: {  	s14 =	simm.s32 $0x8480;
	s16 =	rddreg [dreg:$0xe];
	[sflag:s13] =	ssyncadd.s32 $0xFFFFFF80  }
0x35: {  	[tilespmem:s14], [sflag:$0xD] =	stream.linear.gather [hbm4b:s16+s4], $0x80, $0x38;
	[tilespmem:$0x1F500] =	vst v63  }
0x36: {  	_ =	swait.ge [sflag:s13], $0x80  }
0x37: {  	[sflag:s13] =	ssyncset.done $0x0  }
0x38: {  	s7 =	simm.s32 $0x10;
	s16 =	simm.s32 $0x8500;
	[sflag:s13] =	ssyncadd.s32 $0xFFFFFF80  }
0x39: {  	[tilespmem:s16], [sflag:$0xD] =	stream.indirect.gather [hbm4b:s0+s7], $0x80, s11, s7, $0xb8;
	[tilespmem:$0x1F500] =	vst v63  }
0x3a: {  	_ =	swait.ge [sflag:s13], $0x800  }
0x3b: {  	[sflag:s13] =	ssyncset.done $0x0  }
0x3c: {  	[sflag:s13] =	ssyncadd.s32 $0xFFFFF800  }
0x3d: {  	[spmem:s3] =	stream.indirect.scatter.add.f32 [tilespmem:s16], [sflag:$0xD], $0x80, s14, s7, $0xb8;
	[tilespmem:$0x1F500] =	vst v63  }
0x3e: {  	_ =	swait.ge [sflag:s13], $0x800  }
0x3f: {  	[sflag:s13] =	ssyncset.done $0x0  }
0x40: {  	[sflag:s13] =	ssyncadd.s32 $0xFFFFF800  }
0x41: {  	v1 =	vld [tilespmem:$0x8480];
	_ =	sdelay $0x7  }
0x42: {  	s14 =	simm.s32 $0x5;
	[tilespmem:v1+s12+$0x0] =	vst.idx.add.f32.msk $0xffff, v0  }
0x43: {  	_ =	swait.ge [sflag:s14], $0x2000  }
0x44: {  	[sflag:s14] =	ssyncset.done $0x0  }
0x45: {  	[sflag:s14] =	ssyncadd.s32 $0xFFFFE000  }
0x46: {  	_ =	swait.ge [sflag:s10], $0x2000  }
0x47: {  	[sflag:s10] =	ssyncset.done $0x0  }
0x48: {  	s16 =	simm.s32 $0x7;
	[sflag:s10] =	ssyncadd.s32 $0xFFFFE000  }
0x49: {  	_ =	swait.ge [sflag:s16], $0x2000  }
0x4a: {  	[sflag:s16] =	ssyncset.done $0x0  }
0x4b: {  	s11 =	simm.s32 $0x8;
	[sflag:s16] =	ssyncadd.s32 $0xFFFFE000  }
0x4c: {  	_ =	swait.ge [sflag:s11], $0x2000  }
0x4d: {  	[sflag:s11] =	ssyncset.done $0x0  }
0x4e: {  	[sflag:s11] =	ssyncadd.s32 $0xFFFFE000  }
0x4f: {  	[bflag:$0x0] =	sbarrier.arrive $0xFFFF  }
0x50: {  	s11 =	simm.s32 $0x400;
	s14 =	rddreg [dreg:$0x8]  }
0x51: {  	[tilespmem:s11], [sflag:$0xD] =	stream.linear.gather [spmem:s14], $0x2000, $0x38;
	[tilespmem:$0x1F500] =	vst v63  }
0x52: {  	_ =	swait.ge [sflag:s13], $0x2000  }
0x53: {  	[sflag:s13] =	ssyncset.done $0x0  }
0x54: {  	s16 =	rddreg [dreg:$0x11];
	[sflag:s13] =	ssyncadd.s32 $0xFFFFE000  }
0x55: {  	[hbm4b:s16+s4] =	stream.linear.scatter [tilespmem:s11], [sflag:$0x1], $0x2000, $0x38;
	[tilespmem:$0x1F500] =	vst v63  }
0x56: {  	s14 =	rddreg [dreg:$0x1c]  }
0x57: {  	[tilespmem:s23], [sflag:$0xD] =	stream.linear.gather [spmem:s14], $0x2000, $0x38;
	[tilespmem:$0x1F500] =	vst v63  }
0x58: {  	_ =	swait.ge [sflag:s13], $0x2000  }
0x59: {  	[sflag:s13] =	ssyncset.done $0x0  }
0x5a: {  	s16 =	rddreg [dreg:$0x12];
	[sflag:s13] =	ssyncadd.s32 $0xFFFFE000  }
0x5b: {  	[hbm4b:s16+s4] =	stream.linear.scatter [tilespmem:s23], [sflag:$0x2], $0x2000, $0x38;
	[tilespmem:$0x1F500] =	vst v63  }
0x5c: {  	_ =	swait.ge [sflag:s15], $0x2000  }
0x5d: {  	[sflag:s15] =	ssyncset.done $0x0  }
0x5e: {  	[sflag:s15] =	ssyncadd.s32 $0xFFFFE000  }
0x5f: {  	_ =	swait.ge [sflag:s31], $0x2000  }
0x60: {  	[sflag:s31] =	ssyncset.done $0x0  }
0x61: {  	s14 =	rddreg [dreg:$0x1d];
	[sflag:s31] =	ssyncadd.s32 $0xFFFFE000  }
0x62: {  	[tilespmem:s11], [sflag:$0xD] =	stream.linear.gather [spmem:s14], $0x2000, $0x38;
	[tilespmem:$0x1F500] =	vst v63  }
0x63: {  	_ =	swait.ge [sflag:s13], $0x2000  }
0x64: {  	[sflag:s13] =	ssyncset.done $0x0  }
0x65: {  	s16 =	rddreg [dreg:$0x13];
	[sflag:s13] =	ssyncadd.s32 $0xFFFFE000  }
0x66: {  	[hbm4b:s16+s4] =	stream.linear.scatter [tilespmem:s11], [sflag:$0x1], $0x2000, $0x38;
	[tilespmem:$0x1F500] =	vst v63  }
0x67: {  	s14 =	rddreg [dreg:$0x1e]  }
0x68: {  	[tilespmem:s23], [sflag:$0xD] =	stream.linear.gather [spmem:s14], $0x2000, $0x38;
	[tilespmem:$0x1F500] =	vst v63  }
0x69: {  	_ =	swait.ge [sflag:s13], $0x2000  }
0x6a: {  	[sflag:s13] =	ssyncset.done $0x0  }
0x6b: {  	s16 =	rddreg [dreg:$0x14];
	[sflag:s13] =	ssyncadd.s32 $0xFFFFE000  }
0x6c: {  	[hbm4b:s16+s4] =	stream.linear.scatter [tilespmem:s23], [sflag:$0x2], $0x2000, $0x38;
	[tilespmem:$0x1F500] =	vst v63  }
0x6d: {  	_ =	swait.ge [sflag:s15], $0x2000  }
0x6e: {  	[sflag:s15] =	ssyncset.done $0x0  }
0x6f: {  	[sflag:s15] =	ssyncadd.s32 $0xFFFFE000  }
0x70: {  	_ =	swait.ge [sflag:s31], $0x2000  }
0x71: {  	[sflag:s31] =	ssyncset.done $0x0  }
0x72: {  	s14 =	rddreg [dreg:$0x1f];
	[sflag:s31] =	ssyncadd.s32 $0xFFFFE000  }
0x73: {  	[tilespmem:s11], [sflag:$0xD] =	stream.linear.gather [spmem:s14], $0x2000, $0x38;
	[tilespmem:$0x1F500] =	vst v63  }
0x74: {  	_ =	swait.ge [sflag:s13], $0x2000  }
0x75: {  	[sflag:s13] =	ssyncset.done $0x0;
	s16 =	rddreg [dreg:$0x15]  }
0x76: {  	s14 =	sld [smem:$0x7F8];
	[sflag:s13] =	ssyncadd.s32 $0xFFFFE000  }
0x77: {  	[hbm4b:s16+s4] =	stream.linear.scatter [tilespmem:s11], [sflag:$0x1], $0x2000, $0x38;
	[tilespmem:$0x1F500] =	vst v63  }
0x78: {  	_ = 	snop  }
0x79: {  	[tilespmem:s23], [sflag:$0xD] =	stream.linear.gather [spmem:s14], $0x2000, $0x38;
	[tilespmem:$0x1F500] =	vst v63  }
0x7a: {  	_ =	swait.ge [sflag:s13], $0x2000  }
0x7b: {  	[sflag:s13] =	ssyncset.done $0x0  }
0x7c: {  	s16 =	rddreg [dreg:$0x16];
	[sflag:s13] =	ssyncadd.s32 $0xFFFFE000  }
0x7d: {  	[hbm4b:s16+s4] =	stream.linear.scatter [tilespmem:s23], [sflag:$0x2], $0x2000, $0x38;
	[tilespmem:$0x1F500] =	vst v63  }
0x7e: {  	_ =	swait.ge [sflag:s15], $0x2000  }
0x7f: {  	[sflag:s15] =	ssyncset.done $0x0  }
0x80: {  	[sflag:s15] =	ssyncadd.s32 $0xFFFFE000  }
0x81: {  	_ =	swait.ge [sflag:s31], $0x2000  }
0x82: {  	s14 =	sld [smem:$0x7F9]  }
0x83: {  	[sflag:s31] =	ssyncset.done $0x0  }
0x84: {  	[sflag:s31] =	ssyncadd.s32 $0xFFFFE000  }
0x85: {  	[tilespmem:s11], [sflag:$0xD] =	stream.linear.gather [spmem:s14], $0x2000, $0x38;
	[tilespmem:$0x1F500] =	vst v63  }
0x86: {  	_ =	swait.ge [sflag:s13], $0x2000  }
0x87: {  	[sflag:s13] =	ssyncset.done $0x0;
	s16 =	rddreg [dreg:$0x17]  }
0x88: {  	s14 =	sld [smem:$0x7FA];
	[sflag:s13] =	ssyncadd.s32 $0xFFFFE000  }
0x89: {  	[hbm4b:s16+s4] =	stream.linear.scatter [tilespmem:s11], [sflag:$0x1], $0x2000, $0x38;
	[tilespmem:$0x1F500] =	vst v63  }
0x8a: {  	_ = 	snop  }
0x8b: {  	[tilespmem:s23], [sflag:$0xD] =	stream.linear.gather [spmem:s14], $0x2000, $0x38;
	[tilespmem:$0x1F500] =	vst v63  }
0x8c: {  	_ =	swait.ge [sflag:s13], $0x2000  }
0x8d: {  	[sflag:s13] =	ssyncset.done $0x0  }
0x8e: {  	s16 =	rddreg [dreg:$0x18];
	[sflag:s13] =	ssyncadd.s32 $0xFFFFE000  }
0x8f: {  	[hbm4b:s16+s4] =	stream.linear.scatter [tilespmem:s23], [sflag:$0x2], $0x2000, $0x38;
	[tilespmem:$0x1F500] =	vst v63  }
0x90: {  	_ =	swait.ge [sflag:s15], $0x2000  }
0x91: {  	[sflag:s15] =	ssyncset.done $0x0  }
0x92: {  	[sflag:s15] =	ssyncadd.s32 $0xFFFFE000  }
0x93: {  	_ =	swait.ge [sflag:s31], $0x2000  }
0x94: {  	s16 =	sld [smem:$0x7FC]  }
0x95: {  	[sflag:s31] =	ssyncset.done $0x0  }
0x96: {  	[sflag:s31] =	ssyncadd.s32 $0xFFFFE000  }
0x97: {  	[tilespmem:s11], [sflag:$0xD] =	stream.linear.gather [spmem:s16], $0x2000, $0x38;
	[tilespmem:$0x1F500] =	vst v63  }
0x98: {  	_ =	swait.ge [sflag:s13], $0x2000  }
0x99: {  	[sflag:s13] =	ssyncset.done $0x0;
	s14 =	rddreg [dreg:$0x19]  }
0x9a: {  	s29 =	sld [smem:$0x7FD];
	[sflag:s13] =	ssyncadd.s32 $0xFFFFE000  }
0x9b: {  	[hbm4b:s14+s4] =	stream.linear.scatter [tilespmem:s11], [sflag:$0x1], $0x2000, $0x38;
	[tilespmem:$0x1F500] =	vst v63  }
0x9c: {  	_ = 	snop  }
0x9d: {  	[tilespmem:s23], [sflag:$0xD] =	stream.linear.gather [spmem:s29], $0x2000, $0x38;
	[tilespmem:$0x1F500] =	vst v63  }
0x9e: {  	_ =	swait.ge [sflag:s13], $0x2000  }
0x9f: {  	[sflag:s13] =	ssyncset.done $0x0  }
0xa0: {  	s14 =	rddreg [dreg:$0x1a];
	[sflag:s13] =	ssyncadd.s32 $0xFFFFE000  }
0xa1: {  	[hbm4b:s14+s4] =	stream.linear.scatter [tilespmem:s23], [sflag:$0x2], $0x2000, $0x38;
	[tilespmem:$0x1F500] =	vst v63  }
0xa2: {  	_ =	swait.ge [sflag:s15], $0x2000  }
0xa3: {  	[sflag:s15] =	ssyncset.done $0x0  }
0xa4: {  	[sflag:s15] =	ssyncadd.s32 $0xFFFFE000  }
0xa5: {  	_ =	swait.ge [sflag:s31], $0x2000  }
0xa6: {  	[sflag:s31] =	ssyncset.done $0x0  }
0xa7: {  	s14 =	rddreg [dreg:$0xf];
	[sflag:s31] =	ssyncadd.s32 $0xFFFFE000  }
0xa8: {  	[hbm4b:s14+s18] =	stream.strided.scatter [tilespmem:s12], [sflag:$0xD], $0x2800, s11, s18, $0x38;
	[tilespmem:$0x1F500] =	vst v63  }
0xa9: {  	_ =	swait.ge [sflag:s13], $0x2800  }
0xaa: {  	s7 =	sld [smem:$0x7FB];
	_ =	sdelay $0x2  }
0xab: {  	[sflag:s13] =	ssyncset.done $0x0;
	s13 =	rddreg [dreg:$0x10];
	s14 =	sadd.s32 $0x1, s7  }
0xac: {  	p0 =	sne.s32 s14, s13  }
.Ltmp1:
0xad: {  	_ = 	snop;
	(pc) =	sbr.rel @!p0 .LBB2_5-.Ltmp1, $3  }
0xae: {  	_ =	sdelay $0x1  }
0xaf: {  	[smem:$0x7FB] =	sst s14;
	s13 =	simm.s32 $0xD  }
0xb0: {  	s14 =	rddreg [dreg:$0x1c];
	[sflag:s13] =	ssyncadd.s32 $0xFFFFD800  }
.LBB2_1:
0xb1: {  	s13 =	simm.s32 $0xD;
	s7 =	rddreg [dreg:$0x7]  }
0xb2: {  	[tilespmem:s12], [sflag:$0xD] =	stream.linear.gather [hbm4b:s7+s4], $0x2800, $0x38;
	[tilespmem:$0x1F500] =	vst v63  }
0xb3: {  	_ =	swait.ge [sflag:s13], $0x2800  }
0xb4: {  	[sflag:s13] =	ssyncset.done $0x0  }
0xb5: {  	s7 =	rddreg [dreg:$0x6];
	[sflag:s13] =	ssyncadd.s32 $0xFFFFD800  }
0xb6: {  	[tilespmem:s11], [sflag:$0xD] =	stream.linear.gather [hbm4b:s7+s4], $0x2000, $0x38;
	[tilespmem:$0x1F500] =	vst v63  }
0xb7: {  	_ =	swait.ge [sflag:s13], $0x2000  }
0xb8: {  	[sflag:s13] =	ssyncset.done $0x0  }
0xb9: {  	s7 =	rddreg [dreg:$0x8];
	[sflag:s13] =	ssyncadd.s32 $0xFFFFE000  }
0xba: {  	[spmem:s7] =	stream.linear.scatter [tilespmem:s11], [sflag:$0x1], $0x2000, $0x38;
	[tilespmem:$0x1F500] =	vst v63  }
0xbb: {  	_ = 	snop  }
0xbc: {  	[spmem:s14] =	stream.linear.scatter [tilespmem:s11], [sflag:$0x1], $0x2000, $0x38;
	[tilespmem:$0x1F500] =	vst v63  }
0xbd: {  	s14 =	rddreg [dreg:$0x1d]  }
0xbe: {  	[spmem:s14] =	stream.linear.scatter [tilespmem:s11], [sflag:$0x1], $0x2000, $0x38;
	[tilespmem:$0x1F500] =	vst v63  }
0xbf: {  	s14 =	rddreg [dreg:$0x1e]  }
0xc0: {  	[spmem:s14] =	stream.linear.scatter [tilespmem:s11], [sflag:$0x1], $0x2000, $0x38;
	[tilespmem:$0x1F500] =	vst v63  }
0xc1: {  	s14 =	rddreg [dreg:$0x1f]  }
0xc2: {  	[spmem:s14] =	stream.linear.scatter [tilespmem:s11], [sflag:$0x1], $0x2000, $0x38;
	[tilespmem:$0x1F500] =	vst v63  }
0xc3: {  	s14 =	sld [smem:$0x7F8];
	_ =	sdelay $0x2  }
0xc4: {  	[spmem:s14] =	stream.linear.scatter [tilespmem:s11], [sflag:$0x1], $0x2000, $0x38;
	[tilespmem:$0x1F500] =	vst v63  }
0xc5: {  	s14 =	sld [smem:$0x7F9];
	_ =	sdelay $0x2  }
0xc6: {  	[spmem:s14] =	stream.linear.scatter [tilespmem:s11], [sflag:$0x1], $0x2000, $0x38;
	[tilespmem:$0x1F500] =	vst v63  }
0xc7: {  	s14 =	sld [smem:$0x7FA];
	_ =	sdelay $0x2  }
0xc8: {  	[spmem:s14] =	stream.linear.scatter [tilespmem:s11], [sflag:$0x1], $0x2000, $0x38;
	[tilespmem:$0x1F500] =	vst v63  }
0xc9: {  	_ = 	snop  }
0xca: {  	[spmem:s16] =	stream.linear.scatter [tilespmem:s11], [sflag:$0x1], $0x2000, $0x38;
	[tilespmem:$0x1F500] =	vst v63  }
0xcb: {  	_ = 	snop  }
0xcc: {  	[spmem:s29] =	stream.linear.scatter [tilespmem:s11], [sflag:$0x1], $0x2000, $0x38;
	[tilespmem:$0x1F500] =	vst v63  }
0xcd: {  	_ =	swait.ge [sflag:s15], $0x2000  }
0xce: {  	[sflag:s15] =	ssyncset.done $0x0  }
0xcf: {  	[sflag:s15] =	ssyncadd.s32 $0xFFFFE000  }
0xd0: {  	_ =	swait.ge [sflag:s15], $0x2000  }
0xd1: {  	[sflag:s15] =	ssyncset.done $0x0  }
0xd2: {  	[sflag:s15] =	ssyncadd.s32 $0xFFFFE000  }
0xd3: {  	_ =	swait.ge [sflag:s15], $0x2000  }
0xd4: {  	[sflag:s15] =	ssyncset.done $0x0  }
0xd5: {  	[sflag:s15] =	ssyncadd.s32 $0xFFFFE000  }
0xd6: {  	_ =	swait.ge [sflag:s15], $0x2000  }
0xd7: {  	[sflag:s15] =	ssyncset.done $0x0  }
0xd8: {  	[sflag:s15] =	ssyncadd.s32 $0xFFFFE000  }
0xd9: {  	_ =	swait.ge [sflag:s15], $0x2000  }
0xda: {  	[sflag:s15] =	ssyncset.done $0x0  }
0xdb: {  	[sflag:s15] =	ssyncadd.s32 $0xFFFFE000  }
0xdc: {  	_ =	swait.ge [sflag:s15], $0x2000  }
0xdd: {  	[sflag:s15] =	ssyncset.done $0x0  }
0xde: {  	[sflag:s15] =	ssyncadd.s32 $0xFFFFE000  }
0xdf: {  	_ =	swait.ge [sflag:s15], $0x2000  }
0xe0: {  	[sflag:s15] =	ssyncset.done $0x0  }
0xe1: {  	[sflag:s15] =	ssyncadd.s32 $0xFFFFE000  }
0xe2: {  	_ =	swait.ge [sflag:s15], $0x2000  }
0xe3: {  	[sflag:s15] =	ssyncset.done $0x0  }
0xe4: {  	[sflag:s15] =	ssyncadd.s32 $0xFFFFE000  }
0xe5: {  	_ =	swait.ge [sflag:s15], $0x2000  }
0xe6: {  	[sflag:s15] =	ssyncset.done $0x0  }
0xe7: {  	[sflag:s15] =	ssyncadd.s32 $0xFFFFE000  }
0xe8: {  	_ =	swait.ge [sflag:s15], $0x2000  }
0xe9: {  	[sflag:s15] =	ssyncset.done $0x0  }
0xea: {  	[sflag:s15] =	ssyncadd.s32 $0xFFFFE000  }
0xeb: {  	[bflag:$0x0] =	sbarrier.arrive $0xFFFF  }
0xec: {  	s14 =	rddreg [dreg:$0x9]  }
0xed: {  	[tilespmem:s4], [sflag:$0xD] =	stream.linear.gather [hbm4b:s14+s4], $0x80, $0x38;
	[tilespmem:$0x1F500] =	vst v63  }
0xee: {  	_ =	swait.ge [sflag:s13], $0x80  }
0xef: {  	[sflag:s13] =	ssyncset.done $0x0  }
0xf0: {  	s29 =	simm.s32 $0x200;
	s16 =	rddreg [dreg:$0xa];
	[sflag:s13] =	ssyncadd.s32 $0xFFFFFF80  }
0xf1: {  	[tilespmem:s29], [sflag:$0xD] =	stream.linear.gather [hbm4b:s16+s4], $0x80, $0x38;
	[tilespmem:$0x1F500] =	vst v63  }
0xf2: {  	_ =	swait.ge [sflag:s13], $0x80  }
0xf3: {  	[sflag:s13] =	ssyncset.done $0x0  }
0xf4: {  	[sflag:s13] =	ssyncadd.s32 $0xFFFFFF80  }
0xf5: {  	[tilespmem:s11], [sflag:$0x1] =	stream.indirect.gather [hbm4b:s0+s17], $0x80, s4, s17, $0xb8;
	[tilespmem:$0x1F500] =	vst v63  }
0xf6: {  	s16 =	rddreg [dreg:$0xb]  }
0xf7: {  	[tilespmem:s18], [sflag:$0xA] =	stream.linear.gather [hbm4b:s16+s4], $0x80, $0x38;
	[tilespmem:$0x1F500] =	vst v63  }
0xf8: {  	s7 =	simm.s32 $0x0;
	s29 =	rddreg [dreg:$0xc];
	s11 =	simm.s32 $0x400  }
0xf9: {  	[tilespmem:s21], [sflag:$0xA] =	stream.linear.gather [hbm4b:s29+s4], $0x80, $0x38;
	[tilespmem:$0x1F500] =	vst v63  }
.LBB2_2:
0xfa: {  	_ =	swait.ge [sflag:s22], $0x80  }
0xfb: {  	[sflag:s22] =	ssyncset.done $0x0  }
0xfc: {  	[sflag:s22] =	ssyncadd.s32 $0xFFFFFF80  }
0xfd: {  	_ =	swait.ge [sflag:s22], $0x80  }
0xfe: {  	[sflag:s22] =	ssyncset.done $0x0  }
0xff: {  	[sflag:s22] =	ssyncadd.s32 $0xFFFFFF80  }
0x100: {  	[tilespmem:s23], [sflag:$0x2] =	stream.indirect.gather [hbm4b:s0+s17], $0x80, s18, s17, $0xb8;
	[tilespmem:$0x1F500] =	vst v63  }
0x101: {  	_ =	swait.ge [sflag:s15], $0x2000  }
0x102: {  	[sflag:s15] =	ssyncset.done $0x0  }
0x103: {  	s13 =	simm.s32 $0x200;
	[sflag:s15] =	ssyncadd.s32 $0xFFFFE000  }
0x104: {  	[spmem:s3] =	stream.indirect.scatter.add.f32 [tilespmem:s11], [sflag:$0x5], $0x80, s13, s17, $0xb8;
	[tilespmem:$0x1F500] =	vst v63  }
0x105: {  	v1 =	vld [tilespmem:$0x200];
	_ =	sdelay $0x7  }
0x106: {  	[tilespmem:v1+s12+$0x0] =	vst.idx.add.f32.msk $0xffff, v0  }
0x107: {  	v1 =	vld [tilespmem:$0x210];
	_ =	sdelay $0x7  }
0x108: {  	[tilespmem:v1+s12+$0x0] =	vst.idx.add.f32.msk $0xffff, v0  }
0x109: {  	v1 =	vld [tilespmem:$0x220];
	_ =	sdelay $0x7  }
0x10a: {  	[tilespmem:v1+s12+$0x0] =	vst.idx.add.f32.msk $0xffff, v0  }
0x10b: {  	v1 =	vld [tilespmem:$0x230];
	_ =	sdelay $0x6  }
0x10c: {  	p0 =	seq.s32 s7, $0x0  }
0x10d: {  	s16 =	simm.s32 @!p0 $0x7;
	[tilespmem:v1+s12+$0x0] =	vst.idx.add.f32.msk $0xffff, v0  }
0x10e: {  	_ =	swait.ge @!p0 [sflag:s16], $0x2000  }
0x10f: {  	s11 =	sadd.s32 s7, s19;
	[sflag:s16] =	ssyncset.done @!p0 $0x0  }
0x110: {  	s14 =	sadd.s32 $0x20, s11;
	[sflag:s16] =	ssyncadd.s32 @!p0 $0xFFFFE000;
	s16 =	sadd.s32 s7, s20  }
0x111: {  	[tilespmem:s24], [sflag:$0xB] =	stream.linear.gather [hbm4b:s14+s4], $0x80, $0x38;
	[tilespmem:$0x1F500] =	vst v63  }
0x112: {  	s14 =	sadd.s32 $0x20, s16  }
0x113: {  	[tilespmem:s25], [sflag:$0xB] =	stream.linear.gather [hbm4b:s14+s4], $0x80, $0x38;
	[tilespmem:$0x1F500] =	vst v63  }
0x114: {  	_ =	swait.ge [sflag:s26], $0x80  }
0x115: {  	[sflag:s26] =	ssyncset.done $0x0  }
0x116: {  	[sflag:s26] =	ssyncadd.s32 $0xFFFFFF80  }
0x117: {  	_ =	swait.ge [sflag:s26], $0x80  }
0x118: {  	[sflag:s26] =	ssyncset.done $0x0  }
0x119: {  	[sflag:s26] =	ssyncadd.s32 $0xFFFFFF80  }
0x11a: {  	[tilespmem:s28], [sflag:$0x3] =	stream.indirect.gather [hbm4b:s0+s17], $0x80, s24, s17, $0xb8;
	[tilespmem:$0x1F500] =	vst v63  }
0x11b: {  	_ =	swait.ge [sflag:s31], $0x2000  }
0x11c: {  	[sflag:s31] =	ssyncset.done $0x0  }
0x11d: {  	[sflag:s31] =	ssyncadd.s32 $0xFFFFE000  }
0x11e: {  	[spmem:s3] =	stream.indirect.scatter.add.f32 [tilespmem:s23], [sflag:$0x6], $0x80, s21, s17, $0xb8;
	[tilespmem:$0x1F500] =	vst v63  }
0x11f: {  	v1 =	vld [tilespmem:$0x280];
	_ =	sdelay $0x7  }
0x120: {  	[tilespmem:v1+s12+$0x0] =	vst.idx.add.f32.msk $0xffff, v0  }
0x121: {  	v1 =	vld [tilespmem:$0x290];
	_ =	sdelay $0x7  }
0x122: {  	[tilespmem:v1+s12+$0x0] =	vst.idx.add.f32.msk $0xffff, v0  }
0x123: {  	v1 =	vld [tilespmem:$0x2A0];
	_ =	sdelay $0x7  }
0x124: {  	[tilespmem:v1+s12+$0x0] =	vst.idx.add.f32.msk $0xffff, v0  }
0x125: {  	v1 =	vld [tilespmem:$0x2B0];
	_ =	sdelay $0x7  }
0x126: {  	s14 =	simm.s32 @!p0 $0x8;
	[tilespmem:v1+s12+$0x0] =	vst.idx.add.f32.msk $0xffff, v0  }
0x127: {  	_ =	swait.ge @!p0 [sflag:s14], $0x2000  }
0x128: {  	[sflag:s14] =	ssyncset.done @!p0 $0x0;
	s29 =	rddreg [dreg:$0x1b]  }
0x129: {  	[sflag:s14] =	ssyncadd.s32 @!p0 $0xFFFFE000;
	s13 =	sadd.s32 s7, s29  }
0x12a: {  	[tilespmem:s1], [sflag:$0xC] =	stream.linear.gather [hbm4b:s13+s4], $0x80, $0x38;
	[tilespmem:$0x1F500] =	vst v63  }
0x12b: {  	s29 =	sadd.s32 s7, s30  }
0x12c: {  	[tilespmem:s2], [sflag:$0xC] =	stream.linear.gather [hbm4b:s29+s4], $0x80, $0x38;
	[tilespmem:$0x1F500] =	vst v63  }
0x12d: {  	_ =	swait.ge [sflag:s5], $0x80  }
0x12e: {  	[sflag:s5] =	ssyncset.done $0x0  }
0x12f: {  	[sflag:s5] =	ssyncadd.s32 $0xFFFFFF80  }
0x130: {  	_ =	swait.ge [sflag:s5], $0x80  }
0x131: {  	[sflag:s5] =	ssyncset.done $0x0  }
0x132: {  	[sflag:s5] =	ssyncadd.s32 $0xFFFFFF80  }
0x133: {  	[tilespmem:s6], [sflag:$0x4] =	stream.indirect.gather [hbm4b:s0+s17], $0x80, s1, s17, $0xb8;
	[tilespmem:$0x1F500] =	vst v63  }
0x134: {  	_ =	swait.ge [sflag:s8], $0x2000  }
0x135: {  	[sflag:s8] =	ssyncset.done $0x0  }
0x136: {  	[sflag:s8] =	ssyncadd.s32 $0xFFFFE000  }
0x137: {  	[spmem:s3] =	stream.indirect.scatter.add.f32 [tilespmem:s28], [sflag:$0x7], $0x80, s25, s17, $0xb8;
	[tilespmem:$0x1F500] =	vst v63  }
0x138: {  	v1 =	vld [tilespmem:$0x300];
	_ =	sdelay $0x7  }
0x139: {  	[tilespmem:v1+s12+$0x0] =	vst.idx.add.f32.msk $0xffff, v0  }
0x13a: {  	v1 =	vld [tilespmem:$0x310];
	_ =	sdelay $0x7  }
0x13b: {  	[tilespmem:v1+s12+$0x0] =	vst.idx.add.f32.msk $0xffff, v0  }
0x13c: {  	v1 =	vld [tilespmem:$0x320];
	_ =	sdelay $0x7  }
0x13d: {  	[tilespmem:v1+s12+$0x0] =	vst.idx.add.f32.msk $0xffff, v0  }
0x13e: {  	v1 =	vld [tilespmem:$0x330];
	_ =	sdelay $0x6  }
0x13f: {  	p0 =	seq.s32 s7, $0x980  }
0x140: {  	s14 =	simm.s32 @!p0 $0x5;
	[tilespmem:v1+s12+$0x0] =	vst.idx.add.f32.msk $0xffff, v0  }
0x141: {  	_ =	swait.ge @!p0 [sflag:s14], $0x2000  }
0x142: {  	s13 =	sadd.s32 @!p0 s7, s19;
	[sflag:s14] =	ssyncset.done @!p0 $0x0  }
0x143: {  	s13 =	sadd.s32 @!p0 $0x40, s13;
	[sflag:s14] =	ssyncadd.s32 @!p0 $0xFFFFE000;
	s14 =	simm.s32 @!p0 $0x0  }
0x144: {  	[tilespmem:s14], [sflag:$0x9] =	stream.linear.gather @!p0 [hbm4b:s13+s14], $0x80, $0x38;
	[tilespmem:$0x1F500] =	vst v63  }
0x145: {  	s13 =	sadd.s32 @!p0 s7, s20  }
0x146: {  	s29 =	simm.s32 @!p0 $0x200;
	s13 =	sadd.s32 @!p0 $0x40, s13  }
0x147: {  	[tilespmem:s29], [sflag:$0x9] =	stream.linear.gather @!p0 [hbm4b:s13+s14], $0x80, $0x38;
	[tilespmem:$0x1F500] =	vst v63  }
0x148: {  	s13 =	simm.s32 @!p0 $0x9  }
0x149: {  	_ =	swait.ge @!p0 [sflag:s13], $0x80  }
0x14a: {  	[sflag:s13] =	ssyncset.done @!p0 $0x0  }
0x14b: {  	[sflag:s13] =	ssyncadd.s32 @!p0 $0xFFFFFF80  }
0x14c: {  	_ =	swait.ge @!p0 [sflag:s13], $0x80  }
0x14d: {  	[sflag:s13] =	ssyncset.done @!p0 $0x0  }
0x14e: {  	s29 =	simm.s32 @!p0 $0x400;
	[sflag:s13] =	ssyncadd.s32 @!p0 $0xFFFFFF80;
	s13 =	simm.s32 @!p0 $0x40  }
0x14f: {  	[tilespmem:s29], [sflag:$0x1] =	stream.indirect.gather @!p0 [hbm4b:s0+s13], $0x80, s14, s13, $0xb8;
	[tilespmem:$0x1F500] =	vst v63  }
0x150: {  	_ =	swait.ge [sflag:s9], $0x2000  }
0x151: {  	[sflag:s9] =	ssyncset.done $0x0  }
0x152: {  	[sflag:s9] =	ssyncadd.s32 $0xFFFFE000  }
0x153: {  	[spmem:s3] =	stream.indirect.scatter.add.f32 [tilespmem:s6], [sflag:$0x8], $0x80, s2, s17, $0xb8;
	[tilespmem:$0x1F500] =	vst v63  }
0x154: {  	v1 =	vld [tilespmem:$0x380];
	_ =	sdelay $0x7  }
0x155: {  	[tilespmem:v1+s12+$0x0] =	vst.idx.add.f32.msk $0xffff, v0  }
0x156: {  	v1 =	vld [tilespmem:$0x390];
	_ =	sdelay $0x7  }
0x157: {  	[tilespmem:v1+s12+$0x0] =	vst.idx.add.f32.msk $0xffff, v0  }
0x158: {  	v1 =	vld [tilespmem:$0x3A0];
	_ =	sdelay $0x7  }
0x159: {  	[tilespmem:v1+s12+$0x0] =	vst.idx.add.f32.msk $0xffff, v0  }
0x15a: {  	v1 =	vld [tilespmem:$0x3B0];
	_ =	sdelay $0x3  }
.Ltmp2:
0x15b: {  	_ = 	snop;
	(pc) =	sbr.rel @p0 .LBB2_4-.Ltmp2, $2  }
0x15c: {  	_ =	sdelay $0x2  }
0x15d: {  	[tilespmem:v1+s12+$0x0] =	vst.idx.add.f32.msk $0xffff, v0  }
0x15e: {  	_ =	swait.ge [sflag:s10], $0x2000  }
.Ltmp3:
0x15f: {  	[sflag:s10] =	ssyncset.done $0x0;
	(pc) =	sbr.rel .LBB2_2-.Ltmp3, $4  }
0x160: {  	s11 =	sadd.s32 $0x50, s11;
	[sflag:s10] =	ssyncadd.s32 $0xFFFFE000  }
0x161: {  	[tilespmem:s18], [sflag:$0xA] =	stream.linear.gather [hbm4b:s11+s4], $0x80, $0x38;
	[tilespmem:$0x1F500] =	vst v63  }
0x162: {  	s29 =	sadd.s32 $0x50, s16;
	s7 =	sadd.s32 $0x40, s7;
	s11 =	simm.s32 $0x400  }
0x163: {  	[tilespmem:s21], [sflag:$0xA] =	stream.linear.gather [hbm4b:s29+s4], $0x80, $0x38;
	[tilespmem:$0x1F500] =	vst v63  }
.LBB2_5:
0x164: {  	_ =	sfence.sel $0x180000  }
0x165: {  	[bflag:$0x0] =	sbarrier.arrive $0xFFFF  }
0x166: {  	_ =	strace $0x90000047  }
0x167: {  	s0 =	stileid.u32;
	[bflag:$0x2] =	sbarrier.arrive $0xFFFF  }
0x168: {  	p0 =	sne.s32 s0, $0x0;
	s0 =	rddreg [dreg:$0x5]  }
0x169: {  	s0 =	sadd.s32 @!p0 $0x100000, s0  }
0x16a: {  	[sflag:s0] =	ssyncadd.tile.s32 @!p0 $0x1;
	_ =	shalt  }
.Lfunc_end2:
_tile_overlayer_lowered:
.L_overlay_start_2:
0x16b: {  	(tag) =	ssettag $0x2  }
0x16c: {  	s0 =	rddreg [dreg:$0x0];
	s2 =	stileid.u32  }
0x16d: {  	s1 =	rddreg [dreg:$0x1];
	p0 =	sne.s32 s2, $0x0  }
0x16e: {  	s3 =	rddreg [dreg:$0x2];
	[bflag:$0x3] =	sbarrier.arrive $0xFFFF;
	s2 =	simm.s32 @!p0 $0x1C0D  }
0x16f: {  	[timem:s3], [sflag:s2] =	dma.local @!p0 [hbm:s0], s1  }
0x170: {  	s0 =	simm.s32 @!p0 $0xD  }
0x171: {  	_ =	swait.ge @!p0 [sflag:s0], s1  }
0x172: {  	s1 =	ssub.s32 @!p0 $0x0, s1;
	[sflag:s0] =	ssyncset.done @!p0 $0x0  }
0x173: {  	[sflag:s0] =	ssyncadd.s32 @!p0 s1  }
0x174: {  	[bflag:$0x3] =	sbarrier.arrive $0xFFFF  }
0x175: {  	_ =	shalt  }

// kernel: kernel.9.cloned.1.call-start
scs
__scs_entry_jumppad:
0x0: {  	(pc) =	sbr.rel $0x88, $3  }
0x1: {  	(tag) =	ssettag $0x0;
	lr =	simm.s32 $0x1  }
0x2: {  	[smem:$0x3F94] =	sst lr;
	_ =	strace $0xD0000000  }
0x3: {  	_ = 	snop  }
0x4: {  	_ = 	snop  }
0x5: {  	_ = 	snop  }
0x6: {  	_ = 	snop  }
0x7: {  	_ = 	snop  }
__scs_overlays_trampoline_lowered:
0x8: {  	[smem:$0x3FA3] =	sst s0  }
0x9: {  	[smem:$0x3FA4] =	sst s1  }
0xa: {  	[smem:$0x3FA5] =	sst s2  }
0xb: {  	[smem:$0x3FA6] =	sst s3  }
0xc: {  	[smem:$0x3FA7] =	sst s4  }
0xd: {  	[smem:$0x3FA8] =	sst s5  }
0xe: {  	[smem:$0x3FA9] =	sst s6  }
0xf: {  	[smem:$0x3FAA] =	sst s7  }
0x10: {  	[smem:$0x3FAB] =	sst s8  }
0x11: {  	[smem:$0x3FAC] =	sst s9;
	s0 =	simm.s32 @!p0 $0x0  }
0x12: {  	s1 =	sld [smem:$0x3F92];
	s0 =	simm.s32 @p0 $0x1  }
0x13: {  	[smem:$0x3FAD] =	sst s0;
	s0 =	simm.s32 @!p1 $0x0  }
0x14: {  	s2 =	sld [smem:$0x3F91];
	s0 =	simm.s32 @p1 $0x1  }
0x15: {  	[smem:$0x3FAE] =	sst s0;
	s0 =	simm.s32 @!p2 $0x0  }
0x16: {  	s3 =	sld [smem:$0x3FDB];
	s0 =	simm.s32 @p2 $0x1  }
0x17: {  	s4 =	simm.s32 $0x1BF5;
	[smem:$0x3FB0] =	sst s0  }
0x18: {  	s0 =	sld [smem:$0x3F93];
	_ =	swait.ge [sflag:s4], $0x0  }
0x19: {  	s7 =	sld [smem:$0x3F94]  }
0x1a: {  	s8 =	sadd.s32 $0xFFFFE003, lr  }
0x1b: {  	s9 =	sadd.s32 $0xFFFFFEF7, lr;
	s5 =	simm.s32 $0xFFFFFFFF;
	p2 =	slt.u32 s8, $0xFFFFF086  }
0x1c: {  	p1 =	slt.u32 s9, $0xF7A;
	s5 =	simm.s32 @!p2 $0x0  }
0x1d: {  	s5 =	simm.s32 @p1 $0x1;
	p0 =	seq.s32 s7, s2  }
0x1e: {  	s7 =	smul.u32 @!p0 $0xF7A, s2;
	p2 =	seq.s32 @!p0 s5, $0x0  }
0x1f: {  	s9 =	smul.u32 $0xF7A, s1;
	s8 =	simm.s32 @!p0 $0x1BF5;
	p2 =	por !p2, p0  }
0x20: {  	[sflag:s8] =	ssyncset.s32 @!p0 $0xFFFFF086;
	s6 =	sadd.s32 @!p0 s3, s7;
	s7 =	simm.s32 @!p0 $0x108  }
0x21: {  	s3 =	sadd.s32 s3, s9;
	s6 =	sadd.s32 @!p0 $0x88, s6;
	s7 =	simm.s32 @p2 $0x1082  }
0x22: {  	[simem:s7], [sflag:s8] =	dma.local @!p0 [hbm:s6], $0xF7A  }
0x23: {  	s9 =	sor.u32 $0xD0000000, s2;
	s6 =	simm.s32 $0x108;
	_ =	swait.ge @!p0 [sflag:s8], $0x0  }
0x24: {  	s3 =	sadd.s32 $0x88, s3;
	s6 =	simm.s32 @!p1 $0x1082;
	[sflag:s4] =	ssyncset.s32 $0xFFFFF086  }
0x25: {  	[simem:s6], [sflag:s4] =	dma.local [hbm:s3], $0xF7A  }
0x26: {  	[smem:$0x3F94] =	sst s1;
	(tag) =	ssettag s2;
	_ =	strace s9  }
0x27: {  	s1 =	sld [smem:$0x3FA4]  }
0x28: {  	s2 =	sld [smem:$0x3FA5]  }
0x29: {  	s4 =	sld [smem:$0x3FA7]  }
0x2a: {  	p0 =	seq.s32 s5, $0x0;
	s5 =	sld [smem:$0x3FA8]  }
0x2b: {  	s6 =	sld [smem:$0x3FA9]  }
0x2c: {  	s7 =	sld [smem:$0x3FAA]  }
0x2d: {  	s3 =	simm.s32 $0x108;
	s8 =	sld [smem:$0x3FAB]  }
0x2e: {  	s3 =	simm.s32 @!p0 $0x1082;
	s9 =	sld [smem:$0x3FAC]  }
0x2f: {  	lr =	sadd.s32 s0, s3;
	s0 =	sld [smem:$0x3FA3]  }
0x30: {  	s3 =	sld [smem:$0x3FA6]  }
0x31: {  	[smem:$0x3FAF] =	sst s10  }
0x32: {  	s10 =	sld [smem:$0x3FAD];
	_ =	sdelay $0x3  }
0x33: {  	p0 =	seq.s32 s10, $0x1;
	s10 =	sld [smem:$0x3FAF];
	_ =	sdelay $0x3  }
0x34: {  	[smem:$0x3FAF] =	sst s10  }
0x35: {  	s10 =	sld [smem:$0x3FAE];
	_ =	sdelay $0x3  }
0x36: {  	p1 =	seq.s32 s10, $0x1;
	s10 =	sld [smem:$0x3FAF];
	_ =	sdelay $0x3  }
0x37: {  	[smem:$0x3FAF] =	sst s10  }
0x38: {  	s10 =	sld [smem:$0x3FB0]  }
0x39: {  	_ = 	snop;
	(pc) =	sbr.ind lr, $3  }
0x3a: {  	_ = 	snop  }
0x3b: {  	_ = 	snop  }
0x3c: {  	p2 =	seq.s32 s10, $0x1;
	s10 =	sld [smem:$0x3FAF]  }
0x3d: {  	_ =	shalt  }
0x3e: {  	_ =	shalt  }
0x3f: {  	_ =	shalt  }
0x40: {  	_ =	shalt  }
0x41: {  	_ =	shalt  }
0x42: {  	_ =	shalt  }
0x43: {  	_ =	shalt  }
0x44: {  	_ =	shalt  }
0x45: {  	_ =	shalt  }
0x46: {  	_ =	shalt  }
0x47: {  	_ =	shalt  }
0x48: {  	_ =	shalt  }
0x49: {  	_ =	shalt  }
0x4a: {  	_ =	shalt  }
0x4b: {  	_ =	shalt  }
0x4c: {  	_ =	shalt  }
0x4d: {  	_ =	shalt  }
0x4e: {  	_ =	shalt  }
0x4f: {  	_ =	shalt  }
0x50: {  	_ =	shalt  }
0x51: {  	_ =	shalt  }
0x52: {  	_ =	shalt  }
0x53: {  	_ =	shalt  }
0x54: {  	_ =	shalt  }
0x55: {  	_ =	shalt  }
0x56: {  	_ =	shalt  }
0x57: {  	_ =	shalt  }
0x58: {  	_ =	shalt  }
0x59: {  	_ =	shalt  }
0x5a: {  	_ =	shalt  }
0x5b: {  	_ =	shalt  }
0x5c: {  	_ =	shalt  }
0x5d: {  	_ =	shalt  }
0x5e: {  	_ =	shalt  }
0x5f: {  	_ =	shalt  }
0x60: {  	_ =	shalt  }
0x61: {  	_ =	shalt  }
0x62: {  	_ =	shalt  }
0x63: {  	_ =	shalt  }
0x64: {  	_ =	shalt  }
0x65: {  	_ =	shalt  }
0x66: {  	_ =	shalt  }
0x67: {  	_ =	shalt  }
0x68: {  	_ =	shalt  }
0x69: {  	_ =	shalt  }
0x6a: {  	_ =	shalt  }
0x6b: {  	_ =	shalt  }
0x6c: {  	_ =	shalt  }
0x6d: {  	_ =	shalt  }
0x6e: {  	_ =	shalt  }
0x6f: {  	_ =	shalt  }
0x70: {  	_ =	shalt  }
0x71: {  	_ =	shalt  }
0x72: {  	_ =	shalt  }
0x73: {  	_ =	shalt  }
0x74: {  	_ =	shalt  }
0x75: {  	_ =	shalt  }
0x76: {  	_ =	shalt  }
0x77: {  	_ =	shalt  }
0x78: {  	_ =	shalt  }
0x79: {  	_ =	shalt  }
0x7a: {  	_ =	shalt  }
0x7b: {  	_ =	shalt  }
0x7c: {  	_ =	shalt  }
0x7d: {  	_ =	shalt  }
0x7e: {  	_ =	shalt  }
0x7f: {  	_ =	shalt  }
0x80: {  	_ =	shalt  }
0x81: {  	_ =	shalt  }
0x82: {  	_ =	shalt  }
0x83: {  	_ =	shalt  }
0x84: {  	_ =	shalt  }
0x85: {  	_ =	shalt  }
0x86: {  	_ =	shalt  }
0x87: {  	_ =	shalt  }
.Lfunc_end0:
.L_simem_size_0:
called_computation.1_lowered:
.L_overlay_start_0:
0x88: {  	s2 =	sld [smem:$0x3FD9]  }
0x89: {  	s3 =	sld [smem:$0x3FFE];
	_ =	sdelay $0x1  }
0x8a: {  	s1 =	srdreg.scid  }
0x8b: {  	s0 =	sand.u32 $0x1, s1  }
0x8c: {  	s14 =	sshll.u32 s0, $0xA;
	s2 =	sadd.s32 s3, s2  }
0x8d: {  	s2 =	sadd.s32 s2, s14  }
0x8e: {  	[smem:$0x3FBB] =	sst s2  }
0x8f: {  	_ = 	snop  }
0x90: {  	s2 =	sld [smem:$0x3FD0];
	_ =	sdelay $0x2  }
0x91: {  	s15 =	simm.s32 $0xA;
	s4 =	simm.s32 $0x10  }
0x92: {  	[smem:s4], [sflag:s15] =	dma.local [hbm:s2], $0x1  }
0x93: {  	_ =	swait.eq [sflag:s15], $0x1  }
0x94: {  	[sflag:s15] =	ssyncset.done $0x0  }
0x95: {  	s16 =	sld [smem:$0x10];
	[sflag:s15] =	ssyncadd.s32 $0xFFFFFFFF  }
0x96: {  	s17 =	sld [smem:$0x11];
	(tm) =	ssettm $0x1  }
0x97: {  	s18 =	sld [smem:$0x3FFB];
	_ =	sdelay $0x3  }
0x98: {  	_ =	strace s18  }
0x99: {  	s4 =	sld [smem:$0x3FFC];
	_ =	sdelay $0x3  }
0x9a: {  	_ =	strace s4  }
0x9b: {  	s4 =	sld [smem:$0x3FFD];
	_ =	sdelay $0x3  }
0x9c: {  	_ =	strace s4  }
0x9d: {  	_ =	strace $0x8FFFFFFF  }
0x9e: {  	s19 =	sld [smem:$0x3FDB];
	_ =	sdelay $0x1  }
0x9f: {  	s5 =	simm.s32 $_scs_section_size  }
0xa0: {  	s6 =	simm.s32 $_size__tile_overlayer_lowered;
	s7 =	simm.s32 $_tile_overlayer_lowered  }
0xa1: {  	s22 =	simm.s32 $0x1BFF;
	s21 =	sshll.u32 s7, $0x1;
	s4 =	sadd.s32 s5, s19  }
0xa2: {  	s8 =	simm.s32 $0x0;
	s20 =	sshll.u32 s6, $0x1;
	s6 =	sadd.s32 s21, s4  }
0xa3: {  	[timem:s8], [sflag:s22] =	dma.local [hbm:s6], s20  }
0xa4: {  	_ =	swait.ge [sflag:s22], s20  }
0xa5: {  	s5 =	ssub.s32 $0x0, s20;
	[sflag:s22] =	ssyncset.done $0x0  }
0xa6: {  	[sflag:s22] =	ssyncadd.s32 s5;
	_ =	sdelay $0x1  }
0xa7: {  	s23 =	simm.s32 $0x1B8B  }
0xa8: {  	_ =	swait.ge [sflag:s23], $0x1  }
0xa9: {  	[sflag:s23] =	ssyncset.done $0x0  }
0xaa: {  	s25 =	simm.s32 $0x1B8E;
	s24 =	sld [smem:$0x3FFE];
	[sflag:s23] =	ssyncadd.s32 $0xFFFFFFFF  }
0xab: {  	s26 =	simm.s32 $execute0_lowered;
	[smem:$0x3FD2] =	sst s25  }
0xac: {  	s6 =	sshll.u32 s26, $0x1;
	_ =	strace $0x80000049;
	[dreg:$0x1] =	wrdreg $0xFFFFFFFF  }
0xad: {  	s28 =	simm.s32 $_size_execute0_lowered;
	s4 =	sadd.s32 s4, s6;
	[dreg:$0x0] =	wrdreg $0x0  }
0xae: {  	s6 =	sshll.u32 s28, $0x1;
	[dreg:$0x2] =	wrdreg s4  }
0xaf: {  	[dreg:$0x3] =	wrdreg s6  }
0xb0: {  	[dreg:$0x4] =	wrdreg $0xC0  }
0xb1: {  	_ =	task [dreg:s8], $0x5FFFF  }
0xb2: {  	[dreg:$0x1] =	wrdreg $0xFFFFFFFF  }
0xb3: {  	[dreg:$0x0] =	wrdreg $0x60  }
0xb4: {  	[dreg:$0x2] =	wrdreg s17  }
0xb5: {  	[dreg:$0x3] =	wrdreg s16  }
0xb6: {  	[dreg:$0x4] =	wrdreg s24  }
0xb7: {  	[dreg:$0x5] =	wrdreg $0x8D000  }
0xb8: {  	[dreg:$0x6] =	wrdreg $0x9  }
0xb9: {  	_ =	task.clear_ibuf [dreg:s8], $0x7FFFF;
	_ =	strace $0x90000049  }
0xba: {  	s29 =	simm.s32 $0x9;
	_ =	strace $0x8000004B  }
0xbb: {  	_ =	swait.ge [sflag:s29], $0x1  }
0xbc: {  	[sflag:s29] =	ssyncadd.s32 $0xFFFFFFFF  }
0xbd: {  	_ =	strace $0x9000004B  }
0xbe: {  	_ =	sfence  }
0xbf: {  	s30 =	sld [smem:$0x0];
	_ =	sdelay $0x2  }
0xc0: {  	s31 =	sshll.u32 s1, $0xD;
	s1 =	sshrl.u32 s1, $0x2  }
0xc1: {  	s3 =	sand.u32 $0x4000, s31;
	s1 =	sadd.s32 s1, s30  }
0xc2: {  	s0 =	sor.u32 s3, s0;
	s1 =	sshll.u32 s1, $0x11  }
0xc3: {  	s0 =	sor.u32 s1, s0  }
0xc4: {  	s0 =	sadd.s32 $0x8F2B, s0  }
0xc5: {  	[sflag:s0] =	ssyncadd.remote.s32 $0x1  }
0xc6: {  	_ =	sfence.sel $0xFFFF  }
0xc7: {  	[dreg:$0x0] =	wrdreg $0xFFFFFFFF;
	(pc) =	sbr.abs _section_cstart, $3  }
0xc8: {  	[dreg:$0x1] =	wrdreg $0xFFFFFFFF  }
0xc9: {  	_ =	task.clear_ibuf [dreg:s8], $0x2FFFF;
	_ =	strace $0x9FFFFFFF  }
0xca: {  	(tm) =	ssettm $0x7FFFFFFF  }
0xcb: {  	_ =	shalt  }
tec
execute0_lowered:
.L_overlay_start_1:
0x0: {  	(tag) =	ssettag $0x1  }
0x1: {  	s1 =	rddreg [dreg:$0x0]  }
0x2: {  	s0 =	rddreg [dreg:$0x1]  }
0x3: {  	s2 =	rddreg [dreg:$0x2]  }
0x4: {  	s3 =	rddreg [dreg:$0x3];
	s5 =	srdreg.scid  }
0x5: {  	s13 =	stileid.u32;
	s4 =	simm.s32 $0x0;
	s29 =	simm.s32 $0x180  }
0x6: {  	s30 =	simm.s32 $0x380;
	s5 =	sand.u32 $0x1, s5;
	s6 =	sshll.u32 s13, $0x1  }
0x7: {  	[smem:$0x7FF] =	sst s4;
	s7 =	smul.u32 $0x280, s13;
	s10 =	sadd.s32 $0x3200, s2  }
0x8: {  	s11 =	sadd.s32 $0x16A00, s2;
	s24 =	smul.u32 $0x50000, s13;
	s6 =	sor.u32 s5, s6  }
0x9: {  	_ =	strace $0x8000004A;
	[dreg:$0x5] =	wrdreg s11;
	s23 =	ssub.s32 $0x2, s5  }
0xa: {  	s8 =	sshll.u32 s6, $0x4;
	s6 =	smul.u32 $0x9C0, s6;
	s26 =	sshrl.u32 s24, $0x2  }
0xb: {  	s12 =	sshrl.u32 s23, $0x1;
	s8 =	sadd.s32 s8, s2;
	s20 =	sadd.s32 s26, s3  }
0xc: {  	s25 =	ssub.s32 s23, s12;
	s11 =	sadd.s32 s0, s6;
	[dreg:$0x6] =	wrdreg s20  }
0xd: {  	s12 =	sor.u32 $0x10, s6;
	s6 =	sadd.s32 s10, s6;
	[dreg:$0x7] =	wrdreg s11  }
0xe: {  	s9 =	smul.u32 $0x2800, s5;
	s16 =	sadd.s32 $0x3000, s8;
	[dreg:$0x8] =	wrdreg s6  }
0xf: {  	s18 =	smul.u32 $0x1380, s13;
	s17 =	sadd.s32 $0x2E00, s8;
	[dreg:$0xb] =	wrdreg s16  }
0x10: {  	s7 =	sadd.s32 s7, s9;
	s14 =	sadd.s32 s0, s12;
	[dreg:$0xc] =	wrdreg s17  }
0x11: {  	s7 =	sshll.u32 s7, $0x4;
	s15 =	sadd.s32 s10, s12;
	[dreg:$0x9] =	wrdreg s14  }
0x12: {  	s2 =	sadd.s32 s7, s2;
	s7 =	smax.u32 s25, $0x1;
	[dreg:$0xa] =	wrdreg s15  }
0x13: {  	s11 =	sadd.s32 s18, s0;
	s17 =	sadd.s32 $0x2000, s20;
	[dreg:$0xd] =	wrdreg s7  }
0x14: {  	s6 =	sadd.s32 s18, s10;
	s18 =	sadd.s32 $0x4000, s20;
	[dreg:$0x1a] =	wrdreg s17  }
0x15: {  	s31 =	simm.s32 $0xC;
	s19 =	sadd.s32 $0x17400, s2;
	[dreg:$0x1b] =	wrdreg s18  }
0x16: {  	s21 =	smul.u32 $0x138, s13;
	s22 =	sadd.s32 $0x17800, s2;
	[dreg:$0xe] =	wrdreg s19  }
0x17: {  	s24 =	smul.u32 $0x9C, s5;
	s23 =	sadd.s32 $0x17C00, s2;
	[dreg:$0xf] =	wrdreg s22  }
0x18: {  	s5 =	smul.u32 $0x9C0, s5;
	s25 =	sadd.s32 $0x18000, s2;
	[dreg:$0x10] =	wrdreg s23  }
0x19: {  	s9 =	simm.s32 $0x9;
	s26 =	sadd.s32 $0x18400, s2;
	[dreg:$0x11] =	wrdreg s25  }
0x1a: {  	s7 =	sadd.s32 s24, s21;
	s8 =	sadd.s32 s5, s11;
	[dreg:$0x12] =	wrdreg s26  }
0x1b: {  	s5 =	sadd.s32 s5, s6;
	s13 =	sadd.s32 $0x18800, s2;
	[dreg:$0x13] =	wrdreg s8  }
0x1c: {  	s14 =	sadd.s32 $0x18C00, s2;
	s15 =	sadd.s32 $0x19000, s2;
	[dreg:$0x14] =	wrdreg s5  }
0x1d: {  	s16 =	sadd.s32 $0x19400, s2;
	s2 =	sadd.s32 $0x19800, s2;
	[dreg:$0x15] =	wrdreg s13  }
0x1e: {  	s21 =	sadd.s32 $0x8000, s20;
	s24 =	sadd.s32 $0xE000, s20;
	[dreg:$0x16] =	wrdreg s14  }
0x1f: {  	s11 =	sadd.s32 $0x12000, s20;
	s17 =	simm.s32 $0xA;
	[dreg:$0x17] =	wrdreg s15  }
0x20: {  	s18 =	simm.s32 $0x2400;
	s6 =	simm.s32 $0x0;
	[dreg:$0x18] =	wrdreg s16  }
0x21: {  	s12 =	sshll.u32 s7, $0x4;
	[dreg:$0x19] =	wrdreg s2;
	s19 =	sadd.s32 $0x6000, s20  }
0x22: {  	[dreg:$0x1d] =	wrdreg s21;
	s22 =	sadd.s32 $0xA000, s20;
	s23 =	sadd.s32 $0xC000, s20  }
0x23: {  	[smem:$0x7FA] =	sst s24;
	s25 =	sadd.s32 $0x10000, s20;
	s13 =	simm.s32 $0x200  }
0x24: {  	s14 =	simm.s32 $0x40;
	s15 =	simm.s32 $0x80;
	[smem:$0x7FC] =	sst s6  }
0x25: {  	s16 =	simm.s32 $0x280;
	s21 =	simm.s32 $0x100;
	[smem:$0x7FD] =	sst s11  }
0x26: {  	s24 =	simm.s32 $0x4400;
	s2 =	simm.s32 $0x3;
	[dreg:$0x1c] =	wrdreg s19  }
0x27: {  	s7 =	simm.s32 $0x5;
	s8 =	simm.s32 $0x6;
	[dreg:$0x1e] =	wrdreg s22  }
.Ltmp0:
0x28: {  	s0 =	sadd.s32 s12, s0;
	[dreg:$0x1f] =	wrdreg s23;
	(pc) =	sbr.rel .LBB2_1-.Ltmp0, $4  }
0x29: {  	s5 =	sadd.s32 s12, s10;
	[smem:$0x7FB] =	sst s25;
	s10 =	simm.s32 $0x400  }
0x2a: {  	s19 =	simm.s32 $0xD;
	s12 =	simm.s32 $0x1;
	s22 =	simm.s32 $0x300  }
0x2b: {  	s23 =	simm.s32 $0xB;
	s25 =	simm.s32 $0x2;
	s26 =	sadd.s32 $0x30, s0  }
0x2c: {  	s28 =	sadd.s32 $0x30, s5;
	s0 =	simm.s32 $0x6400;
	s5 =	simm.s32 $0x4  }
.LBB2_4:
0x2d: {  	_ =	swait.ge [sflag:s5], $0x2000  }
0x2e: {  	[sflag:s5] =	ssyncset.done $0x0  }
0x2f: {  	[sflag:s5] =	ssyncadd.s32 $0xFFFFE000  }
0x30: {  	[spmem:s3] =	stream.indirect.scatter.add.f32 [tilespmem:s0], [sflag:$0x8], $0x80, s30, s14, $0xb8;
	[tilespmem:$0x1CD00] =	vst v63  }
0x31: {  	s11 =	simm.s32 $0x8400;
	s19 =	simm.s32 $0xD;
	s6 =	rddreg [dreg:$0xb]  }
0x32: {  	[tilespmem:s11], [sflag:$0xD] =	stream.linear.gather [hbm4b:s6+s4], $0x80, $0x38;
	[tilespmem:$0x1CD00] =	vst v63  }
0x33: {  	_ =	swait.ge [sflag:s19], $0x80  }
0x34: {  	[sflag:s19] =	ssyncset.done $0x0  }
0x35: {  	s20 =	simm.s32 $0x8480;
	s11 =	rddreg [dreg:$0xc];
	[sflag:s19] =	ssyncadd.s32 $0xFFFFFF80  }
0x36: {  	[tilespmem:s20], [sflag:$0xD] =	stream.linear.gather [hbm4b:s11+s4], $0x80, $0x38;
	[tilespmem:$0x1CD00] =	vst v63  }
0x37: {  	_ =	swait.ge [sflag:s19], $0x80  }
0x38: {  	s6 =	simm.s32 $0x10;
	[sflag:s19] =	ssyncset.done $0x0  }
0x39: {  	s11 =	simm.s32 $0x8500;
	s20 =	simm.s32 $0x8400;
	[sflag:s19] =	ssyncadd.s32 $0xFFFFFF80  }
0x3a: {  	[tilespmem:s11], [sflag:$0xD] =	stream.indirect.gather [hbm4b:s1+s6], $0x80, s20, s6, $0xb8;
	[tilespmem:$0x1CD00] =	vst v63  }
0x3b: {  	_ =	swait.ge [sflag:s19], $0x800  }
0x3c: {  	[sflag:s19] =	ssyncset.done $0x0  }
0x3d: {  	s20 =	simm.s32 $0x8480;
	[sflag:s19] =	ssyncadd.s32 $0xFFFFF800  }
0x3e: {  	[spmem:s3] =	stream.indirect.scatter.add.f32 [tilespmem:s11], [sflag:$0xD], $0x80, s20, s6, $0xb8;
	[tilespmem:$0x1CD00] =	vst v63  }
0x3f: {  	_ =	swait.ge [sflag:s19], $0x800  }
0x40: {  	[sflag:s19] =	ssyncset.done $0x0  }
0x41: {  	[sflag:s19] =	ssyncadd.s32 $0xFFFFF800  }
0x42: {  	_ =	swait.ge [sflag:s7], $0x2000  }
0x43: {  	[sflag:s7] =	ssyncset.done $0x0  }
0x44: {  	[sflag:s7] =	ssyncadd.s32 $0xFFFFE000  }
0x45: {  	_ =	swait.ge [sflag:s8], $0x2000  }
0x46: {  	[sflag:s8] =	ssyncset.done $0x0  }
0x47: {  	s20 =	simm.s32 $0x7;
	[sflag:s8] =	ssyncadd.s32 $0xFFFFE000  }
0x48: {  	_ =	swait.ge [sflag:s20], $0x2000  }
0x49: {  	[sflag:s20] =	ssyncset.done $0x0  }
0x4a: {  	s11 =	simm.s32 $0x8;
	[sflag:s20] =	ssyncadd.s32 $0xFFFFE000  }
0x4b: {  	_ =	swait.ge [sflag:s11], $0x2000  }
0x4c: {  	[sflag:s11] =	ssyncset.done $0x0  }
0x4d: {  	[sflag:s11] =	ssyncadd.s32 $0xFFFFE000  }
0x4e: {  	[bflag:$0x0] =	sbarrier.arrive $0xFFFF  }
0x4f: {  	s20 =	rddreg [dreg:$0x6]  }
0x50: {  	[tilespmem:s10], [sflag:$0xD] =	stream.linear.gather [spmem:s20], $0x2000, $0x38;
	[tilespmem:$0x1CD00] =	vst v63  }
0x51: {  	_ =	swait.ge [sflag:s19], $0x2000  }
0x52: {  	[sflag:s19] =	ssyncset.done $0x0  }
0x53: {  	s11 =	rddreg [dreg:$0xe];
	[sflag:s19] =	ssyncadd.s32 $0xFFFFE000  }
0x54: {  	[hbm4b:s11+s4] =	stream.linear.scatter [tilespmem:s10], [sflag:$0x1], $0x2000, $0x38;
	[tilespmem:$0x1CD00] =	vst v63  }
0x55: {  	s20 =	rddreg [dreg:$0x1a]  }
0x56: {  	[tilespmem:s18], [sflag:$0xD] =	stream.linear.gather [spmem:s20], $0x2000, $0x38;
	[tilespmem:$0x1CD00] =	vst v63  }
0x57: {  	_ =	swait.ge [sflag:s19], $0x2000  }
0x58: {  	[sflag:s19] =	ssyncset.done $0x0  }
0x59: {  	s11 =	rddreg [dreg:$0xf];
	[sflag:s19] =	ssyncadd.s32 $0xFFFFE000  }
0x5a: {  	[hbm4b:s11+s4] =	stream.linear.scatter [tilespmem:s18], [sflag:$0x2], $0x2000, $0x38;
	[tilespmem:$0x1CD00] =	vst v63  }
0x5b: {  	_ =	swait.ge [sflag:s12], $0x2000  }
0x5c: {  	[sflag:s12] =	ssyncset.done $0x0  }
0x5d: {  	[sflag:s12] =	ssyncadd.s32 $0xFFFFE000  }
0x5e: {  	_ =	swait.ge [sflag:s25], $0x2000  }
0x5f: {  	[sflag:s25] =	ssyncset.done $0x0  }
0x60: {  	s20 =	rddreg [dreg:$0x1b];
	[sflag:s25] =	ssyncadd.s32 $0xFFFFE000  }
0x61: {  	[tilespmem:s10], [sflag:$0xD] =	stream.linear.gather [spmem:s20], $0x2000, $0x38;
	[tilespmem:$0x1CD00] =	vst v63  }
0x62: {  	_ =	swait.ge [sflag:s19], $0x2000  }
0x63: {  	[sflag:s19] =	ssyncset.done $0x0  }
0x64: {  	s11 =	rddreg [dreg:$0x10];
	[sflag:s19] =	ssyncadd.s32 $0xFFFFE000  }
0x65: {  	[hbm4b:s11+s4] =	stream.linear.scatter [tilespmem:s10], [sflag:$0x1], $0x2000, $0x38;
	[tilespmem:$0x1CD00] =	vst v63  }
0x66: {  	s20 =	rddreg [dreg:$0x1c]  }
0x67: {  	[tilespmem:s18], [sflag:$0xD] =	stream.linear.gather [spmem:s20], $0x2000, $0x38;
	[tilespmem:$0x1CD00] =	vst v63  }
0x68: {  	_ =	swait.ge [sflag:s19], $0x2000  }
0x69: {  	[sflag:s19] =	ssyncset.done $0x0  }
0x6a: {  	s11 =	rddreg [dreg:$0x11];
	[sflag:s19] =	ssyncadd.s32 $0xFFFFE000  }
0x6b: {  	[hbm4b:s11+s4] =	stream.linear.scatter [tilespmem:s18], [sflag:$0x2], $0x2000, $0x38;
	[tilespmem:$0x1CD00] =	vst v63  }
0x6c: {  	_ =	swait.ge [sflag:s12], $0x2000  }
0x6d: {  	[sflag:s12] =	ssyncset.done $0x0  }
0x6e: {  	[sflag:s12] =	ssyncadd.s32 $0xFFFFE000  }
0x6f: {  	_ =	swait.ge [sflag:s25], $0x2000  }
0x70: {  	[sflag:s25] =	ssyncset.done $0x0  }
0x71: {  	s20 =	rddreg [dreg:$0x1d];
	[sflag:s25] =	ssyncadd.s32 $0xFFFFE000  }
0x72: {  	[tilespmem:s10], [sflag:$0xD] =	stream.linear.gather [spmem:s20], $0x2000, $0x38;
	[tilespmem:$0x1CD00] =	vst v63  }
0x73: {  	_ =	swait.ge [sflag:s19], $0x2000  }
0x74: {  	[sflag:s19] =	ssyncset.done $0x0  }
0x75: {  	s11 =	rddreg [dreg:$0x12];
	[sflag:s19] =	ssyncadd.s32 $0xFFFFE000  }
0x76: {  	[hbm4b:s11+s4] =	stream.linear.scatter [tilespmem:s10], [sflag:$0x1], $0x2000, $0x38;
	[tilespmem:$0x1CD00] =	vst v63  }
0x77: {  	s20 =	rddreg [dreg:$0x1e]  }
0x78: {  	[tilespmem:s18], [sflag:$0xD] =	stream.linear.gather [spmem:s20], $0x2000, $0x38;
	[tilespmem:$0x1CD00] =	vst v63  }
0x79: {  	_ =	swait.ge [sflag:s19], $0x2000  }
0x7a: {  	[sflag:s19] =	ssyncset.done $0x0  }
0x7b: {  	s11 =	rddreg [dreg:$0x15];
	[sflag:s19] =	ssyncadd.s32 $0xFFFFE000  }
0x7c: {  	[hbm4b:s11+s4] =	stream.linear.scatter [tilespmem:s18], [sflag:$0x2], $0x2000, $0x38;
	[tilespmem:$0x1CD00] =	vst v63  }
0x7d: {  	_ =	swait.ge [sflag:s12], $0x2000  }
0x7e: {  	[sflag:s12] =	ssyncset.done $0x0  }
0x7f: {  	[sflag:s12] =	ssyncadd.s32 $0xFFFFE000  }
0x80: {  	_ =	swait.ge [sflag:s25], $0x2000  }
0x81: {  	[sflag:s25] =	ssyncset.done $0x0  }
0x82: {  	s20 =	rddreg [dreg:$0x1f];
	[sflag:s25] =	ssyncadd.s32 $0xFFFFE000  }
0x83: {  	[tilespmem:s10], [sflag:$0xD] =	stream.linear.gather [spmem:s20], $0x2000, $0x38;
	[tilespmem:$0x1CD00] =	vst v63  }
0x84: {  	_ =	swait.ge [sflag:s19], $0x2000  }
0x85: {  	[sflag:s19] =	ssyncset.done $0x0;
	s11 =	rddreg [dreg:$0x16]  }
0x86: {  	s20 =	sld [smem:$0x7FA];
	[sflag:s19] =	ssyncadd.s32 $0xFFFFE000  }
0x87: {  	[hbm4b:s11+s4] =	stream.linear.scatter [tilespmem:s10], [sflag:$0x1], $0x2000, $0x38;
	[tilespmem:$0x1CD00] =	vst v63  }
0x88: {  	_ = 	snop  }
0x89: {  	[tilespmem:s18], [sflag:$0xD] =	stream.linear.gather [spmem:s20], $0x2000, $0x38;
	[tilespmem:$0x1CD00] =	vst v63  }
0x8a: {  	_ =	swait.ge [sflag:s19], $0x2000  }
0x8b: {  	[sflag:s19] =	ssyncset.done $0x0  }
0x8c: {  	s11 =	rddreg [dreg:$0x17];
	[sflag:s19] =	ssyncadd.s32 $0xFFFFE000  }
0x8d: {  	[hbm4b:s11+s4] =	stream.linear.scatter [tilespmem:s18], [sflag:$0x2], $0x2000, $0x38;
	[tilespmem:$0x1CD00] =	vst v63  }
0x8e: {  	_ =	swait.ge [sflag:s12], $0x2000  }
0x8f: {  	[sflag:s12] =	ssyncset.done $0x0  }
0x90: {  	[sflag:s12] =	ssyncadd.s32 $0xFFFFE000  }
0x91: {  	_ =	swait.ge [sflag:s25], $0x2000  }
0x92: {  	s20 =	sld [smem:$0x7FB]  }
0x93: {  	[sflag:s25] =	ssyncset.done $0x0  }
0x94: {  	[sflag:s25] =	ssyncadd.s32 $0xFFFFE000  }
0x95: {  	[tilespmem:s10], [sflag:$0xD] =	stream.linear.gather [spmem:s20], $0x2000, $0x38;
	[tilespmem:$0x1CD00] =	vst v63  }
0x96: {  	_ =	swait.ge [sflag:s19], $0x2000  }
0x97: {  	[sflag:s19] =	ssyncset.done $0x0  }
0x98: {  	s11 =	rddreg [dreg:$0x18];
	[sflag:s19] =	ssyncadd.s32 $0xFFFFE000  }
0x99: {  	[hbm4b:s11+s4] =	stream.linear.scatter [tilespmem:s10], [sflag:$0x1], $0x2000, $0x38;
	[tilespmem:$0x1CD00] =	vst v63  }
0x9a: {  	s11 =	sld [smem:$0x7FD];
	_ =	sdelay $0x2  }
0x9b: {  	[tilespmem:s18], [sflag:$0xD] =	stream.linear.gather [spmem:s11], $0x2000, $0x38;
	[tilespmem:$0x1CD00] =	vst v63  }
0x9c: {  	_ =	swait.ge [sflag:s19], $0x2000  }
0x9d: {  	[sflag:s19] =	ssyncset.done $0x0  }
0x9e: {  	s20 =	rddreg [dreg:$0x19];
	[sflag:s19] =	ssyncadd.s32 $0xFFFFE000  }
0x9f: {  	[hbm4b:s20+s4] =	stream.linear.scatter [tilespmem:s18], [sflag:$0x2], $0x2000, $0x38;
	[tilespmem:$0x1CD00] =	vst v63  }
0xa0: {  	_ =	swait.ge [sflag:s12], $0x2000  }
0xa1: {  	[sflag:s12] =	ssyncset.done $0x0  }
0xa2: {  	[sflag:s12] =	ssyncadd.s32 $0xFFFFE000  }
0xa3: {  	_ =	swait.ge [sflag:s25], $0x2000  }
0xa4: {  	s6 =	sld [smem:$0x7FC];
	_ =	sdelay $0x2  }
0xa5: {  	s20 =	sadd.s32 $0x1, s6;
	s6 =	rddreg [dreg:$0xd]  }
0xa6: {  	p0 =	sne.s32 s20, s6  }
.Ltmp1:
0xa7: {  	_ = 	snop;
	(pc) =	sbr.rel @!p0 .LBB2_5-.Ltmp1, $3  }
0xa8: {  	_ =	sdelay $0x1  }
0xa9: {  	[sflag:s25] =	ssyncset.done $0x0;
	[smem:$0x7FC] =	sst s20  }
0xaa: {  	[sflag:s25] =	ssyncadd.s32 $0xFFFFE000;
	s20 =	rddreg [dreg:$0x6]  }
.LBB2_1:
0xab: {  	s6 =	rddreg [dreg:$0x5]  }
0xac: {  	[tilespmem:s10], [sflag:$0xD] =	stream.linear.gather [hbm4b:s6+s4], $0x2000, $0x38;
	[tilespmem:$0x1CD00] =	vst v63  }
0xad: {  	_ =	swait.ge [sflag:s19], $0x2000  }
0xae: {  	[sflag:s19] =	ssyncset.done $0x0  }
0xaf: {  	[sflag:s19] =	ssyncadd.s32 $0xFFFFE000  }
0xb0: {  	[spmem:s20] =	stream.linear.scatter [tilespmem:s10], [sflag:$0x1], $0x2000, $0x38;
	[tilespmem:$0x1CD00] =	vst v63  }
0xb1: {  	s20 =	rddreg [dreg:$0x1a]  }
0xb2: {  	[spmem:s20] =	stream.linear.scatter [tilespmem:s10], [sflag:$0x1], $0x2000, $0x38;
	[tilespmem:$0x1CD00] =	vst v63  }
0xb3: {  	s20 =	rddreg [dreg:$0x1b]  }
0xb4: {  	[spmem:s20] =	stream.linear.scatter [tilespmem:s10], [sflag:$0x1], $0x2000, $0x38;
	[tilespmem:$0x1CD00] =	vst v63  }
0xb5: {  	s20 =	rddreg [dreg:$0x1c]  }
0xb6: {  	[spmem:s20] =	stream.linear.scatter [tilespmem:s10], [sflag:$0x1], $0x2000, $0x38;
	[tilespmem:$0x1CD00] =	vst v63  }
0xb7: {  	s20 =	rddreg [dreg:$0x1d]  }
0xb8: {  	[spmem:s20] =	stream.linear.scatter [tilespmem:s10], [sflag:$0x1], $0x2000, $0x38;
	[tilespmem:$0x1CD00] =	vst v63  }
0xb9: {  	s20 =	rddreg [dreg:$0x1e]  }
0xba: {  	[spmem:s20] =	stream.linear.scatter [tilespmem:s10], [sflag:$0x1], $0x2000, $0x38;
	[tilespmem:$0x1CD00] =	vst v63  }
0xbb: {  	s20 =	rddreg [dreg:$0x1f]  }
0xbc: {  	[spmem:s20] =	stream.linear.scatter [tilespmem:s10], [sflag:$0x1], $0x2000, $0x38;
	[tilespmem:$0x1CD00] =	vst v63  }
0xbd: {  	s20 =	sld [smem:$0x7FA];
	_ =	sdelay $0x2  }
0xbe: {  	[spmem:s20] =	stream.linear.scatter [tilespmem:s10], [sflag:$0x1], $0x2000, $0x38;
	[tilespmem:$0x1CD00] =	vst v63  }
0xbf: {  	s20 =	sld [smem:$0x7FB];
	_ =	sdelay $0x2  }
0xc0: {  	[spmem:s20] =	stream.linear.scatter [tilespmem:s10], [sflag:$0x1], $0x2000, $0x38;
	[tilespmem:$0x1CD00] =	vst v63  }
0xc1: {  	_ = 	snop  }
0xc2: {  	[spmem:s11] =	stream.linear.scatter [tilespmem:s10], [sflag:$0x1], $0x2000, $0x38;
	[tilespmem:$0x1CD00] =	vst v63  }
0xc3: {  	_ =	swait.ge [sflag:s12], $0x2000  }
0xc4: {  	[sflag:s12] =	ssyncset.done $0x0  }
0xc5: {  	[sflag:s12] =	ssyncadd.s32 $0xFFFFE000  }
0xc6: {  	_ =	swait.ge [sflag:s12], $0x2000  }
0xc7: {  	[sflag:s12] =	ssyncset.done $0x0  }
0xc8: {  	[sflag:s12] =	ssyncadd.s32 $0xFFFFE000  }
0xc9: {  	_ =	swait.ge [sflag:s12], $0x2000  }
0xca: {  	[sflag:s12] =	ssyncset.done $0x0  }
0xcb: {  	[sflag:s12] =	ssyncadd.s32 $0xFFFFE000  }
0xcc: {  	_ =	swait.ge [sflag:s12], $0x2000  }
0xcd: {  	[sflag:s12] =	ssyncset.done $0x0  }
0xce: {  	[sflag:s12] =	ssyncadd.s32 $0xFFFFE000  }
0xcf: {  	_ =	swait.ge [sflag:s12], $0x2000  }
0xd0: {  	[sflag:s12] =	ssyncset.done $0x0  }
0xd1: {  	[sflag:s12] =	ssyncadd.s32 $0xFFFFE000  }
0xd2: {  	_ =	swait.ge [sflag:s12], $0x2000  }
0xd3: {  	[sflag:s12] =	ssyncset.done $0x0  }
0xd4: {  	[sflag:s12] =	ssyncadd.s32 $0xFFFFE000  }
0xd5: {  	_ =	swait.ge [sflag:s12], $0x2000  }
0xd6: {  	[sflag:s12] =	ssyncset.done $0x0  }
0xd7: {  	[sflag:s12] =	ssyncadd.s32 $0xFFFFE000  }
0xd8: {  	_ =	swait.ge [sflag:s12], $0x2000  }
0xd9: {  	[sflag:s12] =	ssyncset.done $0x0  }
0xda: {  	[sflag:s12] =	ssyncadd.s32 $0xFFFFE000  }
0xdb: {  	_ =	swait.ge [sflag:s12], $0x2000  }
0xdc: {  	[sflag:s12] =	ssyncset.done $0x0  }
0xdd: {  	[sflag:s12] =	ssyncadd.s32 $0xFFFFE000  }
0xde: {  	_ =	swait.ge [sflag:s12], $0x2000  }
0xdf: {  	[sflag:s12] =	ssyncset.done $0x0  }
0xe0: {  	[sflag:s12] =	ssyncadd.s32 $0xFFFFE000  }
0xe1: {  	[bflag:$0x0] =	sbarrier.arrive $0xFFFF  }
0xe2: {  	s20 =	rddreg [dreg:$0x7]  }
0xe3: {  	[tilespmem:s4], [sflag:$0xD] =	stream.linear.gather [hbm4b:s20+s4], $0x80, $0x38;
	[tilespmem:$0x1CD00] =	vst v63  }
0xe4: {  	_ =	swait.ge [sflag:s19], $0x80  }
0xe5: {  	[sflag:s19] =	ssyncset.done $0x0  }
0xe6: {  	s11 =	rddreg [dreg:$0x8];
	[sflag:s19] =	ssyncadd.s32 $0xFFFFFF80  }
0xe7: {  	[tilespmem:s13], [sflag:$0xD] =	stream.linear.gather [hbm4b:s11+s4], $0x80, $0x38;
	[tilespmem:$0x1CD00] =	vst v63  }
0xe8: {  	_ =	swait.ge [sflag:s19], $0x80  }
0xe9: {  	[sflag:s19] =	ssyncset.done $0x0  }
0xea: {  	[sflag:s19] =	ssyncadd.s32 $0xFFFFFF80  }
0xeb: {  	[tilespmem:s10], [sflag:$0x1] =	stream.indirect.gather [hbm4b:s1+s14], $0x80, s4, s14, $0xb8;
	[tilespmem:$0x1CD00] =	vst v63  }
0xec: {  	s19 =	rddreg [dreg:$0x9]  }
0xed: {  	[tilespmem:s15], [sflag:$0xA] =	stream.linear.gather [hbm4b:s19+s4], $0x80, $0x38;
	[tilespmem:$0x1CD00] =	vst v63  }
0xee: {  	s6 =	simm.s32 $0x0;
	s20 =	rddreg [dreg:$0xa]  }
0xef: {  	[tilespmem:s16], [sflag:$0xA] =	stream.linear.gather [hbm4b:s20+s4], $0x80, $0x38;
	[tilespmem:$0x1CD00] =	vst v63  }
.LBB2_2:
0xf0: {  	_ =	swait.ge [sflag:s17], $0x80  }
0xf1: {  	[sflag:s17] =	ssyncset.done $0x0  }
0xf2: {  	[sflag:s17] =	ssyncadd.s32 $0xFFFFFF80  }
0xf3: {  	_ =	swait.ge [sflag:s17], $0x80  }
0xf4: {  	[sflag:s17] =	ssyncset.done $0x0  }
0xf5: {  	[sflag:s17] =	ssyncadd.s32 $0xFFFFFF80  }
0xf6: {  	[tilespmem:s18], [sflag:$0x2] =	stream.indirect.gather [hbm4b:s1+s14], $0x80, s15, s14, $0xb8;
	[tilespmem:$0x1CD00] =	vst v63  }
0xf7: {  	_ =	swait.ge [sflag:s12], $0x2000  }
0xf8: {  	p0 =	seq.s32 s6, $0x0;
	[sflag:s12] =	ssyncset.done $0x0  }
0xf9: {  	s19 =	simm.s32 @!p0 $0x7;
	[sflag:s12] =	ssyncadd.s32 $0xFFFFE000  }
0xfa: {  	[spmem:s3] =	stream.indirect.scatter.add.f32 [tilespmem:s10], [sflag:$0x5], $0x80, s13, s14, $0xb8;
	[tilespmem:$0x1CD00] =	vst v63  }
0xfb: {  	_ =	swait.ge @!p0 [sflag:s19], $0x2000  }
0xfc: {  	s11 =	rddreg [dreg:$0x13]  }
0xfd: {  	[sflag:s19] =	ssyncset.done @!p0 $0x0;
	s11 =	sadd.s32 s6, s11  }
0xfe: {  	[sflag:s19] =	ssyncadd.s32 @!p0 $0xFFFFE000;
	s20 =	sadd.s32 $0x20, s11  }
0xff: {  	[tilespmem:s21], [sflag:$0xB] =	stream.linear.gather [hbm4b:s20+s4], $0x80, $0x38;
	[tilespmem:$0x1CD00] =	vst v63  }
0x100: {  	s20 =	rddreg [dreg:$0x14]  }
0x101: {  	s19 =	sadd.s32 s6, s20  }
0x102: {  	s20 =	sadd.s32 $0x20, s19  }
0x103: {  	[tilespmem:s22], [sflag:$0xB] =	stream.linear.gather [hbm4b:s20+s4], $0x80, $0x38;
	[tilespmem:$0x1CD00] =	vst v63  }
0x104: {  	_ =	swait.ge [sflag:s23], $0x80  }
0x105: {  	[sflag:s23] =	ssyncset.done $0x0  }
0x106: {  	[sflag:s23] =	ssyncadd.s32 $0xFFFFFF80  }
0x107: {  	_ =	swait.ge [sflag:s23], $0x80  }
0x108: {  	[sflag:s23] =	ssyncset.done $0x0  }
0x109: {  	[sflag:s23] =	ssyncadd.s32 $0xFFFFFF80  }
0x10a: {  	[tilespmem:s24], [sflag:$0x3] =	stream.indirect.gather [hbm4b:s1+s14], $0x80, s21, s14, $0xb8;
	[tilespmem:$0x1CD00] =	vst v63  }
0x10b: {  	_ =	swait.ge [sflag:s25], $0x2000  }
0x10c: {  	[sflag:s25] =	ssyncset.done $0x0  }
0x10d: {  	s20 =	simm.s32 @!p0 $0x8;
	[sflag:s25] =	ssyncadd.s32 $0xFFFFE000  }
0x10e: {  	[spmem:s3] =	stream.indirect.scatter.add.f32 [tilespmem:s18], [sflag:$0x6], $0x80, s16, s14, $0xb8;
	[tilespmem:$0x1CD00] =	vst v63  }
0x10f: {  	_ =	swait.ge @!p0 [sflag:s20], $0x2000  }
0x110: {  	[sflag:s20] =	ssyncset.done @!p0 $0x0  }
0x111: {  	[sflag:s20] =	ssyncadd.s32 @!p0 $0xFFFFE000;
	s20 =	sadd.s32 s6, s26  }
0x112: {  	[tilespmem:s29], [sflag:$0xC] =	stream.linear.gather [hbm4b:s20+s4], $0x80, $0x38;
	[tilespmem:$0x1CD00] =	vst v63  }
0x113: {  	s20 =	sadd.s32 s6, s28  }
0x114: {  	[tilespmem:s30], [sflag:$0xC] =	stream.linear.gather [hbm4b:s20+s4], $0x80, $0x38;
	[tilespmem:$0x1CD00] =	vst v63  }
0x115: {  	_ =	swait.ge [sflag:s31], $0x80  }
0x116: {  	[sflag:s31] =	ssyncset.done $0x0  }
0x117: {  	[sflag:s31] =	ssyncadd.s32 $0xFFFFFF80  }
0x118: {  	_ =	swait.ge [sflag:s31], $0x80  }
0x119: {  	[sflag:s31] =	ssyncset.done $0x0  }
0x11a: {  	p0 =	seq.s32 s6, $0x980;
	[sflag:s31] =	ssyncadd.s32 $0xFFFFFF80  }
0x11b: {  	[tilespmem:s0], [sflag:$0x4] =	stream.indirect.gather [hbm4b:s1+s14], $0x80, s29, s14, $0xb8;
	[tilespmem:$0x1CD00] =	vst v63  }
.Ltmp2:
0x11c: {  	_ = 	snop;
	(pc) =	sbr.rel @p0 .LBB2_4-.Ltmp2, $4  }
0x11d: {  	_ =	swait.ge [sflag:s2], $0x2000  }
0x11e: {  	[sflag:s2] =	ssyncset.done $0x0  }
0x11f: {  	[sflag:s2] =	ssyncadd.s32 $0xFFFFE000  }
0x120: {  	[spmem:s3] =	stream.indirect.scatter.add.f32 [tilespmem:s24], [sflag:$0x7], $0x80, s22, s14, $0xb8;
	[tilespmem:$0x1CD00] =	vst v63  }
0x121: {  	_ =	swait.ge [sflag:s7], $0x2000  }
0x122: {  	[sflag:s7] =	ssyncset.done $0x0  }
0x123: {  	s20 =	sadd.s32 $0x40, s11;
	[sflag:s7] =	ssyncadd.s32 $0xFFFFE000  }
0x124: {  	[tilespmem:s4], [sflag:$0x9] =	stream.linear.gather [hbm4b:s20+s4], $0x80, $0x38;
	[tilespmem:$0x1CD00] =	vst v63  }
0x125: {  	s20 =	sadd.s32 $0x40, s19  }
0x126: {  	[tilespmem:s13], [sflag:$0x9] =	stream.linear.gather [hbm4b:s20+s4], $0x80, $0x38;
	[tilespmem:$0x1CD00] =	vst v63  }
0x127: {  	_ =	swait.ge [sflag:s9], $0x80  }
0x128: {  	[sflag:s9] =	ssyncset.done $0x0  }
0x129: {  	[sflag:s9] =	ssyncadd.s32 $0xFFFFFF80  }
0x12a: {  	_ =	swait.ge [sflag:s9], $0x80  }
0x12b: {  	[sflag:s9] =	ssyncset.done $0x0  }
0x12c: {  	[sflag:s9] =	ssyncadd.s32 $0xFFFFFF80  }
0x12d: {  	[tilespmem:s10], [sflag:$0x1] =	stream.indirect.gather [hbm4b:s1+s14], $0x80, s4, s14, $0xb8;
	[tilespmem:$0x1CD00] =	vst v63  }
0x12e: {  	_ =	swait.ge [sflag:s5], $0x2000  }
0x12f: {  	[sflag:s5] =	ssyncset.done $0x0  }
0x130: {  	[sflag:s5] =	ssyncadd.s32 $0xFFFFE000  }
0x131: {  	[spmem:s3] =	stream.indirect.scatter.add.f32 [tilespmem:s0], [sflag:$0x8], $0x80, s30, s14, $0xb8;
	[tilespmem:$0x1CD00] =	vst v63  }
0x132: {  	_ =	swait.ge [sflag:s8], $0x2000  }
.Ltmp3:
0x133: {  	[sflag:s8] =	ssyncset.done $0x0;
	(pc) =	sbr.rel .LBB2_2-.Ltmp3, $4  }
0x134: {  	s20 =	sadd.s32 $0x50, s11;
	[sflag:s8] =	ssyncadd.s32 $0xFFFFE000  }
0x135: {  	[tilespmem:s15], [sflag:$0xA] =	stream.linear.gather [hbm4b:s20+s4], $0x80, $0x38;
	[tilespmem:$0x1CD00] =	vst v63  }
0x136: {  	s6 =	sadd.s32 $0x40, s6;
	s20 =	sadd.s32 $0x50, s19  }
0x137: {  	[tilespmem:s16], [sflag:$0xA] =	stream.linear.gather [hbm4b:s20+s4], $0x80, $0x38;
	[tilespmem:$0x1CD00] =	vst v63  }
.LBB2_5:
0x138: {  	_ =	sfence.sel $0x180000  }
0x139: {  	[bflag:$0x0] =	sbarrier.arrive $0xFFFF  }
0x13a: {  	_ =	strace $0x9000004A  }
0x13b: {  	s0 =	stileid.u32;
	[bflag:$0x2] =	sbarrier.arrive $0xFFFF  }
0x13c: {  	p0 =	sne.s32 s0, $0x0;
	s0 =	rddreg [dreg:$0x4]  }
0x13d: {  	s0 =	sadd.s32 @!p0 $0x100000, s0  }
0x13e: {  	[sflag:s0] =	ssyncadd.tile.s32 @!p0 $0x1;
	_ =	shalt  }
.Lfunc_end2:
_tile_overlayer_lowered:
.L_overlay_start_2:
0x13f: {  	(tag) =	ssettag $0x2  }
0x140: {  	s0 =	rddreg [dreg:$0x0];
	s2 =	stileid.u32  }
0x141: {  	s1 =	rddreg [dreg:$0x1];
	p0 =	sne.s32 s2, $0x0  }
0x142: {  	s3 =	rddreg [dreg:$0x2];
	[bflag:$0x3] =	sbarrier.arrive $0xFFFF;
	s2 =	simm.s32 @!p0 $0x1C0D  }
0x143: {  	[timem:s3], [sflag:s2] =	dma.local @!p0 [hbm:s0], s1  }
0x144: {  	s0 =	simm.s32 @!p0 $0xD  }
0x145: {  	_ =	swait.ge @!p0 [sflag:s0], s1  }
0x146: {  	s1 =	ssub.s32 @!p0 $0x0, s1;
	[sflag:s0] =	ssyncset.done @!p0 $0x0  }
0x147: {  	[sflag:s0] =	ssyncadd.s32 @!p0 s1  }
0x148: {  	[bflag:$0x3] =	sbarrier.arrive $0xFFFF  }
0x149: {  	_ =	shalt  }

</sc_bundles>
